<compile_context>
chip_gen: v7x
topology: tpu7x:2x2x1
jax: 0.10.2.dev20260603
libtpu: 0.0.44.dev20260713+nightly
codegen_flags: <defaults>
</compile_context>

<pallas_src>
import functools

import jax
import jax.numpy as jnp
from jax import lax
from jax.experimental import pallas as pl
from jax.experimental.pallas import tpu as pltpu
from jax.experimental.pallas import tpu_sc as plsc


def kernel(id_indices, embeddings):
    (B,) = id_indices.shape
    V, D = embeddings.shape

    info = plsc.get_sparse_core_info()
    NC, NS, L = info.num_cores, info.num_subcores, info.num_lanes
    NW = NC * NS
    b_per_w = B // NW
    n_chunk = 16
    c_sz = b_per_w // n_chunk

    mesh = plsc.VectorSubcoreMesh(core_axis_name="c", subcore_axis_name="s")

    @functools.partial(
        pl.kernel,
        mesh=mesh,
        out_type=jax.ShapeDtypeStruct((B, D), jnp.float32),
        compiler_params=pltpu.CompilerParams(use_tc_tiling_on_sc=True),
        scratch_types=[
            pltpu.VMEM((b_per_w + L,), jnp.int32),
            pltpu.VMEM((b_per_w + L,), jnp.int32),
            pltpu.VMEM((c_sz * 8, D), jnp.float32),
            pltpu.VMEM((b_per_w, D), jnp.float32),
            pltpu.SemaphoreType.DMA,
        ],
    )
    def gather_kernel(tbl, idx_hbm, out_hbm, idx_v, r8_v, gat2, out_v, sem):
        c = lax.axis_index("c")
        s = lax.axis_index("s")
        w = s * NC + c
        base = w * b_per_w

        pltpu.sync_copy(idx_hbm.at[pl.ds(base, b_per_w)], idx_v.at[pl.ds(0, b_per_w)])

        def to_blocks(k, carry):
            v = idx_v[pl.ds(k * L, L)]
            r8_v[pl.ds(k * L, L)] = (v >> 3) * 8
            return carry

        lax.fori_loop(0, b_per_w // L, to_blocks, 0)

        lane = lax.iota(jnp.int32, L)

        for chunk in range(n_chunk):
            def issue(j, carry):
                r8 = pl.multiple_of(r8_v[pl.ds(chunk * c_sz + j, L)][0], 8)
                pltpu.make_async_copy(
                    tbl.at[pl.ds(r8, 8)],
                    gat2.at[pl.ds(j * 8, 8)],
                    sem,
                ).start()
                return carry

            lax.fori_loop(0, c_sz, issue, 0)

            def drain(j, carry):
                pltpu.make_async_copy(
                    tbl.at[pl.ds(0, 8)], gat2.at[pl.ds(j * 8, 8)], sem
                ).wait()
                return carry

            lax.fori_loop(0, c_sz, drain, 0)

            def pick(j, carry):
                jj = chunk * c_sz + j
                sub = idx_v[pl.ds(jj, L)][0] & 7
                row = j * 8 + sub
                for h in range(D // L):
                    out_v[jj, pl.ds(h * L, L)] = gat2[row, pl.ds(h * L, L)]
                return carry

            lax.fori_loop(0, c_sz, pick, 0)

        pltpu.sync_copy(out_v, out_hbm.at[pl.ds(base, b_per_w)])

    emb_t = embeddings[: (V // 8) * 8]
    return gather_kernel(emb_t, id_indices.astype(jnp.int32))

# --- scband reference (transcript-rebuilt; emitter-appended) ---
"""Pipeline reference for scband-iddictionary-18279380811803 (READ-ONLY COPY).

The authoritative reference and input builder live on the scoring server;
editing this copy changes nothing except your own understanding.
"""

import jax, jax.numpy as jnp
import numpy as np

NUM_IDS = 1000000
EMBED_DIM = 32
BATCH = 16384

def setup_inputs(seed: int = 0) -> dict:
    key = jax.random.key(seed)
    k1, k2 = jax.random.split(key)
    id_indices = jax.random.randint(k1, (BATCH,), 0, NUM_IDS, dtype=jnp.int64 if jax.config.jax_enable_x64 else jnp.int32)
    # embedding table: num_ids + 1 rows (last row is the newborn special token)
    embeddings = jax.random.normal(k2, (NUM_IDS + 1, EMBED_DIM), dtype=jnp.float32)
    return {"id_indices": id_indices, "embeddings": embeddings}

def reference(id_indices, embeddings):
    # get_id_embedding: id_indices [N] -> [N, C]
    return jnp.take(embeddings, id_indices, axis=0)

if __name__ == "__main__":
    import jax
    _d = setup_inputs()
    print(jax.jit(kernel)(*tuple(_d.values())))

</pallas_src>

<mosaic_0001>
#map = affine_map<(d0, d1) -> (0, 0)>
#map1 = affine_map<(d0, d1) -> (0)>
module attributes {stable_mosaic.version = 14 : i64} {
  func.func @gather_kernel(%arg0: i32, %arg1: i32, %arg2: memref<1000000x32xf32, #tpu.memory_space<hbm>>, %arg3: memref<16384xi32, #tpu.memory_space<hbm>>, %arg4: memref<16384x32xf32, #tpu.memory_space<hbm>>, %arg5: memref<528xi32, #tpu.memory_space<vmem>>, %arg6: memref<528xi32, #tpu.memory_space<vmem>>, %arg7: memref<256x32xf32, #tpu.memory_space<vmem>>, %arg8: memref<512x32xf32, #tpu.memory_space<vmem>>, %arg9: memref<!tpu.dma_semaphore, #tpu.memory_space<semaphore_mem>>) attributes {dimension_semantics = [#tpu.dimension_semantics<core_parallel>, #tpu.dimension_semantics<subcore_parallel>], iteration_bounds = array<i64: 2, 16>, scalar_prefetch = 0 : i64, scratch_operands = 5 : i64, tpu.core_type = #tpu.core_type<sc_vector_subcore>, window_params = [{transform_indices = #map}, {transform_indices = #map1}, {transform_indices = #map}]} {
    %mul3A = arith.constant 2 : i32
    %mul3A_0 = arith.muli %arg1, %mul3A : i32
    %add3A = arith.addi %mul3A_0, %arg0 : i32
    %mul3A_1 = arith.constant 512 : i32
    %mul3A_2 = arith.muli %add3A, %mul3A_1 : i32
    "tpu.region"() ({
      %run_scoped3A = tpu.sem_alloc : memref<!tpu.dma_semaphore, #tpu.memory_space<semaphore_mem>>
      %dma_start3A = arith.constant 0 : i32
      %dma_start3A_296 = tpu.memref_slice %arg5[%dma_start3A] : memref<528xi32, #tpu.memory_space<vmem>> -> memref<512xi32, #tpu.memory_space<vmem>>
      %dma_start3A_297 = tpu.memref_slice %arg3[%mul3A_2] : memref<16384xi32, #tpu.memory_space<hbm>> -> memref<512xi32, #tpu.memory_space<hbm>>
      %dma_start3A_298 = arith.constant 0 : i32
      %dma_start3A_299 = tpu.memref_slice %arg5[%dma_start3A_298] : memref<528xi32, #tpu.memory_space<vmem>> -> memref<512xi32, #tpu.memory_space<vmem>>
      %dma_start3A_300 = tpu.memref_slice %arg3[%mul3A_2] : memref<16384xi32, #tpu.memory_space<hbm>> -> memref<512xi32, #tpu.memory_space<hbm>>
      tpu.enqueue_dma source(%dma_start3A_300 : memref<512xi32, #tpu.memory_space<hbm>>) target(%dma_start3A_299 : memref<512xi32, #tpu.memory_space<vmem>>) target_semaphore(%run_scoped3A : memref<!tpu.dma_semaphore, #tpu.memory_space<semaphore_mem>>)
      %dma_wait3A = arith.constant 0 : i32
      %dma_wait3A_301 = tpu.memref_slice %arg5[%dma_wait3A] : memref<528xi32, #tpu.memory_space<vmem>> -> memref<512xi32, #tpu.memory_space<vmem>>
      %dma_wait3A_302 = tpu.memref_slice %arg3[%mul3A_2] : memref<16384xi32, #tpu.memory_space<hbm>> -> memref<512xi32, #tpu.memory_space<hbm>>
      %dma_wait3A_303 = arith.constant 0 : i32
      %dma_wait3A_304 = tpu.memref_slice %arg5[%dma_wait3A_303] : memref<528xi32, #tpu.memory_space<vmem>> -> memref<512xi32, #tpu.memory_space<vmem>>
      %dma_wait3A_305 = tpu.memref_slice %arg3[%mul3A_2] : memref<16384xi32, #tpu.memory_space<hbm>> -> memref<512xi32, #tpu.memory_space<hbm>>
      tpu.wait_dma2 semaphore(%run_scoped3A : memref<!tpu.dma_semaphore, #tpu.memory_space<semaphore_mem>>) src(%dma_wait3A_305 : memref<512xi32, #tpu.memory_space<hbm>>) dst(%dma_wait3A_304 : memref<512xi32, #tpu.memory_space<vmem>>)
      tpu.yield
    }) : () -> ()
    %scan3A = arith.constant 0 : i32
    %scan3A_3 = arith.constant 0 : i32
    %scan3A_4 = arith.constant 32 : i32
    %scan3A_5 = arith.addi %scan3A_3, %scan3A_4 : i32
    %scan3A_6 = arith.constant 1 : i32
    scf.for %scan3A_296 = %scan3A_3 to %scan3A_5 step %scan3A_6  : i32 {
      %mul3A_297 = arith.constant 16 : i32
      %mul3A_298 = arith.muli %scan3A_296, %mul3A_297 : i32
      %get3A = arith.index_cast %mul3A_298 : i32 to index
      %get3A_299 = tpu.vector_load %arg5[%get3A] {strides = array<i32>} : memref<528xi32, #tpu.memory_space<vmem>>, vector<16xi32>,
      %get3A_300 = vector.shape_cast %get3A_299 : vector<16xi32> to vector<16xi32>
      %shift_right_arithmetic3A = arith.constant 3 : i32
      %shift_right_arithmetic3A_301 = vector.broadcast %shift_right_arithmetic3A : i32 to vector<16xi32>
      %shift_right_arithmetic3A_302 = arith.shrsi %get3A_300, %shift_right_arithmetic3A_301 : vector<16xi32>
      %mul3A_303 = arith.constant 8 : i32
      %mul3A_304 = vector.broadcast %mul3A_303 : i32 to vector<16xi32>
      %mul3A_305 = arith.muli %shift_right_arithmetic3A_302, %mul3A_304 : vector<16xi32>
      %mul3A_306 = arith.constant 16 : i32
      %mul3A_307 = arith.muli %scan3A_296, %mul3A_306 : i32
      %swap3A = arith.index_cast %mul3A_307 : i32 to index
      %swap3A_308 = tpu.vector_load %arg6[%swap3A] {strides = array<i32>} : memref<528xi32, #tpu.memory_space<vmem>>, vector<16xi32>,
      %swap3A_309 = vector.shape_cast %swap3A_308 : vector<16xi32> to vector<16xi32>
      %swap3A_310 = vector.shape_cast %mul3A_305 : vector<16xi32> to vector<16xi32>
      tpu.vector_store %arg6[%swap3A], %swap3A_310 {strides = array<i32>} : memref<528xi32, #tpu.memory_space<vmem>>, vector<16xi32>,
    }
    %scan3A_7 = arith.constant 32 : i32
    %iota3A = tpu.iota {dimensions = array<i32: 0>} : vector<16xi32>
    %scan3A_8 = arith.constant 0 : i32
    %scan3A_9 = arith.constant 0 : i32
    %scan3A_10 = arith.constant 32 : i32
    %scan3A_11 = arith.addi %scan3A_9, %scan3A_10 : i32
    %scan3A_12 = arith.constant 1 : i32
    scf.for %scan3A_296 = %scan3A_9 to %scan3A_11 step %scan3A_12  : i32 {
      %add3A_297 = arith.constant 0 : i32
      %add3A_298 = arith.addi %add3A_297, %scan3A_296 : i32
      %get3A = arith.index_cast %add3A_298 : i32 to index
      %get3A_299 = tpu.vector_load %arg6[%get3A] {strides = array<i32>} : memref<528xi32, #tpu.memory_space<vmem>>, vector<16xi32>,
      %get3A_300 = vector.shape_cast %get3A_299 : vector<16xi32> to vector<16xi32>
      %slice3A = vector.extract_strided_slice %get3A_300 {offsets = [0], sizes = [1], strides = [1]} : vector<16xi32> to vector<1xi32>
      %squeeze3A = vector.extract %slice3A[0] : i32 from vector<1xi32>
      %multiple_of3A = tpu.assume_multiple %squeeze3A, 8 : i32
      %mul3A_301 = arith.constant 8 : i32
      %mul3A_302 = arith.muli %scan3A_296, %mul3A_301 : i32
      %dma_start3A = arith.constant 0 : i32
      %dma_start3A_303 = tpu.memref_slice %arg7[%mul3A_302, %dma_start3A] : memref<256x32xf32, #tpu.memory_space<vmem>> -> memref<8x32xf32, #tpu.memory_space<vmem>>
      %dma_start3A_304 = arith.constant 0 : i32
      %dma_start3A_305 = tpu.memref_slice %arg2[%multiple_of3A, %dma_start3A_304] : memref<1000000x32xf32, #tpu.memory_space<hbm>> -> memref<8x32xf32, #tpu.memory_space<hbm>>
      %dma_start3A_306 = arith.constant 0 : i32
      %dma_start3A_307 = tpu.memref_slice %arg7[%mul3A_302, %dma_start3A_306] : memref<256x32xf32, #tpu.memory_space<vmem>> -> memref<8x32xf32, #tpu.memory_space<vmem>>
      %dma_start3A_308 = arith.constant 0 : i32
      %dma_start3A_309 = tpu.memref_slice %arg2[%multiple_of3A, %dma_start3A_308] : memref<1000000x32xf32, #tpu.memory_space<hbm>> -> memref<8x32xf32, #tpu.memory_space<hbm>>
      tpu.enqueue_dma source(%dma_start3A_309 : memref<8x32xf32, #tpu.memory_space<hbm>>) target(%dma_start3A_307 : memref<8x32xf32, #tpu.memory_space<vmem>>) target_semaphore(%arg9 : memref<!tpu.dma_semaphore, #tpu.memory_space<semaphore_mem>>)
    }
    %scan3A_13 = arith.constant 32 : i32
    %scan3A_14 = arith.constant 0 : i32
    %scan3A_15 = arith.constant 0 : i32
    %scan3A_16 = arith.constant 32 : i32
    %scan3A_17 = arith.addi %scan3A_15, %scan3A_16 : i32
    %scan3A_18 = arith.constant 1 : i32
    scf.for %scan3A_296 = %scan3A_15 to %scan3A_17 step %scan3A_18  : i32 {
      %mul3A_297 = arith.constant 8 : i32
      %mul3A_298 = arith.muli %scan3A_296, %mul3A_297 : i32
      %dma_wait3A = arith.constant 0 : i32
      %dma_wait3A_299 = tpu.memref_slice %arg7[%mul3A_298, %dma_wait3A] : memref<256x32xf32, #tpu.memory_space<vmem>> -> memref<8x32xf32, #tpu.memory_space<vmem>>
      %dma_wait3A_300 = arith.constant 0 : i32
      %dma_wait3A_301 = arith.constant 0 : i32
      %dma_wait3A_302 = tpu.memref_slice %arg2[%dma_wait3A_300, %dma_wait3A_301] : memref<1000000x32xf32, #tpu.memory_space<hbm>> -> memref<8x32xf32, #tpu.memory_space<hbm>>
      %dma_wait3A_303 = arith.constant 0 : i32
      %dma_wait3A_304 = tpu.memref_slice %arg7[%mul3A_298, %dma_wait3A_303] : memref<256x32xf32, #tpu.memory_space<vmem>> -> memref<8x32xf32, #tpu.memory_space<vmem>>
      %dma_wait3A_305 = arith.constant 0 : i32
      %dma_wait3A_306 = arith.constant 0 : i32
      %dma_wait3A_307 = tpu.memref_slice %arg2[%dma_wait3A_305, %dma_wait3A_306] : memref<1000000x32xf32, #tpu.memory_space<hbm>> -> memref<8x32xf32, #tpu.memory_space<hbm>>
      tpu.wait_dma2 semaphore(%arg9 : memref<!tpu.dma_semaphore, #tpu.memory_space<semaphore_mem>>) src(%dma_wait3A_307 : memref<8x32xf32, #tpu.memory_space<hbm>>) dst(%dma_wait3A_304 : memref<8x32xf32, #tpu.memory_space<vmem>>)
    }
    %scan3A_19 = arith.constant 32 : i32
    %scan3A_20 = arith.constant 0 : i32
    %scan3A_21 = arith.constant 0 : i32
    %scan3A_22 = arith.constant 32 : i32
    %scan3A_23 = arith.addi %scan3A_21, %scan3A_22 : i32
    %scan3A_24 = arith.constant 1 : i32
    scf.for %scan3A_296 = %scan3A_21 to %scan3A_23 step %scan3A_24  : i32 {
      %add3A_297 = arith.constant 0 : i32
      %add3A_298 = arith.addi %add3A_297, %scan3A_296 : i32
      %get3A = arith.index_cast %add3A_298 : i32 to index
      %get3A_299 = tpu.vector_load %arg5[%get3A] {strides = array<i32>} : memref<528xi32, #tpu.memory_space<vmem>>, vector<16xi32>,
      %get3A_300 = vector.shape_cast %get3A_299 : vector<16xi32> to vector<16xi32>
      %slice3A = vector.extract_strided_slice %get3A_300 {offsets = [0], sizes = [1], strides = [1]} : vector<16xi32> to vector<1xi32>
      %squeeze3A = vector.extract %slice3A[0] : i32 from vector<1xi32>
      %and3A = arith.constant 7 : i32
      %and3A_301 = arith.andi %squeeze3A, %and3A : i32
      %mul3A_302 = arith.constant 8 : i32
      %mul3A_303 = arith.muli %scan3A_296, %mul3A_302 : i32
      %add3A_304 = arith.addi %mul3A_303, %and3A_301 : i32
      %get3A_305 = arith.index_cast %add3A_304 : i32 to index
      %get3A_306 = arith.constant 0 : index
      %get3A_307 = tpu.vector_load %arg7[%get3A_305, %get3A_306] {strides = array<i32>} : memref<256x32xf32, #tpu.memory_space<vmem>>, vector<1x16xf32>,
      %get3A_308 = vector.shape_cast %get3A_307 : vector<1x16xf32> to vector<16xf32>
      %swap3A = arith.index_cast %add3A_298 : i32 to index
      %swap3A_309 = arith.constant 0 : index
      %swap3A_310 = tpu.vector_load %arg8[%swap3A, %swap3A_309] {strides = array<i32>} : memref<512x32xf32, #tpu.memory_space<vmem>>, vector<1x16xf32>,
      %swap3A_311 = vector.shape_cast %swap3A_310 : vector<1x16xf32> to vector<16xf32>
      %swap3A_312 = vector.shape_cast %get3A_308 : vector<16xf32> to vector<1x16xf32>
      tpu.vector_store %arg8[%swap3A, %swap3A_309], %swap3A_312 {strides = array<i32>} : memref<512x32xf32, #tpu.memory_space<vmem>>, vector<1x16xf32>,
      %get3A_313 = arith.index_cast %add3A_304 : i32 to index
      %get3A_314 = arith.constant 16 : index
      %get3A_315 = tpu.vector_load %arg7[%get3A_313, %get3A_314] {strides = array<i32>} : memref<256x32xf32, #tpu.memory_space<vmem>>, vector<1x16xf32>,
      %get3A_316 = vector.shape_cast %get3A_315 : vector<1x16xf32> to vector<16xf32>
      %swap3A_317 = arith.index_cast %add3A_298 : i32 to index
      %swap3A_318 = arith.constant 16 : index
      %swap3A_319 = tpu.vector_load %arg8[%swap3A_317, %swap3A_318] {strides = array<i32>} : memref<512x32xf32, #tpu.memory_space<vmem>>, vector<1x16xf32>,
      %swap3A_320 = vector.shape_cast %swap3A_319 : vector<1x16xf32> to vector<16xf32>
      %swap3A_321 = vector.shape_cast %get3A_316 : vector<16xf32> to vector<1x16xf32>
      tpu.vector_store %arg8[%swap3A_317, %swap3A_318], %swap3A_321 {strides = array<i32>} : memref<512x32xf32, #tpu.memory_space<vmem>>, vector<1x16xf32>,
    }
    %scan3A_25 = arith.constant 32 : i32
    %scan3A_26 = arith.constant 0 : i32
    %scan3A_27 = arith.constant 0 : i32
    %scan3A_28 = arith.constant 32 : i32
    %scan3A_29 = arith.addi %scan3A_27, %scan3A_28 : i32
    %scan3A_30 = arith.constant 1 : i32
    scf.for %scan3A_296 = %scan3A_27 to %scan3A_29 step %scan3A_30  : i32 {
      %add3A_297 = arith.constant 32 : i32
      %add3A_298 = arith.addi %add3A_297, %scan3A_296 : i32
      %get3A = arith.index_cast %add3A_298 : i32 to index
      %get3A_299 = tpu.vector_load %arg6[%get3A] {strides = array<i32>} : memref<528xi32, #tpu.memory_space<vmem>>, vector<16xi32>,
      %get3A_300 = vector.shape_cast %get3A_299 : vector<16xi32> to vector<16xi32>
      %slice3A = vector.extract_strided_slice %get3A_300 {offsets = [0], sizes = [1], strides = [1]} : vector<16xi32> to vector<1xi32>
      %squeeze3A = vector.extract %slice3A[0] : i32 from vector<1xi32>
      %multiple_of3A = tpu.assume_multiple %squeeze3A, 8 : i32
      %mul3A_301 = arith.constant 8 : i32
      %mul3A_302 = arith.muli %scan3A_296, %mul3A_301 : i32
      %dma_start3A = arith.constant 0 : i32
      %dma_start3A_303 = tpu.memref_slice %arg7[%mul3A_302, %dma_start3A] : memref<256x32xf32, #tpu.memory_space<vmem>> -> memref<8x32xf32, #tpu.memory_space<vmem>>
      %dma_start3A_304 = arith.constant 0 : i32
      %dma_start3A_305 = tpu.memref_slice %arg2[%multiple_of3A, %dma_start3A_304] : memref<1000000x32xf32, #tpu.memory_space<hbm>> -> memref<8x32xf32, #tpu.memory_space<hbm>>
      %dma_start3A_306 = arith.constant 0 : i32
      %dma_start3A_307 = tpu.memref_slice %arg7[%mul3A_302, %dma_start3A_306] : memref<256x32xf32, #tpu.memory_space<vmem>> -> memref<8x32xf32, #tpu.memory_space<vmem>>
      %dma_start3A_308 = arith.constant 0 : i32
      %dma_start3A_309 = tpu.memref_slice %arg2[%multiple_of3A, %dma_start3A_308] : memref<1000000x32xf32, #tpu.memory_space<hbm>> -> memref<8x32xf32, #tpu.memory_space<hbm>>
      tpu.enqueue_dma source(%dma_start3A_309 : memref<8x32xf32, #tpu.memory_space<hbm>>) target(%dma_start3A_307 : memref<8x32xf32, #tpu.memory_space<vmem>>) target_semaphore(%arg9 : memref<!tpu.dma_semaphore, #tpu.memory_space<semaphore_mem>>)
    }
    %scan3A_31 = arith.constant 32 : i32
    %scan3A_32 = arith.constant 0 : i32
    %scan3A_33 = arith.constant 0 : i32
    %scan3A_34 = arith.constant 32 : i32
    %scan3A_35 = arith.addi %scan3A_33, %scan3A_34 : i32
    %scan3A_36 = arith.constant 1 : i32
    scf.for %scan3A_296 = %scan3A_33 to %scan3A_35 step %scan3A_36  : i32 {
      %mul3A_297 = arith.constant 8 : i32
      %mul3A_298 = arith.muli %scan3A_296, %mul3A_297 : i32
      %dma_wait3A = arith.constant 0 : i32
      %dma_wait3A_299 = tpu.memref_slice %arg7[%mul3A_298, %dma_wait3A] : memref<256x32xf32, #tpu.memory_space<vmem>> -> memref<8x32xf32, #tpu.memory_space<vmem>>
      %dma_wait3A_300 = arith.constant 0 : i32
      %dma_wait3A_301 = arith.constant 0 : i32
      %dma_wait3A_302 = tpu.memref_slice %arg2[%dma_wait3A_300, %dma_wait3A_301] : memref<1000000x32xf32, #tpu.memory_space<hbm>> -> memref<8x32xf32, #tpu.memory_space<hbm>>
      %dma_wait3A_303 = arith.constant 0 : i32
      %dma_wait3A_304 = tpu.memref_slice %arg7[%mul3A_298, %dma_wait3A_303] : memref<256x32xf32, #tpu.memory_space<vmem>> -> memref<8x32xf32, #tpu.memory_space<vmem>>
      %dma_wait3A_305 = arith.constant 0 : i32
      %dma_wait3A_306 = arith.constant 0 : i32
      %dma_wait3A_307 = tpu.memref_slice %arg2[%dma_wait3A_305, %dma_wait3A_306] : memref<1000000x32xf32, #tpu.memory_space<hbm>> -> memref<8x32xf32, #tpu.memory_space<hbm>>
      tpu.wait_dma2 semaphore(%arg9 : memref<!tpu.dma_semaphore, #tpu.memory_space<semaphore_mem>>) src(%dma_wait3A_307 : memref<8x32xf32, #tpu.memory_space<hbm>>) dst(%dma_wait3A_304 : memref<8x32xf32, #tpu.memory_space<vmem>>)
    }
    %scan3A_37 = arith.constant 32 : i32
    %scan3A_38 = arith.constant 0 : i32
    %scan3A_39 = arith.constant 0 : i32
    %scan3A_40 = arith.constant 32 : i32
    %scan3A_41 = arith.addi %scan3A_39, %scan3A_40 : i32
    %scan3A_42 = arith.constant 1 : i32
    scf.for %scan3A_296 = %scan3A_39 to %scan3A_41 step %scan3A_42  : i32 {
      %add3A_297 = arith.constant 32 : i32
      %add3A_298 = arith.addi %add3A_297, %scan3A_296 : i32
      %get3A = arith.index_cast %add3A_298 : i32 to index
      %get3A_299 = tpu.vector_load %arg5[%get3A] {strides = array<i32>} : memref<528xi32, #tpu.memory_space<vmem>>, vector<16xi32>,
      %get3A_300 = vector.shape_cast %get3A_299 : vector<16xi32> to vector<16xi32>
      %slice3A = vector.extract_strided_slice %get3A_300 {offsets = [0], sizes = [1], strides = [1]} : vector<16xi32> to vector<1xi32>
      %squeeze3A = vector.extract %slice3A[0] : i32 from vector<1xi32>
      %and3A = arith.constant 7 : i32
      %and3A_301 = arith.andi %squeeze3A, %and3A : i32
      %mul3A_302 = arith.constant 8 : i32
      %mul3A_303 = arith.muli %scan3A_296, %mul3A_302 : i32
      %add3A_304 = arith.addi %mul3A_303, %and3A_301 : i32
      %get3A_305 = arith.index_cast %add3A_304 : i32 to index
      %get3A_306 = arith.constant 0 : index
      %get3A_307 = tpu.vector_load %arg7[%get3A_305, %get3A_306] {strides = array<i32>} : memref<256x32xf32, #tpu.memory_space<vmem>>, vector<1x16xf32>,
      %get3A_308 = vector.shape_cast %get3A_307 : vector<1x16xf32> to vector<16xf32>
      %swap3A = arith.index_cast %add3A_298 : i32 to index
      %swap3A_309 = arith.constant 0 : index
      %swap3A_310 = tpu.vector_load %arg8[%swap3A, %swap3A_309] {strides = array<i32>} : memref<512x32xf32, #tpu.memory_space<vmem>>, vector<1x16xf32>,
      %swap3A_311 = vector.shape_cast %swap3A_310 : vector<1x16xf32> to vector<16xf32>
      %swap3A_312 = vector.shape_cast %get3A_308 : vector<16xf32> to vector<1x16xf32>
      tpu.vector_store %arg8[%swap3A, %swap3A_309], %swap3A_312 {strides = array<i32>} : memref<512x32xf32, #tpu.memory_space<vmem>>, vector<1x16xf32>,
      %get3A_313 = arith.index_cast %add3A_304 : i32 to index
      %get3A_314 = arith.constant 16 : index
      %get3A_315 = tpu.vector_load %arg7[%get3A_313, %get3A_314] {strides = array<i32>} : memref<256x32xf32, #tpu.memory_space<vmem>>, vector<1x16xf32>,
      %get3A_316 = vector.shape_cast %get3A_315 : vector<1x16xf32> to vector<16xf32>
      %swap3A_317 = arith.index_cast %add3A_298 : i32 to index
      %swap3A_318 = arith.constant 16 : index
      %swap3A_319 = tpu.vector_load %arg8[%swap3A_317, %swap3A_318] {strides = array<i32>} : memref<512x32xf32, #tpu.memory_space<vmem>>, vector<1x16xf32>,
      %swap3A_320 = vector.shape_cast %swap3A_319 : vector<1x16xf32> to vector<16xf32>
      %swap3A_321 = vector.shape_cast %get3A_316 : vector<16xf32> to vector<1x16xf32>
      tpu.vector_store %arg8[%swap3A_317, %swap3A_318], %swap3A_321 {strides = array<i32>} : memref<512x32xf32, #tpu.memory_space<vmem>>, vector<1x16xf32>,
    }
    %scan3A_43 = arith.constant 32 : i32
    %scan3A_44 = arith.constant 0 : i32
    %scan3A_45 = arith.constant 0 : i32
    %scan3A_46 = arith.constant 32 : i32
    %scan3A_47 = arith.addi %scan3A_45, %scan3A_46 : i32
    %scan3A_48 = arith.constant 1 : i32
    scf.for %scan3A_296 = %scan3A_45 to %scan3A_47 step %scan3A_48  : i32 {
      %add3A_297 = arith.constant 64 : i32
      %add3A_298 = arith.addi %add3A_297, %scan3A_296 : i32
      %get3A = arith.index_cast %add3A_298 : i32 to index
      %get3A_299 = tpu.vector_load %arg6[%get3A] {strides = array<i32>} : memref<528xi32, #tpu.memory_space<vmem>>, vector<16xi32>,
      %get3A_300 = vector.shape_cast %get3A_299 : vector<16xi32> to vector<16xi32>
      %slice3A = vector.extract_strided_slice %get3A_300 {offsets = [0], sizes = [1], strides = [1]} : vector<16xi32> to vector<1xi32>
      %squeeze3A = vector.extract %slice3A[0] : i32 from vector<1xi32>
      %multiple_of3A = tpu.assume_multiple %squeeze3A, 8 : i32
      %mul3A_301 = arith.constant 8 : i32
      %mul3A_302 = arith.muli %scan3A_296, %mul3A_301 : i32
      %dma_start3A = arith.constant 0 : i32
      %dma_start3A_303 = tpu.memref_slice %arg7[%mul3A_302, %dma_start3A] : memref<256x32xf32, #tpu.memory_space<vmem>> -> memref<8x32xf32, #tpu.memory_space<vmem>>
      %dma_start3A_304 = arith.constant 0 : i32
      %dma_start3A_305 = tpu.memref_slice %arg2[%multiple_of3A, %dma_start3A_304] : memref<1000000x32xf32, #tpu.memory_space<hbm>> -> memref<8x32xf32, #tpu.memory_space<hbm>>
      %dma_start3A_306 = arith.constant 0 : i32
      %dma_start3A_307 = tpu.memref_slice %arg7[%mul3A_302, %dma_start3A_306] : memref<256x32xf32, #tpu.memory_space<vmem>> -> memref<8x32xf32, #tpu.memory_space<vmem>>
      %dma_start3A_308 = arith.constant 0 : i32
      %dma_start3A_309 = tpu.memref_slice %arg2[%multiple_of3A, %dma_start3A_308] : memref<1000000x32xf32, #tpu.memory_space<hbm>> -> memref<8x32xf32, #tpu.memory_space<hbm>>
      tpu.enqueue_dma source(%dma_start3A_309 : memref<8x32xf32, #tpu.memory_space<hbm>>) target(%dma_start3A_307 : memref<8x32xf32, #tpu.memory_space<vmem>>) target_semaphore(%arg9 : memref<!tpu.dma_semaphore, #tpu.memory_space<semaphore_mem>>)
    }
    %scan3A_49 = arith.constant 32 : i32
    %scan3A_50 = arith.constant 0 : i32
    %scan3A_51 = arith.constant 0 : i32
    %scan3A_52 = arith.constant 32 : i32
    %scan3A_53 = arith.addi %scan3A_51, %scan3A_52 : i32
    %scan3A_54 = arith.constant 1 : i32
    scf.for %scan3A_296 = %scan3A_51 to %scan3A_53 step %scan3A_54  : i32 {
      %mul3A_297 = arith.constant 8 : i32
      %mul3A_298 = arith.muli %scan3A_296, %mul3A_297 : i32
      %dma_wait3A = arith.constant 0 : i32
      %dma_wait3A_299 = tpu.memref_slice %arg7[%mul3A_298, %dma_wait3A] : memref<256x32xf32, #tpu.memory_space<vmem>> -> memref<8x32xf32, #tpu.memory_space<vmem>>
      %dma_wait3A_300 = arith.constant 0 : i32
      %dma_wait3A_301 = arith.constant 0 : i32
      %dma_wait3A_302 = tpu.memref_slice %arg2[%dma_wait3A_300, %dma_wait3A_301] : memref<1000000x32xf32, #tpu.memory_space<hbm>> -> memref<8x32xf32, #tpu.memory_space<hbm>>
      %dma_wait3A_303 = arith.constant 0 : i32
      %dma_wait3A_304 = tpu.memref_slice %arg7[%mul3A_298, %dma_wait3A_303] : memref<256x32xf32, #tpu.memory_space<vmem>> -> memref<8x32xf32, #tpu.memory_space<vmem>>
      %dma_wait3A_305 = arith.constant 0 : i32
      %dma_wait3A_306 = arith.constant 0 : i32
      %dma_wait3A_307 = tpu.memref_slice %arg2[%dma_wait3A_305, %dma_wait3A_306] : memref<1000000x32xf32, #tpu.memory_space<hbm>> -> memref<8x32xf32, #tpu.memory_space<hbm>>
      tpu.wait_dma2 semaphore(%arg9 : memref<!tpu.dma_semaphore, #tpu.memory_space<semaphore_mem>>) src(%dma_wait3A_307 : memref<8x32xf32, #tpu.memory_space<hbm>>) dst(%dma_wait3A_304 : memref<8x32xf32, #tpu.memory_space<vmem>>)
    }
    %scan3A_55 = arith.constant 32 : i32
    %scan3A_56 = arith.constant 0 : i32
    %scan3A_57 = arith.constant 0 : i32
    %scan3A_58 = arith.constant 32 : i32
    %scan3A_59 = arith.addi %scan3A_57, %scan3A_58 : i32
    %scan3A_60 = arith.constant 1 : i32
    scf.for %scan3A_296 = %scan3A_57 to %scan3A_59 step %scan3A_60  : i32 {
      %add3A_297 = arith.constant 64 : i32
      %add3A_298 = arith.addi %add3A_297, %scan3A_296 : i32
      %get3A = arith.index_cast %add3A_298 : i32 to index
      %get3A_299 = tpu.vector_load %arg5[%get3A] {strides = array<i32>} : memref<528xi32, #tpu.memory_space<vmem>>, vector<16xi32>,
      %get3A_300 = vector.shape_cast %get3A_299 : vector<16xi32> to vector<16xi32>
      %slice3A = vector.extract_strided_slice %get3A_300 {offsets = [0], sizes = [1], strides = [1]} : vector<16xi32> to vector<1xi32>
      %squeeze3A = vector.extract %slice3A[0] : i32 from vector<1xi32>
      %and3A = arith.constant 7 : i32
      %and3A_301 = arith.andi %squeeze3A, %and3A : i32
      %mul3A_302 = arith.constant 8 : i32
      %mul3A_303 = arith.muli %scan3A_296, %mul3A_302 : i32
      %add3A_304 = arith.addi %mul3A_303, %and3A_301 : i32
      %get3A_305 = arith.index_cast %add3A_304 : i32 to index
      %get3A_306 = arith.constant 0 : index
      %get3A_307 = tpu.vector_load %arg7[%get3A_305, %get3A_306] {strides = array<i32>} : memref<256x32xf32, #tpu.memory_space<vmem>>, vector<1x16xf32>,
      %get3A_308 = vector.shape_cast %get3A_307 : vector<1x16xf32> to vector<16xf32>
      %swap3A = arith.index_cast %add3A_298 : i32 to index
      %swap3A_309 = arith.constant 0 : index
      %swap3A_310 = tpu.vector_load %arg8[%swap3A, %swap3A_309] {strides = array<i32>} : memref<512x32xf32, #tpu.memory_space<vmem>>, vector<1x16xf32>,
      %swap3A_311 = vector.shape_cast %swap3A_310 : vector<1x16xf32> to vector<16xf32>
      %swap3A_312 = vector.shape_cast %get3A_308 : vector<16xf32> to vector<1x16xf32>
      tpu.vector_store %arg8[%swap3A, %swap3A_309], %swap3A_312 {strides = array<i32>} : memref<512x32xf32, #tpu.memory_space<vmem>>, vector<1x16xf32>,
      %get3A_313 = arith.index_cast %add3A_304 : i32 to index
      %get3A_314 = arith.constant 16 : index
      %get3A_315 = tpu.vector_load %arg7[%get3A_313, %get3A_314] {strides = array<i32>} : memref<256x32xf32, #tpu.memory_space<vmem>>, vector<1x16xf32>,
      %get3A_316 = vector.shape_cast %get3A_315 : vector<1x16xf32> to vector<16xf32>
      %swap3A_317 = arith.index_cast %add3A_298 : i32 to index
      %swap3A_318 = arith.constant 16 : index
      %swap3A_319 = tpu.vector_load %arg8[%swap3A_317, %swap3A_318] {strides = array<i32>} : memref<512x32xf32, #tpu.memory_space<vmem>>, vector<1x16xf32>,
      %swap3A_320 = vector.shape_cast %swap3A_319 : vector<1x16xf32> to vector<16xf32>
      %swap3A_321 = vector.shape_cast %get3A_316 : vector<16xf32> to vector<1x16xf32>
      tpu.vector_store %arg8[%swap3A_317, %swap3A_318], %swap3A_321 {strides = array<i32>} : memref<512x32xf32, #tpu.memory_space<vmem>>, vector<1x16xf32>,
    }
    %scan3A_61 = arith.constant 32 : i32
    %scan3A_62 = arith.constant 0 : i32
    %scan3A_63 = arith.constant 0 : i32
    %scan3A_64 = arith.constant 32 : i32
    %scan3A_65 = arith.addi %scan3A_63, %scan3A_64 : i32
    %scan3A_66 = arith.constant 1 : i32
    scf.for %scan3A_296 = %scan3A_63 to %scan3A_65 step %scan3A_66  : i32 {
      %add3A_297 = arith.constant 96 : i32
      %add3A_298 = arith.addi %add3A_297, %scan3A_296 : i32
      %get3A = arith.index_cast %add3A_298 : i32 to index
      %get3A_299 = tpu.vector_load %arg6[%get3A] {strides = array<i32>} : memref<528xi32, #tpu.memory_space<vmem>>, vector<16xi32>,
      %get3A_300 = vector.shape_cast %get3A_299 : vector<16xi32> to vector<16xi32>
      %slice3A = vector.extract_strided_slice %get3A_300 {offsets = [0], sizes = [1], strides = [1]} : vector<16xi32> to vector<1xi32>
      %squeeze3A = vector.extract %slice3A[0] : i32 from vector<1xi32>
      %multiple_of3A = tpu.assume_multiple %squeeze3A, 8 : i32
      %mul3A_301 = arith.constant 8 : i32
      %mul3A_302 = arith.muli %scan3A_296, %mul3A_301 : i32
      %dma_start3A = arith.constant 0 : i32
      %dma_start3A_303 = tpu.memref_slice %arg7[%mul3A_302, %dma_start3A] : memref<256x32xf32, #tpu.memory_space<vmem>> -> memref<8x32xf32, #tpu.memory_space<vmem>>
      %dma_start3A_304 = arith.constant 0 : i32
      %dma_start3A_305 = tpu.memref_slice %arg2[%multiple_of3A, %dma_start3A_304] : memref<1000000x32xf32, #tpu.memory_space<hbm>> -> memref<8x32xf32, #tpu.memory_space<hbm>>
      %dma_start3A_306 = arith.constant 0 : i32
      %dma_start3A_307 = tpu.memref_slice %arg7[%mul3A_302, %dma_start3A_306] : memref<256x32xf32, #tpu.memory_space<vmem>> -> memref<8x32xf32, #tpu.memory_space<vmem>>
      %dma_start3A_308 = arith.constant 0 : i32
      %dma_start3A_309 = tpu.memref_slice %arg2[%multiple_of3A, %dma_start3A_308] : memref<1000000x32xf32, #tpu.memory_space<hbm>> -> memref<8x32xf32, #tpu.memory_space<hbm>>
      tpu.enqueue_dma source(%dma_start3A_309 : memref<8x32xf32, #tpu.memory_space<hbm>>) target(%dma_start3A_307 : memref<8x32xf32, #tpu.memory_space<vmem>>) target_semaphore(%arg9 : memref<!tpu.dma_semaphore, #tpu.memory_space<semaphore_mem>>)
    }
    %scan3A_67 = arith.constant 32 : i32
    %scan3A_68 = arith.constant 0 : i32
    %scan3A_69 = arith.constant 0 : i32
    %scan3A_70 = arith.constant 32 : i32
    %scan3A_71 = arith.addi %scan3A_69, %scan3A_70 : i32
    %scan3A_72 = arith.constant 1 : i32
    scf.for %scan3A_296 = %scan3A_69 to %scan3A_71 step %scan3A_72  : i32 {
      %mul3A_297 = arith.constant 8 : i32
      %mul3A_298 = arith.muli %scan3A_296, %mul3A_297 : i32
      %dma_wait3A = arith.constant 0 : i32
      %dma_wait3A_299 = tpu.memref_slice %arg7[%mul3A_298, %dma_wait3A] : memref<256x32xf32, #tpu.memory_space<vmem>> -> memref<8x32xf32, #tpu.memory_space<vmem>>
      %dma_wait3A_300 = arith.constant 0 : i32
      %dma_wait3A_301 = arith.constant 0 : i32
      %dma_wait3A_302 = tpu.memref_slice %arg2[%dma_wait3A_300, %dma_wait3A_301] : memref<1000000x32xf32, #tpu.memory_space<hbm>> -> memref<8x32xf32, #tpu.memory_space<hbm>>
      %dma_wait3A_303 = arith.constant 0 : i32
      %dma_wait3A_304 = tpu.memref_slice %arg7[%mul3A_298, %dma_wait3A_303] : memref<256x32xf32, #tpu.memory_space<vmem>> -> memref<8x32xf32, #tpu.memory_space<vmem>>
      %dma_wait3A_305 = arith.constant 0 : i32
      %dma_wait3A_306 = arith.constant 0 : i32
      %dma_wait3A_307 = tpu.memref_slice %arg2[%dma_wait3A_305, %dma_wait3A_306] : memref<1000000x32xf32, #tpu.memory_space<hbm>> -> memref<8x32xf32, #tpu.memory_space<hbm>>
      tpu.wait_dma2 semaphore(%arg9 : memref<!tpu.dma_semaphore, #tpu.memory_space<semaphore_mem>>) src(%dma_wait3A_307 : memref<8x32xf32, #tpu.memory_space<hbm>>) dst(%dma_wait3A_304 : memref<8x32xf32, #tpu.memory_space<vmem>>)
    }
    %scan3A_73 = arith.constant 32 : i32
    %scan3A_74 = arith.constant 0 : i32
    %scan3A_75 = arith.constant 0 : i32
    %scan3A_76 = arith.constant 32 : i32
    %scan3A_77 = arith.addi %scan3A_75, %scan3A_76 : i32
    %scan3A_78 = arith.constant 1 : i32
    scf.for %scan3A_296 = %scan3A_75 to %scan3A_77 step %scan3A_78  : i32 {
      %add3A_297 = arith.constant 96 : i32
      %add3A_298 = arith.addi %add3A_297, %scan3A_296 : i32
      %get3A = arith.index_cast %add3A_298 : i32 to index
      %get3A_299 = tpu.vector_load %arg5[%get3A] {strides = array<i32>} : memref<528xi32, #tpu.memory_space<vmem>>, vector<16xi32>,
      %get3A_300 = vector.shape_cast %get3A_299 : vector<16xi32> to vector<16xi32>
      %slice3A = vector.extract_strided_slice %get3A_300 {offsets = [0], sizes = [1], strides = [1]} : vector<16xi32> to vector<1xi32>
      %squeeze3A = vector.extract %slice3A[0] : i32 from vector<1xi32>
      %and3A = arith.constant 7 : i32
      %and3A_301 = arith.andi %squeeze3A, %and3A : i32
      %mul3A_302 = arith.constant 8 : i32
      %mul3A_303 = arith.muli %scan3A_296, %mul3A_302 : i32
      %add3A_304 = arith.addi %mul3A_303, %and3A_301 : i32
      %get3A_305 = arith.index_cast %add3A_304 : i32 to index
      %get3A_306 = arith.constant 0 : index
      %get3A_307 = tpu.vector_load %arg7[%get3A_305, %get3A_306] {strides = array<i32>} : memref<256x32xf32, #tpu.memory_space<vmem>>, vector<1x16xf32>,
      %get3A_308 = vector.shape_cast %get3A_307 : vector<1x16xf32> to vector<16xf32>
      %swap3A = arith.index_cast %add3A_298 : i32 to index
      %swap3A_309 = arith.constant 0 : index
      %swap3A_310 = tpu.vector_load %arg8[%swap3A, %swap3A_309] {strides = array<i32>} : memref<512x32xf32, #tpu.memory_space<vmem>>, vector<1x16xf32>,
      %swap3A_311 = vector.shape_cast %swap3A_310 : vector<1x16xf32> to vector<16xf32>
      %swap3A_312 = vector.shape_cast %get3A_308 : vector<16xf32> to vector<1x16xf32>
      tpu.vector_store %arg8[%swap3A, %swap3A_309], %swap3A_312 {strides = array<i32>} : memref<512x32xf32, #tpu.memory_space<vmem>>, vector<1x16xf32>,
      %get3A_313 = arith.index_cast %add3A_304 : i32 to index
      %get3A_314 = arith.constant 16 : index
      %get3A_315 = tpu.vector_load %arg7[%get3A_313, %get3A_314] {strides = array<i32>} : memref<256x32xf32, #tpu.memory_space<vmem>>, vector<1x16xf32>,
      %get3A_316 = vector.shape_cast %get3A_315 : vector<1x16xf32> to vector<16xf32>
      %swap3A_317 = arith.index_cast %add3A_298 : i32 to index
      %swap3A_318 = arith.constant 16 : index
      %swap3A_319 = tpu.vector_load %arg8[%swap3A_317, %swap3A_318] {strides = array<i32>} : memref<512x32xf32, #tpu.memory_space<vmem>>, vector<1x16xf32>,
      %swap3A_320 = vector.shape_cast %swap3A_319 : vector<1x16xf32> to vector<16xf32>
      %swap3A_321 = vector.shape_cast %get3A_316 : vector<16xf32> to vector<1x16xf32>
      tpu.vector_store %arg8[%swap3A_317, %swap3A_318], %swap3A_321 {strides = array<i32>} : memref<512x32xf32, #tpu.memory_space<vmem>>, vector<1x16xf32>,
    }
    %scan3A_79 = arith.constant 32 : i32
    %scan3A_80 = arith.constant 0 : i32
    %scan3A_81 = arith.constant 0 : i32
    %scan3A_82 = arith.constant 32 : i32
    %scan3A_83 = arith.addi %scan3A_81, %scan3A_82 : i32
    %scan3A_84 = arith.constant 1 : i32
    scf.for %scan3A_296 = %scan3A_81 to %scan3A_83 step %scan3A_84  : i32 {
      %add3A_297 = arith.constant 128 : i32
      %add3A_298 = arith.addi %add3A_297, %scan3A_296 : i32
      %get3A = arith.index_cast %add3A_298 : i32 to index
      %get3A_299 = tpu.vector_load %arg6[%get3A] {strides = array<i32>} : memref<528xi32, #tpu.memory_space<vmem>>, vector<16xi32>,
      %get3A_300 = vector.shape_cast %get3A_299 : vector<16xi32> to vector<16xi32>
      %slice3A = vector.extract_strided_slice %get3A_300 {offsets = [0], sizes = [1], strides = [1]} : vector<16xi32> to vector<1xi32>
      %squeeze3A = vector.extract %slice3A[0] : i32 from vector<1xi32>
      %multiple_of3A = tpu.assume_multiple %squeeze3A, 8 : i32
      %mul3A_301 = arith.constant 8 : i32
      %mul3A_302 = arith.muli %scan3A_296, %mul3A_301 : i32
      %dma_start3A = arith.constant 0 : i32
      %dma_start3A_303 = tpu.memref_slice %arg7[%mul3A_302, %dma_start3A] : memref<256x32xf32, #tpu.memory_space<vmem>> -> memref<8x32xf32, #tpu.memory_space<vmem>>
      %dma_start3A_304 = arith.constant 0 : i32
      %dma_start3A_305 = tpu.memref_slice %arg2[%multiple_of3A, %dma_start3A_304] : memref<1000000x32xf32, #tpu.memory_space<hbm>> -> memref<8x32xf32, #tpu.memory_space<hbm>>
      %dma_start3A_306 = arith.constant 0 : i32
      %dma_start3A_307 = tpu.memref_slice %arg7[%mul3A_302, %dma_start3A_306] : memref<256x32xf32, #tpu.memory_space<vmem>> -> memref<8x32xf32, #tpu.memory_space<vmem>>
      %dma_start3A_308 = arith.constant 0 : i32
      %dma_start3A_309 = tpu.memref_slice %arg2[%multiple_of3A, %dma_start3A_308] : memref<1000000x32xf32, #tpu.memory_space<hbm>> -> memref<8x32xf32, #tpu.memory_space<hbm>>
      tpu.enqueue_dma source(%dma_start3A_309 : memref<8x32xf32, #tpu.memory_space<hbm>>) target(%dma_start3A_307 : memref<8x32xf32, #tpu.memory_space<vmem>>) target_semaphore(%arg9 : memref<!tpu.dma_semaphore, #tpu.memory_space<semaphore_mem>>)
    }
    %scan3A_85 = arith.constant 32 : i32
    %scan3A_86 = arith.constant 0 : i32
    %scan3A_87 = arith.constant 0 : i32
    %scan3A_88 = arith.constant 32 : i32
    %scan3A_89 = arith.addi %scan3A_87, %scan3A_88 : i32
    %scan3A_90 = arith.constant 1 : i32
    scf.for %scan3A_296 = %scan3A_87 to %scan3A_89 step %scan3A_90  : i32 {
      %mul3A_297 = arith.constant 8 : i32
      %mul3A_298 = arith.muli %scan3A_296, %mul3A_297 : i32
      %dma_wait3A = arith.constant 0 : i32
      %dma_wait3A_299 = tpu.memref_slice %arg7[%mul3A_298, %dma_wait3A] : memref<256x32xf32, #tpu.memory_space<vmem>> -> memref<8x32xf32, #tpu.memory_space<vmem>>
      %dma_wait3A_300 = arith.constant 0 : i32
      %dma_wait3A_301 = arith.constant 0 : i32
      %dma_wait3A_302 = tpu.memref_slice %arg2[%dma_wait3A_300, %dma_wait3A_301] : memref<1000000x32xf32, #tpu.memory_space<hbm>> -> memref<8x32xf32, #tpu.memory_space<hbm>>
      %dma_wait3A_303 = arith.constant 0 : i32
      %dma_wait3A_304 = tpu.memref_slice %arg7[%mul3A_298, %dma_wait3A_303] : memref<256x32xf32, #tpu.memory_space<vmem>> -> memref<8x32xf32, #tpu.memory_space<vmem>>
      %dma_wait3A_305 = arith.constant 0 : i32
      %dma_wait3A_306 = arith.constant 0 : i32
      %dma_wait3A_307 = tpu.memref_slice %arg2[%dma_wait3A_305, %dma_wait3A_306] : memref<1000000x32xf32, #tpu.memory_space<hbm>> -> memref<8x32xf32, #tpu.memory_space<hbm>>
      tpu.wait_dma2 semaphore(%arg9 : memref<!tpu.dma_semaphore, #tpu.memory_space<semaphore_mem>>) src(%dma_wait3A_307 : memref<8x32xf32, #tpu.memory_space<hbm>>) dst(%dma_wait3A_304 : memref<8x32xf32, #tpu.memory_space<vmem>>)
    }
    %scan3A_91 = arith.constant 32 : i32
    %scan3A_92 = arith.constant 0 : i32
    %scan3A_93 = arith.constant 0 : i32
    %scan3A_94 = arith.constant 32 : i32
    %scan3A_95 = arith.addi %scan3A_93, %scan3A_94 : i32
    %scan3A_96 = arith.constant 1 : i32
    scf.for %scan3A_296 = %scan3A_93 to %scan3A_95 step %scan3A_96  : i32 {
      %add3A_297 = arith.constant 128 : i32
      %add3A_298 = arith.addi %add3A_297, %scan3A_296 : i32
      %get3A = arith.index_cast %add3A_298 : i32 to index
      %get3A_299 = tpu.vector_load %arg5[%get3A] {strides = array<i32>} : memref<528xi32, #tpu.memory_space<vmem>>, vector<16xi32>,
      %get3A_300 = vector.shape_cast %get3A_299 : vector<16xi32> to vector<16xi32>
      %slice3A = vector.extract_strided_slice %get3A_300 {offsets = [0], sizes = [1], strides = [1]} : vector<16xi32> to vector<1xi32>
      %squeeze3A = vector.extract %slice3A[0] : i32 from vector<1xi32>
      %and3A = arith.constant 7 : i32
      %and3A_301 = arith.andi %squeeze3A, %and3A : i32
      %mul3A_302 = arith.constant 8 : i32
      %mul3A_303 = arith.muli %scan3A_296, %mul3A_302 : i32
      %add3A_304 = arith.addi %mul3A_303, %and3A_301 : i32
      %get3A_305 = arith.index_cast %add3A_304 : i32 to index
      %get3A_306 = arith.constant 0 : index
      %get3A_307 = tpu.vector_load %arg7[%get3A_305, %get3A_306] {strides = array<i32>} : memref<256x32xf32, #tpu.memory_space<vmem>>, vector<1x16xf32>,
      %get3A_308 = vector.shape_cast %get3A_307 : vector<1x16xf32> to vector<16xf32>
      %swap3A = arith.index_cast %add3A_298 : i32 to index
      %swap3A_309 = arith.constant 0 : index
      %swap3A_310 = tpu.vector_load %arg8[%swap3A, %swap3A_309] {strides = array<i32>} : memref<512x32xf32, #tpu.memory_space<vmem>>, vector<1x16xf32>,
      %swap3A_311 = vector.shape_cast %swap3A_310 : vector<1x16xf32> to vector<16xf32>
      %swap3A_312 = vector.shape_cast %get3A_308 : vector<16xf32> to vector<1x16xf32>
      tpu.vector_store %arg8[%swap3A, %swap3A_309], %swap3A_312 {strides = array<i32>} : memref<512x32xf32, #tpu.memory_space<vmem>>, vector<1x16xf32>,
      %get3A_313 = arith.index_cast %add3A_304 : i32 to index
      %get3A_314 = arith.constant 16 : index
      %get3A_315 = tpu.vector_load %arg7[%get3A_313, %get3A_314] {strides = array<i32>} : memref<256x32xf32, #tpu.memory_space<vmem>>, vector<1x16xf32>,
      %get3A_316 = vector.shape_cast %get3A_315 : vector<1x16xf32> to vector<16xf32>
      %swap3A_317 = arith.index_cast %add3A_298 : i32 to index
      %swap3A_318 = arith.constant 16 : index
      %swap3A_319 = tpu.vector_load %arg8[%swap3A_317, %swap3A_318] {strides = array<i32>} : memref<512x32xf32, #tpu.memory_space<vmem>>, vector<1x16xf32>,
      %swap3A_320 = vector.shape_cast %swap3A_319 : vector<1x16xf32> to vector<16xf32>
      %swap3A_321 = vector.shape_cast %get3A_316 : vector<16xf32> to vector<1x16xf32>
      tpu.vector_store %arg8[%swap3A_317, %swap3A_318], %swap3A_321 {strides = array<i32>} : memref<512x32xf32, #tpu.memory_space<vmem>>, vector<1x16xf32>,
    }
    %scan3A_97 = arith.constant 32 : i32
    %scan3A_98 = arith.constant 0 : i32
    %scan3A_99 = arith.constant 0 : i32
    %scan3A_100 = arith.constant 32 : i32
    %scan3A_101 = arith.addi %scan3A_99, %scan3A_100 : i32
    %scan3A_102 = arith.constant 1 : i32
    scf.for %scan3A_296 = %scan3A_99 to %scan3A_101 step %scan3A_102  : i32 {
      %add3A_297 = arith.constant 160 : i32
      %add3A_298 = arith.addi %add3A_297, %scan3A_296 : i32
      %get3A = arith.index_cast %add3A_298 : i32 to index
      %get3A_299 = tpu.vector_load %arg6[%get3A] {strides = array<i32>} : memref<528xi32, #tpu.memory_space<vmem>>, vector<16xi32>,
      %get3A_300 = vector.shape_cast %get3A_299 : vector<16xi32> to vector<16xi32>
      %slice3A = vector.extract_strided_slice %get3A_300 {offsets = [0], sizes = [1], strides = [1]} : vector<16xi32> to vector<1xi32>
      %squeeze3A = vector.extract %slice3A[0] : i32 from vector<1xi32>
      %multiple_of3A = tpu.assume_multiple %squeeze3A, 8 : i32
      %mul3A_301 = arith.constant 8 : i32
      %mul3A_302 = arith.muli %scan3A_296, %mul3A_301 : i32
      %dma_start3A = arith.constant 0 : i32
      %dma_start3A_303 = tpu.memref_slice %arg7[%mul3A_302, %dma_start3A] : memref<256x32xf32, #tpu.memory_space<vmem>> -> memref<8x32xf32, #tpu.memory_space<vmem>>
      %dma_start3A_304 = arith.constant 0 : i32
      %dma_start3A_305 = tpu.memref_slice %arg2[%multiple_of3A, %dma_start3A_304] : memref<1000000x32xf32, #tpu.memory_space<hbm>> -> memref<8x32xf32, #tpu.memory_space<hbm>>
      %dma_start3A_306 = arith.constant 0 : i32
      %dma_start3A_307 = tpu.memref_slice %arg7[%mul3A_302, %dma_start3A_306] : memref<256x32xf32, #tpu.memory_space<vmem>> -> memref<8x32xf32, #tpu.memory_space<vmem>>
      %dma_start3A_308 = arith.constant 0 : i32
      %dma_start3A_309 = tpu.memref_slice %arg2[%multiple_of3A, %dma_start3A_308] : memref<1000000x32xf32, #tpu.memory_space<hbm>> -> memref<8x32xf32, #tpu.memory_space<hbm>>
      tpu.enqueue_dma source(%dma_start3A_309 : memref<8x32xf32, #tpu.memory_space<hbm>>) target(%dma_start3A_307 : memref<8x32xf32, #tpu.memory_space<vmem>>) target_semaphore(%arg9 : memref<!tpu.dma_semaphore, #tpu.memory_space<semaphore_mem>>)
    }
    %scan3A_103 = arith.constant 32 : i32
    %scan3A_104 = arith.constant 0 : i32
    %scan3A_105 = arith.constant 0 : i32
    %scan3A_106 = arith.constant 32 : i32
    %scan3A_107 = arith.addi %scan3A_105, %scan3A_106 : i32
    %scan3A_108 = arith.constant 1 : i32
    scf.for %scan3A_296 = %scan3A_105 to %scan3A_107 step %scan3A_108  : i32 {
      %mul3A_297 = arith.constant 8 : i32
      %mul3A_298 = arith.muli %scan3A_296, %mul3A_297 : i32
      %dma_wait3A = arith.constant 0 : i32
      %dma_wait3A_299 = tpu.memref_slice %arg7[%mul3A_298, %dma_wait3A] : memref<256x32xf32, #tpu.memory_space<vmem>> -> memref<8x32xf32, #tpu.memory_space<vmem>>
      %dma_wait3A_300 = arith.constant 0 : i32
      %dma_wait3A_301 = arith.constant 0 : i32
      %dma_wait3A_302 = tpu.memref_slice %arg2[%dma_wait3A_300, %dma_wait3A_301] : memref<1000000x32xf32, #tpu.memory_space<hbm>> -> memref<8x32xf32, #tpu.memory_space<hbm>>
      %dma_wait3A_303 = arith.constant 0 : i32
      %dma_wait3A_304 = tpu.memref_slice %arg7[%mul3A_298, %dma_wait3A_303] : memref<256x32xf32, #tpu.memory_space<vmem>> -> memref<8x32xf32, #tpu.memory_space<vmem>>
      %dma_wait3A_305 = arith.constant 0 : i32
      %dma_wait3A_306 = arith.constant 0 : i32
      %dma_wait3A_307 = tpu.memref_slice %arg2[%dma_wait3A_305, %dma_wait3A_306] : memref<1000000x32xf32, #tpu.memory_space<hbm>> -> memref<8x32xf32, #tpu.memory_space<hbm>>
      tpu.wait_dma2 semaphore(%arg9 : memref<!tpu.dma_semaphore, #tpu.memory_space<semaphore_mem>>) src(%dma_wait3A_307 : memref<8x32xf32, #tpu.memory_space<hbm>>) dst(%dma_wait3A_304 : memref<8x32xf32, #tpu.memory_space<vmem>>)
    }
    %scan3A_109 = arith.constant 32 : i32
    %scan3A_110 = arith.constant 0 : i32
    %scan3A_111 = arith.constant 0 : i32
    %scan3A_112 = arith.constant 32 : i32
    %scan3A_113 = arith.addi %scan3A_111, %scan3A_112 : i32
    %scan3A_114 = arith.constant 1 : i32
    scf.for %scan3A_296 = %scan3A_111 to %scan3A_113 step %scan3A_114  : i32 {
      %add3A_297 = arith.constant 160 : i32
      %add3A_298 = arith.addi %add3A_297, %scan3A_296 : i32
      %get3A = arith.index_cast %add3A_298 : i32 to index
      %get3A_299 = tpu.vector_load %arg5[%get3A] {strides = array<i32>} : memref<528xi32, #tpu.memory_space<vmem>>, vector<16xi32>,
      %get3A_300 = vector.shape_cast %get3A_299 : vector<16xi32> to vector<16xi32>
      %slice3A = vector.extract_strided_slice %get3A_300 {offsets = [0], sizes = [1], strides = [1]} : vector<16xi32> to vector<1xi32>
      %squeeze3A = vector.extract %slice3A[0] : i32 from vector<1xi32>
      %and3A = arith.constant 7 : i32
      %and3A_301 = arith.andi %squeeze3A, %and3A : i32
      %mul3A_302 = arith.constant 8 : i32
      %mul3A_303 = arith.muli %scan3A_296, %mul3A_302 : i32
      %add3A_304 = arith.addi %mul3A_303, %and3A_301 : i32
      %get3A_305 = arith.index_cast %add3A_304 : i32 to index
      %get3A_306 = arith.constant 0 : index
      %get3A_307 = tpu.vector_load %arg7[%get3A_305, %get3A_306] {strides = array<i32>} : memref<256x32xf32, #tpu.memory_space<vmem>>, vector<1x16xf32>,
      %get3A_308 = vector.shape_cast %get3A_307 : vector<1x16xf32> to vector<16xf32>
      %swap3A = arith.index_cast %add3A_298 : i32 to index
      %swap3A_309 = arith.constant 0 : index
      %swap3A_310 = tpu.vector_load %arg8[%swap3A, %swap3A_309] {strides = array<i32>} : memref<512x32xf32, #tpu.memory_space<vmem>>, vector<1x16xf32>,
      %swap3A_311 = vector.shape_cast %swap3A_310 : vector<1x16xf32> to vector<16xf32>
      %swap3A_312 = vector.shape_cast %get3A_308 : vector<16xf32> to vector<1x16xf32>
      tpu.vector_store %arg8[%swap3A, %swap3A_309], %swap3A_312 {strides = array<i32>} : memref<512x32xf32, #tpu.memory_space<vmem>>, vector<1x16xf32>,
      %get3A_313 = arith.index_cast %add3A_304 : i32 to index
      %get3A_314 = arith.constant 16 : index
      %get3A_315 = tpu.vector_load %arg7[%get3A_313, %get3A_314] {strides = array<i32>} : memref<256x32xf32, #tpu.memory_space<vmem>>, vector<1x16xf32>,
      %get3A_316 = vector.shape_cast %get3A_315 : vector<1x16xf32> to vector<16xf32>
      %swap3A_317 = arith.index_cast %add3A_298 : i32 to index
      %swap3A_318 = arith.constant 16 : index
      %swap3A_319 = tpu.vector_load %arg8[%swap3A_317, %swap3A_318] {strides = array<i32>} : memref<512x32xf32, #tpu.memory_space<vmem>>, vector<1x16xf32>,
      %swap3A_320 = vector.shape_cast %swap3A_319 : vector<1x16xf32> to vector<16xf32>
      %swap3A_321 = vector.shape_cast %get3A_316 : vector<16xf32> to vector<1x16xf32>
      tpu.vector_store %arg8[%swap3A_317, %swap3A_318], %swap3A_321 {strides = array<i32>} : memref<512x32xf32, #tpu.memory_space<vmem>>, vector<1x16xf32>,
    }
    %scan3A_115 = arith.constant 32 : i32
    %scan3A_116 = arith.constant 0 : i32
    %scan3A_117 = arith.constant 0 : i32
    %scan3A_118 = arith.constant 32 : i32
    %scan3A_119 = arith.addi %scan3A_117, %scan3A_118 : i32
    %scan3A_120 = arith.constant 1 : i32
    scf.for %scan3A_296 = %scan3A_117 to %scan3A_119 step %scan3A_120  : i32 {
      %add3A_297 = arith.constant 192 : i32
      %add3A_298 = arith.addi %add3A_297, %scan3A_296 : i32
      %get3A = arith.index_cast %add3A_298 : i32 to index
      %get3A_299 = tpu.vector_load %arg6[%get3A] {strides = array<i32>} : memref<528xi32, #tpu.memory_space<vmem>>, vector<16xi32>,
      %get3A_300 = vector.shape_cast %get3A_299 : vector<16xi32> to vector<16xi32>
      %slice3A = vector.extract_strided_slice %get3A_300 {offsets = [0], sizes = [1], strides = [1]} : vector<16xi32> to vector<1xi32>
      %squeeze3A = vector.extract %slice3A[0] : i32 from vector<1xi32>
      %multiple_of3A = tpu.assume_multiple %squeeze3A, 8 : i32
      %mul3A_301 = arith.constant 8 : i32
      %mul3A_302 = arith.muli %scan3A_296, %mul3A_301 : i32
      %dma_start3A = arith.constant 0 : i32
      %dma_start3A_303 = tpu.memref_slice %arg7[%mul3A_302, %dma_start3A] : memref<256x32xf32, #tpu.memory_space<vmem>> -> memref<8x32xf32, #tpu.memory_space<vmem>>
      %dma_start3A_304 = arith.constant 0 : i32
      %dma_start3A_305 = tpu.memref_slice %arg2[%multiple_of3A, %dma_start3A_304] : memref<1000000x32xf32, #tpu.memory_space<hbm>> -> memref<8x32xf32, #tpu.memory_space<hbm>>
      %dma_start3A_306 = arith.constant 0 : i32
      %dma_start3A_307 = tpu.memref_slice %arg7[%mul3A_302, %dma_start3A_306] : memref<256x32xf32, #tpu.memory_space<vmem>> -> memref<8x32xf32, #tpu.memory_space<vmem>>
      %dma_start3A_308 = arith.constant 0 : i32
      %dma_start3A_309 = tpu.memref_slice %arg2[%multiple_of3A, %dma_start3A_308] : memref<1000000x32xf32, #tpu.memory_space<hbm>> -> memref<8x32xf32, #tpu.memory_space<hbm>>
      tpu.enqueue_dma source(%dma_start3A_309 : memref<8x32xf32, #tpu.memory_space<hbm>>) target(%dma_start3A_307 : memref<8x32xf32, #tpu.memory_space<vmem>>) target_semaphore(%arg9 : memref<!tpu.dma_semaphore, #tpu.memory_space<semaphore_mem>>)
    }
    %scan3A_121 = arith.constant 32 : i32
    %scan3A_122 = arith.constant 0 : i32
    %scan3A_123 = arith.constant 0 : i32
    %scan3A_124 = arith.constant 32 : i32
    %scan3A_125 = arith.addi %scan3A_123, %scan3A_124 : i32
    %scan3A_126 = arith.constant 1 : i32
    scf.for %scan3A_296 = %scan3A_123 to %scan3A_125 step %scan3A_126  : i32 {
      %mul3A_297 = arith.constant 8 : i32
      %mul3A_298 = arith.muli %scan3A_296, %mul3A_297 : i32
      %dma_wait3A = arith.constant 0 : i32
      %dma_wait3A_299 = tpu.memref_slice %arg7[%mul3A_298, %dma_wait3A] : memref<256x32xf32, #tpu.memory_space<vmem>> -> memref<8x32xf32, #tpu.memory_space<vmem>>
      %dma_wait3A_300 = arith.constant 0 : i32
      %dma_wait3A_301 = arith.constant 0 : i32
      %dma_wait3A_302 = tpu.memref_slice %arg2[%dma_wait3A_300, %dma_wait3A_301] : memref<1000000x32xf32, #tpu.memory_space<hbm>> -> memref<8x32xf32, #tpu.memory_space<hbm>>
      %dma_wait3A_303 = arith.constant 0 : i32
      %dma_wait3A_304 = tpu.memref_slice %arg7[%mul3A_298, %dma_wait3A_303] : memref<256x32xf32, #tpu.memory_space<vmem>> -> memref<8x32xf32, #tpu.memory_space<vmem>>
      %dma_wait3A_305 = arith.constant 0 : i32
      %dma_wait3A_306 = arith.constant 0 : i32
      %dma_wait3A_307 = tpu.memref_slice %arg2[%dma_wait3A_305, %dma_wait3A_306] : memref<1000000x32xf32, #tpu.memory_space<hbm>> -> memref<8x32xf32, #tpu.memory_space<hbm>>
      tpu.wait_dma2 semaphore(%arg9 : memref<!tpu.dma_semaphore, #tpu.memory_space<semaphore_mem>>) src(%dma_wait3A_307 : memref<8x32xf32, #tpu.memory_space<hbm>>) dst(%dma_wait3A_304 : memref<8x32xf32, #tpu.memory_space<vmem>>)
    }
    %scan3A_127 = arith.constant 32 : i32
    %scan3A_128 = arith.constant 0 : i32
    %scan3A_129 = arith.constant 0 : i32
    %scan3A_130 = arith.constant 32 : i32
    %scan3A_131 = arith.addi %scan3A_129, %scan3A_130 : i32
    %scan3A_132 = arith.constant 1 : i32
    scf.for %scan3A_296 = %scan3A_129 to %scan3A_131 step %scan3A_132  : i32 {
      %add3A_297 = arith.constant 192 : i32
      %add3A_298 = arith.addi %add3A_297, %scan3A_296 : i32
      %get3A = arith.index_cast %add3A_298 : i32 to index
      %get3A_299 = tpu.vector_load %arg5[%get3A] {strides = array<i32>} : memref<528xi32, #tpu.memory_space<vmem>>, vector<16xi32>,
      %get3A_300 = vector.shape_cast %get3A_299 : vector<16xi32> to vector<16xi32>
      %slice3A = vector.extract_strided_slice %get3A_300 {offsets = [0], sizes = [1], strides = [1]} : vector<16xi32> to vector<1xi32>
      %squeeze3A = vector.extract %slice3A[0] : i32 from vector<1xi32>
      %and3A = arith.constant 7 : i32
      %and3A_301 = arith.andi %squeeze3A, %and3A : i32
      %mul3A_302 = arith.constant 8 : i32
      %mul3A_303 = arith.muli %scan3A_296, %mul3A_302 : i32
      %add3A_304 = arith.addi %mul3A_303, %and3A_301 : i32
      %get3A_305 = arith.index_cast %add3A_304 : i32 to index
      %get3A_306 = arith.constant 0 : index
      %get3A_307 = tpu.vector_load %arg7[%get3A_305, %get3A_306] {strides = array<i32>} : memref<256x32xf32, #tpu.memory_space<vmem>>, vector<1x16xf32>,
      %get3A_308 = vector.shape_cast %get3A_307 : vector<1x16xf32> to vector<16xf32>
      %swap3A = arith.index_cast %add3A_298 : i32 to index
      %swap3A_309 = arith.constant 0 : index
      %swap3A_310 = tpu.vector_load %arg8[%swap3A, %swap3A_309] {strides = array<i32>} : memref<512x32xf32, #tpu.memory_space<vmem>>, vector<1x16xf32>,
      %swap3A_311 = vector.shape_cast %swap3A_310 : vector<1x16xf32> to vector<16xf32>
      %swap3A_312 = vector.shape_cast %get3A_308 : vector<16xf32> to vector<1x16xf32>
      tpu.vector_store %arg8[%swap3A, %swap3A_309], %swap3A_312 {strides = array<i32>} : memref<512x32xf32, #tpu.memory_space<vmem>>, vector<1x16xf32>,
      %get3A_313 = arith.index_cast %add3A_304 : i32 to index
      %get3A_314 = arith.constant 16 : index
      %get3A_315 = tpu.vector_load %arg7[%get3A_313, %get3A_314] {strides = array<i32>} : memref<256x32xf32, #tpu.memory_space<vmem>>, vector<1x16xf32>,
      %get3A_316 = vector.shape_cast %get3A_315 : vector<1x16xf32> to vector<16xf32>
      %swap3A_317 = arith.index_cast %add3A_298 : i32 to index
      %swap3A_318 = arith.constant 16 : index
      %swap3A_319 = tpu.vector_load %arg8[%swap3A_317, %swap3A_318] {strides = array<i32>} : memref<512x32xf32, #tpu.memory_space<vmem>>, vector<1x16xf32>,
      %swap3A_320 = vector.shape_cast %swap3A_319 : vector<1x16xf32> to vector<16xf32>
      %swap3A_321 = vector.shape_cast %get3A_316 : vector<16xf32> to vector<1x16xf32>
      tpu.vector_store %arg8[%swap3A_317, %swap3A_318], %swap3A_321 {strides = array<i32>} : memref<512x32xf32, #tpu.memory_space<vmem>>, vector<1x16xf32>,
    }
    %scan3A_133 = arith.constant 32 : i32
    %scan3A_134 = arith.constant 0 : i32
    %scan3A_135 = arith.constant 0 : i32
    %scan3A_136 = arith.constant 32 : i32
    %scan3A_137 = arith.addi %scan3A_135, %scan3A_136 : i32
    %scan3A_138 = arith.constant 1 : i32
    scf.for %scan3A_296 = %scan3A_135 to %scan3A_137 step %scan3A_138  : i32 {
      %add3A_297 = arith.constant 224 : i32
      %add3A_298 = arith.addi %add3A_297, %scan3A_296 : i32
      %get3A = arith.index_cast %add3A_298 : i32 to index
      %get3A_299 = tpu.vector_load %arg6[%get3A] {strides = array<i32>} : memref<528xi32, #tpu.memory_space<vmem>>, vector<16xi32>,
      %get3A_300 = vector.shape_cast %get3A_299 : vector<16xi32> to vector<16xi32>
      %slice3A = vector.extract_strided_slice %get3A_300 {offsets = [0], sizes = [1], strides = [1]} : vector<16xi32> to vector<1xi32>
      %squeeze3A = vector.extract %slice3A[0] : i32 from vector<1xi32>
      %multiple_of3A = tpu.assume_multiple %squeeze3A, 8 : i32
      %mul3A_301 = arith.constant 8 : i32
      %mul3A_302 = arith.muli %scan3A_296, %mul3A_301 : i32
      %dma_start3A = arith.constant 0 : i32
      %dma_start3A_303 = tpu.memref_slice %arg7[%mul3A_302, %dma_start3A] : memref<256x32xf32, #tpu.memory_space<vmem>> -> memref<8x32xf32, #tpu.memory_space<vmem>>
      %dma_start3A_304 = arith.constant 0 : i32
      %dma_start3A_305 = tpu.memref_slice %arg2[%multiple_of3A, %dma_start3A_304] : memref<1000000x32xf32, #tpu.memory_space<hbm>> -> memref<8x32xf32, #tpu.memory_space<hbm>>
      %dma_start3A_306 = arith.constant 0 : i32
      %dma_start3A_307 = tpu.memref_slice %arg7[%mul3A_302, %dma_start3A_306] : memref<256x32xf32, #tpu.memory_space<vmem>> -> memref<8x32xf32, #tpu.memory_space<vmem>>
      %dma_start3A_308 = arith.constant 0 : i32
      %dma_start3A_309 = tpu.memref_slice %arg2[%multiple_of3A, %dma_start3A_308] : memref<1000000x32xf32, #tpu.memory_space<hbm>> -> memref<8x32xf32, #tpu.memory_space<hbm>>
      tpu.enqueue_dma source(%dma_start3A_309 : memref<8x32xf32, #tpu.memory_space<hbm>>) target(%dma_start3A_307 : memref<8x32xf32, #tpu.memory_space<vmem>>) target_semaphore(%arg9 : memref<!tpu.dma_semaphore, #tpu.memory_space<semaphore_mem>>)
    }
    %scan3A_139 = arith.constant 32 : i32
    %scan3A_140 = arith.constant 0 : i32
    %scan3A_141 = arith.constant 0 : i32
    %scan3A_142 = arith.constant 32 : i32
    %scan3A_143 = arith.addi %scan3A_141, %scan3A_142 : i32
    %scan3A_144 = arith.constant 1 : i32
    scf.for %scan3A_296 = %scan3A_141 to %scan3A_143 step %scan3A_144  : i32 {
      %mul3A_297 = arith.constant 8 : i32
      %mul3A_298 = arith.muli %scan3A_296, %mul3A_297 : i32
      %dma_wait3A = arith.constant 0 : i32
      %dma_wait3A_299 = tpu.memref_slice %arg7[%mul3A_298, %dma_wait3A] : memref<256x32xf32, #tpu.memory_space<vmem>> -> memref<8x32xf32, #tpu.memory_space<vmem>>
      %dma_wait3A_300 = arith.constant 0 : i32
      %dma_wait3A_301 = arith.constant 0 : i32
      %dma_wait3A_302 = tpu.memref_slice %arg2[%dma_wait3A_300, %dma_wait3A_301] : memref<1000000x32xf32, #tpu.memory_space<hbm>> -> memref<8x32xf32, #tpu.memory_space<hbm>>
      %dma_wait3A_303 = arith.constant 0 : i32
      %dma_wait3A_304 = tpu.memref_slice %arg7[%mul3A_298, %dma_wait3A_303] : memref<256x32xf32, #tpu.memory_space<vmem>> -> memref<8x32xf32, #tpu.memory_space<vmem>>
      %dma_wait3A_305 = arith.constant 0 : i32
      %dma_wait3A_306 = arith.constant 0 : i32
      %dma_wait3A_307 = tpu.memref_slice %arg2[%dma_wait3A_305, %dma_wait3A_306] : memref<1000000x32xf32, #tpu.memory_space<hbm>> -> memref<8x32xf32, #tpu.memory_space<hbm>>
      tpu.wait_dma2 semaphore(%arg9 : memref<!tpu.dma_semaphore, #tpu.memory_space<semaphore_mem>>) src(%dma_wait3A_307 : memref<8x32xf32, #tpu.memory_space<hbm>>) dst(%dma_wait3A_304 : memref<8x32xf32, #tpu.memory_space<vmem>>)
    }
    %scan3A_145 = arith.constant 32 : i32
    %scan3A_146 = arith.constant 0 : i32
    %scan3A_147 = arith.constant 0 : i32
    %scan3A_148 = arith.constant 32 : i32
    %scan3A_149 = arith.addi %scan3A_147, %scan3A_148 : i32
    %scan3A_150 = arith.constant 1 : i32
    scf.for %scan3A_296 = %scan3A_147 to %scan3A_149 step %scan3A_150  : i32 {
      %add3A_297 = arith.constant 224 : i32
      %add3A_298 = arith.addi %add3A_297, %scan3A_296 : i32
      %get3A = arith.index_cast %add3A_298 : i32 to index
      %get3A_299 = tpu.vector_load %arg5[%get3A] {strides = array<i32>} : memref<528xi32, #tpu.memory_space<vmem>>, vector<16xi32>,
      %get3A_300 = vector.shape_cast %get3A_299 : vector<16xi32> to vector<16xi32>
      %slice3A = vector.extract_strided_slice %get3A_300 {offsets = [0], sizes = [1], strides = [1]} : vector<16xi32> to vector<1xi32>
      %squeeze3A = vector.extract %slice3A[0] : i32 from vector<1xi32>
      %and3A = arith.constant 7 : i32
      %and3A_301 = arith.andi %squeeze3A, %and3A : i32
      %mul3A_302 = arith.constant 8 : i32
      %mul3A_303 = arith.muli %scan3A_296, %mul3A_302 : i32
      %add3A_304 = arith.addi %mul3A_303, %and3A_301 : i32
      %get3A_305 = arith.index_cast %add3A_304 : i32 to index
      %get3A_306 = arith.constant 0 : index
      %get3A_307 = tpu.vector_load %arg7[%get3A_305, %get3A_306] {strides = array<i32>} : memref<256x32xf32, #tpu.memory_space<vmem>>, vector<1x16xf32>,
      %get3A_308 = vector.shape_cast %get3A_307 : vector<1x16xf32> to vector<16xf32>
      %swap3A = arith.index_cast %add3A_298 : i32 to index
      %swap3A_309 = arith.constant 0 : index
      %swap3A_310 = tpu.vector_load %arg8[%swap3A, %swap3A_309] {strides = array<i32>} : memref<512x32xf32, #tpu.memory_space<vmem>>, vector<1x16xf32>,
      %swap3A_311 = vector.shape_cast %swap3A_310 : vector<1x16xf32> to vector<16xf32>
      %swap3A_312 = vector.shape_cast %get3A_308 : vector<16xf32> to vector<1x16xf32>
      tpu.vector_store %arg8[%swap3A, %swap3A_309], %swap3A_312 {strides = array<i32>} : memref<512x32xf32, #tpu.memory_space<vmem>>, vector<1x16xf32>,
      %get3A_313 = arith.index_cast %add3A_304 : i32 to index
      %get3A_314 = arith.constant 16 : index
      %get3A_315 = tpu.vector_load %arg7[%get3A_313, %get3A_314] {strides = array<i32>} : memref<256x32xf32, #tpu.memory_space<vmem>>, vector<1x16xf32>,
      %get3A_316 = vector.shape_cast %get3A_315 : vector<1x16xf32> to vector<16xf32>
      %swap3A_317 = arith.index_cast %add3A_298 : i32 to index
      %swap3A_318 = arith.constant 16 : index
      %swap3A_319 = tpu.vector_load %arg8[%swap3A_317, %swap3A_318] {strides = array<i32>} : memref<512x32xf32, #tpu.memory_space<vmem>>, vector<1x16xf32>,
      %swap3A_320 = vector.shape_cast %swap3A_319 : vector<1x16xf32> to vector<16xf32>
      %swap3A_321 = vector.shape_cast %get3A_316 : vector<16xf32> to vector<1x16xf32>
      tpu.vector_store %arg8[%swap3A_317, %swap3A_318], %swap3A_321 {strides = array<i32>} : memref<512x32xf32, #tpu.memory_space<vmem>>, vector<1x16xf32>,
    }
    %scan3A_151 = arith.constant 32 : i32
    %scan3A_152 = arith.constant 0 : i32
    %scan3A_153 = arith.constant 0 : i32
    %scan3A_154 = arith.constant 32 : i32
    %scan3A_155 = arith.addi %scan3A_153, %scan3A_154 : i32
    %scan3A_156 = arith.constant 1 : i32
    scf.for %scan3A_296 = %scan3A_153 to %scan3A_155 step %scan3A_156  : i32 {
      %add3A_297 = arith.constant 256 : i32
      %add3A_298 = arith.addi %add3A_297, %scan3A_296 : i32
      %get3A = arith.index_cast %add3A_298 : i32 to index
      %get3A_299 = tpu.vector_load %arg6[%get3A] {strides = array<i32>} : memref<528xi32, #tpu.memory_space<vmem>>, vector<16xi32>,
      %get3A_300 = vector.shape_cast %get3A_299 : vector<16xi32> to vector<16xi32>
      %slice3A = vector.extract_strided_slice %get3A_300 {offsets = [0], sizes = [1], strides = [1]} : vector<16xi32> to vector<1xi32>
      %squeeze3A = vector.extract %slice3A[0] : i32 from vector<1xi32>
      %multiple_of3A = tpu.assume_multiple %squeeze3A, 8 : i32
      %mul3A_301 = arith.constant 8 : i32
      %mul3A_302 = arith.muli %scan3A_296, %mul3A_301 : i32
      %dma_start3A = arith.constant 0 : i32
      %dma_start3A_303 = tpu.memref_slice %arg7[%mul3A_302, %dma_start3A] : memref<256x32xf32, #tpu.memory_space<vmem>> -> memref<8x32xf32, #tpu.memory_space<vmem>>
      %dma_start3A_304 = arith.constant 0 : i32
      %dma_start3A_305 = tpu.memref_slice %arg2[%multiple_of3A, %dma_start3A_304] : memref<1000000x32xf32, #tpu.memory_space<hbm>> -> memref<8x32xf32, #tpu.memory_space<hbm>>
      %dma_start3A_306 = arith.constant 0 : i32
      %dma_start3A_307 = tpu.memref_slice %arg7[%mul3A_302, %dma_start3A_306] : memref<256x32xf32, #tpu.memory_space<vmem>> -> memref<8x32xf32, #tpu.memory_space<vmem>>
      %dma_start3A_308 = arith.constant 0 : i32
      %dma_start3A_309 = tpu.memref_slice %arg2[%multiple_of3A, %dma_start3A_308] : memref<1000000x32xf32, #tpu.memory_space<hbm>> -> memref<8x32xf32, #tpu.memory_space<hbm>>
      tpu.enqueue_dma source(%dma_start3A_309 : memref<8x32xf32, #tpu.memory_space<hbm>>) target(%dma_start3A_307 : memref<8x32xf32, #tpu.memory_space<vmem>>) target_semaphore(%arg9 : memref<!tpu.dma_semaphore, #tpu.memory_space<semaphore_mem>>)
    }
    %scan3A_157 = arith.constant 32 : i32
    %scan3A_158 = arith.constant 0 : i32
    %scan3A_159 = arith.constant 0 : i32
    %scan3A_160 = arith.constant 32 : i32
    %scan3A_161 = arith.addi %scan3A_159, %scan3A_160 : i32
    %scan3A_162 = arith.constant 1 : i32
    scf.for %scan3A_296 = %scan3A_159 to %scan3A_161 step %scan3A_162  : i32 {
      %mul3A_297 = arith.constant 8 : i32
      %mul3A_298 = arith.muli %scan3A_296, %mul3A_297 : i32
      %dma_wait3A = arith.constant 0 : i32
      %dma_wait3A_299 = tpu.memref_slice %arg7[%mul3A_298, %dma_wait3A] : memref<256x32xf32, #tpu.memory_space<vmem>> -> memref<8x32xf32, #tpu.memory_space<vmem>>
      %dma_wait3A_300 = arith.constant 0 : i32
      %dma_wait3A_301 = arith.constant 0 : i32
      %dma_wait3A_302 = tpu.memref_slice %arg2[%dma_wait3A_300, %dma_wait3A_301] : memref<1000000x32xf32, #tpu.memory_space<hbm>> -> memref<8x32xf32, #tpu.memory_space<hbm>>
      %dma_wait3A_303 = arith.constant 0 : i32
      %dma_wait3A_304 = tpu.memref_slice %arg7[%mul3A_298, %dma_wait3A_303] : memref<256x32xf32, #tpu.memory_space<vmem>> -> memref<8x32xf32, #tpu.memory_space<vmem>>
      %dma_wait3A_305 = arith.constant 0 : i32
      %dma_wait3A_306 = arith.constant 0 : i32
      %dma_wait3A_307 = tpu.memref_slice %arg2[%dma_wait3A_305, %dma_wait3A_306] : memref<1000000x32xf32, #tpu.memory_space<hbm>> -> memref<8x32xf32, #tpu.memory_space<hbm>>
      tpu.wait_dma2 semaphore(%arg9 : memref<!tpu.dma_semaphore, #tpu.memory_space<semaphore_mem>>) src(%dma_wait3A_307 : memref<8x32xf32, #tpu.memory_space<hbm>>) dst(%dma_wait3A_304 : memref<8x32xf32, #tpu.memory_space<vmem>>)
    }
    %scan3A_163 = arith.constant 32 : i32
    %scan3A_164 = arith.constant 0 : i32
    %scan3A_165 = arith.constant 0 : i32
    %scan3A_166 = arith.constant 32 : i32
    %scan3A_167 = arith.addi %scan3A_165, %scan3A_166 : i32
    %scan3A_168 = arith.constant 1 : i32
    scf.for %scan3A_296 = %scan3A_165 to %scan3A_167 step %scan3A_168  : i32 {
      %add3A_297 = arith.constant 256 : i32
      %add3A_298 = arith.addi %add3A_297, %scan3A_296 : i32
      %get3A = arith.index_cast %add3A_298 : i32 to index
      %get3A_299 = tpu.vector_load %arg5[%get3A] {strides = array<i32>} : memref<528xi32, #tpu.memory_space<vmem>>, vector<16xi32>,
      %get3A_300 = vector.shape_cast %get3A_299 : vector<16xi32> to vector<16xi32>
      %slice3A = vector.extract_strided_slice %get3A_300 {offsets = [0], sizes = [1], strides = [1]} : vector<16xi32> to vector<1xi32>
      %squeeze3A = vector.extract %slice3A[0] : i32 from vector<1xi32>
      %and3A = arith.constant 7 : i32
      %and3A_301 = arith.andi %squeeze3A, %and3A : i32
      %mul3A_302 = arith.constant 8 : i32
      %mul3A_303 = arith.muli %scan3A_296, %mul3A_302 : i32
      %add3A_304 = arith.addi %mul3A_303, %and3A_301 : i32
      %get3A_305 = arith.index_cast %add3A_304 : i32 to index
      %get3A_306 = arith.constant 0 : index
      %get3A_307 = tpu.vector_load %arg7[%get3A_305, %get3A_306] {strides = array<i32>} : memref<256x32xf32, #tpu.memory_space<vmem>>, vector<1x16xf32>,
      %get3A_308 = vector.shape_cast %get3A_307 : vector<1x16xf32> to vector<16xf32>
      %swap3A = arith.index_cast %add3A_298 : i32 to index
      %swap3A_309 = arith.constant 0 : index
      %swap3A_310 = tpu.vector_load %arg8[%swap3A, %swap3A_309] {strides = array<i32>} : memref<512x32xf32, #tpu.memory_space<vmem>>, vector<1x16xf32>,
      %swap3A_311 = vector.shape_cast %swap3A_310 : vector<1x16xf32> to vector<16xf32>
      %swap3A_312 = vector.shape_cast %get3A_308 : vector<16xf32> to vector<1x16xf32>
      tpu.vector_store %arg8[%swap3A, %swap3A_309], %swap3A_312 {strides = array<i32>} : memref<512x32xf32, #tpu.memory_space<vmem>>, vector<1x16xf32>,
      %get3A_313 = arith.index_cast %add3A_304 : i32 to index
      %get3A_314 = arith.constant 16 : index
      %get3A_315 = tpu.vector_load %arg7[%get3A_313, %get3A_314] {strides = array<i32>} : memref<256x32xf32, #tpu.memory_space<vmem>>, vector<1x16xf32>,
      %get3A_316 = vector.shape_cast %get3A_315 : vector<1x16xf32> to vector<16xf32>
      %swap3A_317 = arith.index_cast %add3A_298 : i32 to index
      %swap3A_318 = arith.constant 16 : index
      %swap3A_319 = tpu.vector_load %arg8[%swap3A_317, %swap3A_318] {strides = array<i32>} : memref<512x32xf32, #tpu.memory_space<vmem>>, vector<1x16xf32>,
      %swap3A_320 = vector.shape_cast %swap3A_319 : vector<1x16xf32> to vector<16xf32>
      %swap3A_321 = vector.shape_cast %get3A_316 : vector<16xf32> to vector<1x16xf32>
      tpu.vector_store %arg8[%swap3A_317, %swap3A_318], %swap3A_321 {strides = array<i32>} : memref<512x32xf32, #tpu.memory_space<vmem>>, vector<1x16xf32>,
    }
    %scan3A_169 = arith.constant 32 : i32
    %scan3A_170 = arith.constant 0 : i32
    %scan3A_171 = arith.constant 0 : i32
    %scan3A_172 = arith.constant 32 : i32
    %scan3A_173 = arith.addi %scan3A_171, %scan3A_172 : i32
    %scan3A_174 = arith.constant 1 : i32
    scf.for %scan3A_296 = %scan3A_171 to %scan3A_173 step %scan3A_174  : i32 {
      %add3A_297 = arith.constant 288 : i32
      %add3A_298 = arith.addi %add3A_297, %scan3A_296 : i32
      %get3A = arith.index_cast %add3A_298 : i32 to index
      %get3A_299 = tpu.vector_load %arg6[%get3A] {strides = array<i32>} : memref<528xi32, #tpu.memory_space<vmem>>, vector<16xi32>,
      %get3A_300 = vector.shape_cast %get3A_299 : vector<16xi32> to vector<16xi32>
      %slice3A = vector.extract_strided_slice %get3A_300 {offsets = [0], sizes = [1], strides = [1]} : vector<16xi32> to vector<1xi32>
      %squeeze3A = vector.extract %slice3A[0] : i32 from vector<1xi32>
      %multiple_of3A = tpu.assume_multiple %squeeze3A, 8 : i32
      %mul3A_301 = arith.constant 8 : i32
      %mul3A_302 = arith.muli %scan3A_296, %mul3A_301 : i32
      %dma_start3A = arith.constant 0 : i32
      %dma_start3A_303 = tpu.memref_slice %arg7[%mul3A_302, %dma_start3A] : memref<256x32xf32, #tpu.memory_space<vmem>> -> memref<8x32xf32, #tpu.memory_space<vmem>>
      %dma_start3A_304 = arith.constant 0 : i32
      %dma_start3A_305 = tpu.memref_slice %arg2[%multiple_of3A, %dma_start3A_304] : memref<1000000x32xf32, #tpu.memory_space<hbm>> -> memref<8x32xf32, #tpu.memory_space<hbm>>
      %dma_start3A_306 = arith.constant 0 : i32
      %dma_start3A_307 = tpu.memref_slice %arg7[%mul3A_302, %dma_start3A_306] : memref<256x32xf32, #tpu.memory_space<vmem>> -> memref<8x32xf32, #tpu.memory_space<vmem>>
      %dma_start3A_308 = arith.constant 0 : i32
      %dma_start3A_309 = tpu.memref_slice %arg2[%multiple_of3A, %dma_start3A_308] : memref<1000000x32xf32, #tpu.memory_space<hbm>> -> memref<8x32xf32, #tpu.memory_space<hbm>>
      tpu.enqueue_dma source(%dma_start3A_309 : memref<8x32xf32, #tpu.memory_space<hbm>>) target(%dma_start3A_307 : memref<8x32xf32, #tpu.memory_space<vmem>>) target_semaphore(%arg9 : memref<!tpu.dma_semaphore, #tpu.memory_space<semaphore_mem>>)
    }
    %scan3A_175 = arith.constant 32 : i32
    %scan3A_176 = arith.constant 0 : i32
    %scan3A_177 = arith.constant 0 : i32
    %scan3A_178 = arith.constant 32 : i32
    %scan3A_179 = arith.addi %scan3A_177, %scan3A_178 : i32
    %scan3A_180 = arith.constant 1 : i32
    scf.for %scan3A_296 = %scan3A_177 to %scan3A_179 step %scan3A_180  : i32 {
      %mul3A_297 = arith.constant 8 : i32
      %mul3A_298 = arith.muli %scan3A_296, %mul3A_297 : i32
      %dma_wait3A = arith.constant 0 : i32
      %dma_wait3A_299 = tpu.memref_slice %arg7[%mul3A_298, %dma_wait3A] : memref<256x32xf32, #tpu.memory_space<vmem>> -> memref<8x32xf32, #tpu.memory_space<vmem>>
      %dma_wait3A_300 = arith.constant 0 : i32
      %dma_wait3A_301 = arith.constant 0 : i32
      %dma_wait3A_302 = tpu.memref_slice %arg2[%dma_wait3A_300, %dma_wait3A_301] : memref<1000000x32xf32, #tpu.memory_space<hbm>> -> memref<8x32xf32, #tpu.memory_space<hbm>>
      %dma_wait3A_303 = arith.constant 0 : i32
      %dma_wait3A_304 = tpu.memref_slice %arg7[%mul3A_298, %dma_wait3A_303] : memref<256x32xf32, #tpu.memory_space<vmem>> -> memref<8x32xf32, #tpu.memory_space<vmem>>
      %dma_wait3A_305 = arith.constant 0 : i32
      %dma_wait3A_306 = arith.constant 0 : i32
      %dma_wait3A_307 = tpu.memref_slice %arg2[%dma_wait3A_305, %dma_wait3A_306] : memref<1000000x32xf32, #tpu.memory_space<hbm>> -> memref<8x32xf32, #tpu.memory_space<hbm>>
      tpu.wait_dma2 semaphore(%arg9 : memref<!tpu.dma_semaphore, #tpu.memory_space<semaphore_mem>>) src(%dma_wait3A_307 : memref<8x32xf32, #tpu.memory_space<hbm>>) dst(%dma_wait3A_304 : memref<8x32xf32, #tpu.memory_space<vmem>>)
    }
    %scan3A_181 = arith.constant 32 : i32
    %scan3A_182 = arith.constant 0 : i32
    %scan3A_183 = arith.constant 0 : i32
    %scan3A_184 = arith.constant 32 : i32
    %scan3A_185 = arith.addi %scan3A_183, %scan3A_184 : i32
    %scan3A_186 = arith.constant 1 : i32
    scf.for %scan3A_296 = %scan3A_183 to %scan3A_185 step %scan3A_186  : i32 {
      %add3A_297 = arith.constant 288 : i32
      %add3A_298 = arith.addi %add3A_297, %scan3A_296 : i32
      %get3A = arith.index_cast %add3A_298 : i32 to index
      %get3A_299 = tpu.vector_load %arg5[%get3A] {strides = array<i32>} : memref<528xi32, #tpu.memory_space<vmem>>, vector<16xi32>,
      %get3A_300 = vector.shape_cast %get3A_299 : vector<16xi32> to vector<16xi32>
      %slice3A = vector.extract_strided_slice %get3A_300 {offsets = [0], sizes = [1], strides = [1]} : vector<16xi32> to vector<1xi32>
      %squeeze3A = vector.extract %slice3A[0] : i32 from vector<1xi32>
      %and3A = arith.constant 7 : i32
      %and3A_301 = arith.andi %squeeze3A, %and3A : i32
      %mul3A_302 = arith.constant 8 : i32
      %mul3A_303 = arith.muli %scan3A_296, %mul3A_302 : i32
      %add3A_304 = arith.addi %mul3A_303, %and3A_301 : i32
      %get3A_305 = arith.index_cast %add3A_304 : i32 to index
      %get3A_306 = arith.constant 0 : index
      %get3A_307 = tpu.vector_load %arg7[%get3A_305, %get3A_306] {strides = array<i32>} : memref<256x32xf32, #tpu.memory_space<vmem>>, vector<1x16xf32>,
      %get3A_308 = vector.shape_cast %get3A_307 : vector<1x16xf32> to vector<16xf32>
      %swap3A = arith.index_cast %add3A_298 : i32 to index
      %swap3A_309 = arith.constant 0 : index
      %swap3A_310 = tpu.vector_load %arg8[%swap3A, %swap3A_309] {strides = array<i32>} : memref<512x32xf32, #tpu.memory_space<vmem>>, vector<1x16xf32>,
      %swap3A_311 = vector.shape_cast %swap3A_310 : vector<1x16xf32> to vector<16xf32>
      %swap3A_312 = vector.shape_cast %get3A_308 : vector<16xf32> to vector<1x16xf32>
      tpu.vector_store %arg8[%swap3A, %swap3A_309], %swap3A_312 {strides = array<i32>} : memref<512x32xf32, #tpu.memory_space<vmem>>, vector<1x16xf32>,
      %get3A_313 = arith.index_cast %add3A_304 : i32 to index
      %get3A_314 = arith.constant 16 : index
      %get3A_315 = tpu.vector_load %arg7[%get3A_313, %get3A_314] {strides = array<i32>} : memref<256x32xf32, #tpu.memory_space<vmem>>, vector<1x16xf32>,
      %get3A_316 = vector.shape_cast %get3A_315 : vector<1x16xf32> to vector<16xf32>
      %swap3A_317 = arith.index_cast %add3A_298 : i32 to index
      %swap3A_318 = arith.constant 16 : index
      %swap3A_319 = tpu.vector_load %arg8[%swap3A_317, %swap3A_318] {strides = array<i32>} : memref<512x32xf32, #tpu.memory_space<vmem>>, vector<1x16xf32>,
      %swap3A_320 = vector.shape_cast %swap3A_319 : vector<1x16xf32> to vector<16xf32>
      %swap3A_321 = vector.shape_cast %get3A_316 : vector<16xf32> to vector<1x16xf32>
      tpu.vector_store %arg8[%swap3A_317, %swap3A_318], %swap3A_321 {strides = array<i32>} : memref<512x32xf32, #tpu.memory_space<vmem>>, vector<1x16xf32>,
    }
    %scan3A_187 = arith.constant 32 : i32
    %scan3A_188 = arith.constant 0 : i32
    %scan3A_189 = arith.constant 0 : i32
    %scan3A_190 = arith.constant 32 : i32
    %scan3A_191 = arith.addi %scan3A_189, %scan3A_190 : i32
    %scan3A_192 = arith.constant 1 : i32
    scf.for %scan3A_296 = %scan3A_189 to %scan3A_191 step %scan3A_192  : i32 {
      %add3A_297 = arith.constant 320 : i32
      %add3A_298 = arith.addi %add3A_297, %scan3A_296 : i32
      %get3A = arith.index_cast %add3A_298 : i32 to index
      %get3A_299 = tpu.vector_load %arg6[%get3A] {strides = array<i32>} : memref<528xi32, #tpu.memory_space<vmem>>, vector<16xi32>,
      %get3A_300 = vector.shape_cast %get3A_299 : vector<16xi32> to vector<16xi32>
      %slice3A = vector.extract_strided_slice %get3A_300 {offsets = [0], sizes = [1], strides = [1]} : vector<16xi32> to vector<1xi32>
      %squeeze3A = vector.extract %slice3A[0] : i32 from vector<1xi32>
      %multiple_of3A = tpu.assume_multiple %squeeze3A, 8 : i32
      %mul3A_301 = arith.constant 8 : i32
      %mul3A_302 = arith.muli %scan3A_296, %mul3A_301 : i32
      %dma_start3A = arith.constant 0 : i32
      %dma_start3A_303 = tpu.memref_slice %arg7[%mul3A_302, %dma_start3A] : memref<256x32xf32, #tpu.memory_space<vmem>> -> memref<8x32xf32, #tpu.memory_space<vmem>>
      %dma_start3A_304 = arith.constant 0 : i32
      %dma_start3A_305 = tpu.memref_slice %arg2[%multiple_of3A, %dma_start3A_304] : memref<1000000x32xf32, #tpu.memory_space<hbm>> -> memref<8x32xf32, #tpu.memory_space<hbm>>
      %dma_start3A_306 = arith.constant 0 : i32
      %dma_start3A_307 = tpu.memref_slice %arg7[%mul3A_302, %dma_start3A_306] : memref<256x32xf32, #tpu.memory_space<vmem>> -> memref<8x32xf32, #tpu.memory_space<vmem>>
      %dma_start3A_308 = arith.constant 0 : i32
      %dma_start3A_309 = tpu.memref_slice %arg2[%multiple_of3A, %dma_start3A_308] : memref<1000000x32xf32, #tpu.memory_space<hbm>> -> memref<8x32xf32, #tpu.memory_space<hbm>>
      tpu.enqueue_dma source(%dma_start3A_309 : memref<8x32xf32, #tpu.memory_space<hbm>>) target(%dma_start3A_307 : memref<8x32xf32, #tpu.memory_space<vmem>>) target_semaphore(%arg9 : memref<!tpu.dma_semaphore, #tpu.memory_space<semaphore_mem>>)
    }
    %scan3A_193 = arith.constant 32 : i32
    %scan3A_194 = arith.constant 0 : i32
    %scan3A_195 = arith.constant 0 : i32
    %scan3A_196 = arith.constant 32 : i32
    %scan3A_197 = arith.addi %scan3A_195, %scan3A_196 : i32
    %scan3A_198 = arith.constant 1 : i32
    scf.for %scan3A_296 = %scan3A_195 to %scan3A_197 step %scan3A_198  : i32 {
      %mul3A_297 = arith.constant 8 : i32
      %mul3A_298 = arith.muli %scan3A_296, %mul3A_297 : i32
      %dma_wait3A = arith.constant 0 : i32
      %dma_wait3A_299 = tpu.memref_slice %arg7[%mul3A_298, %dma_wait3A] : memref<256x32xf32, #tpu.memory_space<vmem>> -> memref<8x32xf32, #tpu.memory_space<vmem>>
      %dma_wait3A_300 = arith.constant 0 : i32
      %dma_wait3A_301 = arith.constant 0 : i32
      %dma_wait3A_302 = tpu.memref_slice %arg2[%dma_wait3A_300, %dma_wait3A_301] : memref<1000000x32xf32, #tpu.memory_space<hbm>> -> memref<8x32xf32, #tpu.memory_space<hbm>>
      %dma_wait3A_303 = arith.constant 0 : i32
      %dma_wait3A_304 = tpu.memref_slice %arg7[%mul3A_298, %dma_wait3A_303] : memref<256x32xf32, #tpu.memory_space<vmem>> -> memref<8x32xf32, #tpu.memory_space<vmem>>
      %dma_wait3A_305 = arith.constant 0 : i32
      %dma_wait3A_306 = arith.constant 0 : i32
      %dma_wait3A_307 = tpu.memref_slice %arg2[%dma_wait3A_305, %dma_wait3A_306] : memref<1000000x32xf32, #tpu.memory_space<hbm>> -> memref<8x32xf32, #tpu.memory_space<hbm>>
      tpu.wait_dma2 semaphore(%arg9 : memref<!tpu.dma_semaphore, #tpu.memory_space<semaphore_mem>>) src(%dma_wait3A_307 : memref<8x32xf32, #tpu.memory_space<hbm>>) dst(%dma_wait3A_304 : memref<8x32xf32, #tpu.memory_space<vmem>>)
    }
    %scan3A_199 = arith.constant 32 : i32
    %scan3A_200 = arith.constant 0 : i32
    %scan3A_201 = arith.constant 0 : i32
    %scan3A_202 = arith.constant 32 : i32
    %scan3A_203 = arith.addi %scan3A_201, %scan3A_202 : i32
    %scan3A_204 = arith.constant 1 : i32
    scf.for %scan3A_296 = %scan3A_201 to %scan3A_203 step %scan3A_204  : i32 {
      %add3A_297 = arith.constant 320 : i32
      %add3A_298 = arith.addi %add3A_297, %scan3A_296 : i32
      %get3A = arith.index_cast %add3A_298 : i32 to index
      %get3A_299 = tpu.vector_load %arg5[%get3A] {strides = array<i32>} : memref<528xi32, #tpu.memory_space<vmem>>, vector<16xi32>,
      %get3A_300 = vector.shape_cast %get3A_299 : vector<16xi32> to vector<16xi32>
      %slice3A = vector.extract_strided_slice %get3A_300 {offsets = [0], sizes = [1], strides = [1]} : vector<16xi32> to vector<1xi32>
      %squeeze3A = vector.extract %slice3A[0] : i32 from vector<1xi32>
      %and3A = arith.constant 7 : i32
      %and3A_301 = arith.andi %squeeze3A, %and3A : i32
      %mul3A_302 = arith.constant 8 : i32
      %mul3A_303 = arith.muli %scan3A_296, %mul3A_302 : i32
      %add3A_304 = arith.addi %mul3A_303, %and3A_301 : i32
      %get3A_305 = arith.index_cast %add3A_304 : i32 to index
      %get3A_306 = arith.constant 0 : index
      %get3A_307 = tpu.vector_load %arg7[%get3A_305, %get3A_306] {strides = array<i32>} : memref<256x32xf32, #tpu.memory_space<vmem>>, vector<1x16xf32>,
      %get3A_308 = vector.shape_cast %get3A_307 : vector<1x16xf32> to vector<16xf32>
      %swap3A = arith.index_cast %add3A_298 : i32 to index
      %swap3A_309 = arith.constant 0 : index
      %swap3A_310 = tpu.vector_load %arg8[%swap3A, %swap3A_309] {strides = array<i32>} : memref<512x32xf32, #tpu.memory_space<vmem>>, vector<1x16xf32>,
      %swap3A_311 = vector.shape_cast %swap3A_310 : vector<1x16xf32> to vector<16xf32>
      %swap3A_312 = vector.shape_cast %get3A_308 : vector<16xf32> to vector<1x16xf32>
      tpu.vector_store %arg8[%swap3A, %swap3A_309], %swap3A_312 {strides = array<i32>} : memref<512x32xf32, #tpu.memory_space<vmem>>, vector<1x16xf32>,
      %get3A_313 = arith.index_cast %add3A_304 : i32 to index
      %get3A_314 = arith.constant 16 : index
      %get3A_315 = tpu.vector_load %arg7[%get3A_313, %get3A_314] {strides = array<i32>} : memref<256x32xf32, #tpu.memory_space<vmem>>, vector<1x16xf32>,
      %get3A_316 = vector.shape_cast %get3A_315 : vector<1x16xf32> to vector<16xf32>
      %swap3A_317 = arith.index_cast %add3A_298 : i32 to index
      %swap3A_318 = arith.constant 16 : index
      %swap3A_319 = tpu.vector_load %arg8[%swap3A_317, %swap3A_318] {strides = array<i32>} : memref<512x32xf32, #tpu.memory_space<vmem>>, vector<1x16xf32>,
      %swap3A_320 = vector.shape_cast %swap3A_319 : vector<1x16xf32> to vector<16xf32>
      %swap3A_321 = vector.shape_cast %get3A_316 : vector<16xf32> to vector<1x16xf32>
      tpu.vector_store %arg8[%swap3A_317, %swap3A_318], %swap3A_321 {strides = array<i32>} : memref<512x32xf32, #tpu.memory_space<vmem>>, vector<1x16xf32>,
    }
    %scan3A_205 = arith.constant 32 : i32
    %scan3A_206 = arith.constant 0 : i32
    %scan3A_207 = arith.constant 0 : i32
    %scan3A_208 = arith.constant 32 : i32
    %scan3A_209 = arith.addi %scan3A_207, %scan3A_208 : i32
    %scan3A_210 = arith.constant 1 : i32
    scf.for %scan3A_296 = %scan3A_207 to %scan3A_209 step %scan3A_210  : i32 {
      %add3A_297 = arith.constant 352 : i32
      %add3A_298 = arith.addi %add3A_297, %scan3A_296 : i32
      %get3A = arith.index_cast %add3A_298 : i32 to index
      %get3A_299 = tpu.vector_load %arg6[%get3A] {strides = array<i32>} : memref<528xi32, #tpu.memory_space<vmem>>, vector<16xi32>,
      %get3A_300 = vector.shape_cast %get3A_299 : vector<16xi32> to vector<16xi32>
      %slice3A = vector.extract_strided_slice %get3A_300 {offsets = [0], sizes = [1], strides = [1]} : vector<16xi32> to vector<1xi32>
      %squeeze3A = vector.extract %slice3A[0] : i32 from vector<1xi32>
      %multiple_of3A = tpu.assume_multiple %squeeze3A, 8 : i32
      %mul3A_301 = arith.constant 8 : i32
      %mul3A_302 = arith.muli %scan3A_296, %mul3A_301 : i32
      %dma_start3A = arith.constant 0 : i32
      %dma_start3A_303 = tpu.memref_slice %arg7[%mul3A_302, %dma_start3A] : memref<256x32xf32, #tpu.memory_space<vmem>> -> memref<8x32xf32, #tpu.memory_space<vmem>>
      %dma_start3A_304 = arith.constant 0 : i32
      %dma_start3A_305 = tpu.memref_slice %arg2[%multiple_of3A, %dma_start3A_304] : memref<1000000x32xf32, #tpu.memory_space<hbm>> -> memref<8x32xf32, #tpu.memory_space<hbm>>
      %dma_start3A_306 = arith.constant 0 : i32
      %dma_start3A_307 = tpu.memref_slice %arg7[%mul3A_302, %dma_start3A_306] : memref<256x32xf32, #tpu.memory_space<vmem>> -> memref<8x32xf32, #tpu.memory_space<vmem>>
      %dma_start3A_308 = arith.constant 0 : i32
      %dma_start3A_309 = tpu.memref_slice %arg2[%multiple_of3A, %dma_start3A_308] : memref<1000000x32xf32, #tpu.memory_space<hbm>> -> memref<8x32xf32, #tpu.memory_space<hbm>>
      tpu.enqueue_dma source(%dma_start3A_309 : memref<8x32xf32, #tpu.memory_space<hbm>>) target(%dma_start3A_307 : memref<8x32xf32, #tpu.memory_space<vmem>>) target_semaphore(%arg9 : memref<!tpu.dma_semaphore, #tpu.memory_space<semaphore_mem>>)
    }
    %scan3A_211 = arith.constant 32 : i32
    %scan3A_212 = arith.constant 0 : i32
    %scan3A_213 = arith.constant 0 : i32
    %scan3A_214 = arith.constant 32 : i32
    %scan3A_215 = arith.addi %scan3A_213, %scan3A_214 : i32
    %scan3A_216 = arith.constant 1 : i32
    scf.for %scan3A_296 = %scan3A_213 to %scan3A_215 step %scan3A_216  : i32 {
      %mul3A_297 = arith.constant 8 : i32
      %mul3A_298 = arith.muli %scan3A_296, %mul3A_297 : i32
      %dma_wait3A = arith.constant 0 : i32
      %dma_wait3A_299 = tpu.memref_slice %arg7[%mul3A_298, %dma_wait3A] : memref<256x32xf32, #tpu.memory_space<vmem>> -> memref<8x32xf32, #tpu.memory_space<vmem>>
      %dma_wait3A_300 = arith.constant 0 : i32
      %dma_wait3A_301 = arith.constant 0 : i32
      %dma_wait3A_302 = tpu.memref_slice %arg2[%dma_wait3A_300, %dma_wait3A_301] : memref<1000000x32xf32, #tpu.memory_space<hbm>> -> memref<8x32xf32, #tpu.memory_space<hbm>>
      %dma_wait3A_303 = arith.constant 0 : i32
      %dma_wait3A_304 = tpu.memref_slice %arg7[%mul3A_298, %dma_wait3A_303] : memref<256x32xf32, #tpu.memory_space<vmem>> -> memref<8x32xf32, #tpu.memory_space<vmem>>
      %dma_wait3A_305 = arith.constant 0 : i32
      %dma_wait3A_306 = arith.constant 0 : i32
      %dma_wait3A_307 = tpu.memref_slice %arg2[%dma_wait3A_305, %dma_wait3A_306] : memref<1000000x32xf32, #tpu.memory_space<hbm>> -> memref<8x32xf32, #tpu.memory_space<hbm>>
      tpu.wait_dma2 semaphore(%arg9 : memref<!tpu.dma_semaphore, #tpu.memory_space<semaphore_mem>>) src(%dma_wait3A_307 : memref<8x32xf32, #tpu.memory_space<hbm>>) dst(%dma_wait3A_304 : memref<8x32xf32, #tpu.memory_space<vmem>>)
    }
    %scan3A_217 = arith.constant 32 : i32
    %scan3A_218 = arith.constant 0 : i32
    %scan3A_219 = arith.constant 0 : i32
    %scan3A_220 = arith.constant 32 : i32
    %scan3A_221 = arith.addi %scan3A_219, %scan3A_220 : i32
    %scan3A_222 = arith.constant 1 : i32
    scf.for %scan3A_296 = %scan3A_219 to %scan3A_221 step %scan3A_222  : i32 {
      %add3A_297 = arith.constant 352 : i32
      %add3A_298 = arith.addi %add3A_297, %scan3A_296 : i32
      %get3A = arith.index_cast %add3A_298 : i32 to index
      %get3A_299 = tpu.vector_load %arg5[%get3A] {strides = array<i32>} : memref<528xi32, #tpu.memory_space<vmem>>, vector<16xi32>,
      %get3A_300 = vector.shape_cast %get3A_299 : vector<16xi32> to vector<16xi32>
      %slice3A = vector.extract_strided_slice %get3A_300 {offsets = [0], sizes = [1], strides = [1]} : vector<16xi32> to vector<1xi32>
      %squeeze3A = vector.extract %slice3A[0] : i32 from vector<1xi32>
      %and3A = arith.constant 7 : i32
      %and3A_301 = arith.andi %squeeze3A, %and3A : i32
      %mul3A_302 = arith.constant 8 : i32
      %mul3A_303 = arith.muli %scan3A_296, %mul3A_302 : i32
      %add3A_304 = arith.addi %mul3A_303, %and3A_301 : i32
      %get3A_305 = arith.index_cast %add3A_304 : i32 to index
      %get3A_306 = arith.constant 0 : index
      %get3A_307 = tpu.vector_load %arg7[%get3A_305, %get3A_306] {strides = array<i32>} : memref<256x32xf32, #tpu.memory_space<vmem>>, vector<1x16xf32>,
      %get3A_308 = vector.shape_cast %get3A_307 : vector<1x16xf32> to vector<16xf32>
      %swap3A = arith.index_cast %add3A_298 : i32 to index
      %swap3A_309 = arith.constant 0 : index
      %swap3A_310 = tpu.vector_load %arg8[%swap3A, %swap3A_309] {strides = array<i32>} : memref<512x32xf32, #tpu.memory_space<vmem>>, vector<1x16xf32>,
      %swap3A_311 = vector.shape_cast %swap3A_310 : vector<1x16xf32> to vector<16xf32>
      %swap3A_312 = vector.shape_cast %get3A_308 : vector<16xf32> to vector<1x16xf32>
      tpu.vector_store %arg8[%swap3A, %swap3A_309], %swap3A_312 {strides = array<i32>} : memref<512x32xf32, #tpu.memory_space<vmem>>, vector<1x16xf32>,
      %get3A_313 = arith.index_cast %add3A_304 : i32 to index
      %get3A_314 = arith.constant 16 : index
      %get3A_315 = tpu.vector_load %arg7[%get3A_313, %get3A_314] {strides = array<i32>} : memref<256x32xf32, #tpu.memory_space<vmem>>, vector<1x16xf32>,
      %get3A_316 = vector.shape_cast %get3A_315 : vector<1x16xf32> to vector<16xf32>
      %swap3A_317 = arith.index_cast %add3A_298 : i32 to index
      %swap3A_318 = arith.constant 16 : index
      %swap3A_319 = tpu.vector_load %arg8[%swap3A_317, %swap3A_318] {strides = array<i32>} : memref<512x32xf32, #tpu.memory_space<vmem>>, vector<1x16xf32>,
      %swap3A_320 = vector.shape_cast %swap3A_319 : vector<1x16xf32> to vector<16xf32>
      %swap3A_321 = vector.shape_cast %get3A_316 : vector<16xf32> to vector<1x16xf32>
      tpu.vector_store %arg8[%swap3A_317, %swap3A_318], %swap3A_321 {strides = array<i32>} : memref<512x32xf32, #tpu.memory_space<vmem>>, vector<1x16xf32>,
    }
    %scan3A_223 = arith.constant 32 : i32
    %scan3A_224 = arith.constant 0 : i32
    %scan3A_225 = arith.constant 0 : i32
    %scan3A_226 = arith.constant 32 : i32
    %scan3A_227 = arith.addi %scan3A_225, %scan3A_226 : i32
    %scan3A_228 = arith.constant 1 : i32
    scf.for %scan3A_296 = %scan3A_225 to %scan3A_227 step %scan3A_228  : i32 {
      %add3A_297 = arith.constant 384 : i32
      %add3A_298 = arith.addi %add3A_297, %scan3A_296 : i32
      %get3A = arith.index_cast %add3A_298 : i32 to index
      %get3A_299 = tpu.vector_load %arg6[%get3A] {strides = array<i32>} : memref<528xi32, #tpu.memory_space<vmem>>, vector<16xi32>,
      %get3A_300 = vector.shape_cast %get3A_299 : vector<16xi32> to vector<16xi32>
      %slice3A = vector.extract_strided_slice %get3A_300 {offsets = [0], sizes = [1], strides = [1]} : vector<16xi32> to vector<1xi32>
      %squeeze3A = vector.extract %slice3A[0] : i32 from vector<1xi32>
      %multiple_of3A = tpu.assume_multiple %squeeze3A, 8 : i32
      %mul3A_301 = arith.constant 8 : i32
      %mul3A_302 = arith.muli %scan3A_296, %mul3A_301 : i32
      %dma_start3A = arith.constant 0 : i32
      %dma_start3A_303 = tpu.memref_slice %arg7[%mul3A_302, %dma_start3A] : memref<256x32xf32, #tpu.memory_space<vmem>> -> memref<8x32xf32, #tpu.memory_space<vmem>>
      %dma_start3A_304 = arith.constant 0 : i32
      %dma_start3A_305 = tpu.memref_slice %arg2[%multiple_of3A, %dma_start3A_304] : memref<1000000x32xf32, #tpu.memory_space<hbm>> -> memref<8x32xf32, #tpu.memory_space<hbm>>
      %dma_start3A_306 = arith.constant 0 : i32
      %dma_start3A_307 = tpu.memref_slice %arg7[%mul3A_302, %dma_start3A_306] : memref<256x32xf32, #tpu.memory_space<vmem>> -> memref<8x32xf32, #tpu.memory_space<vmem>>
      %dma_start3A_308 = arith.constant 0 : i32
      %dma_start3A_309 = tpu.memref_slice %arg2[%multiple_of3A, %dma_start3A_308] : memref<1000000x32xf32, #tpu.memory_space<hbm>> -> memref<8x32xf32, #tpu.memory_space<hbm>>
      tpu.enqueue_dma source(%dma_start3A_309 : memref<8x32xf32, #tpu.memory_space<hbm>>) target(%dma_start3A_307 : memref<8x32xf32, #tpu.memory_space<vmem>>) target_semaphore(%arg9 : memref<!tpu.dma_semaphore, #tpu.memory_space<semaphore_mem>>)
    }
    %scan3A_229 = arith.constant 32 : i32
    %scan3A_230 = arith.constant 0 : i32
    %scan3A_231 = arith.constant 0 : i32
    %scan3A_232 = arith.constant 32 : i32
    %scan3A_233 = arith.addi %scan3A_231, %scan3A_232 : i32
    %scan3A_234 = arith.constant 1 : i32
    scf.for %scan3A_296 = %scan3A_231 to %scan3A_233 step %scan3A_234  : i32 {
      %mul3A_297 = arith.constant 8 : i32
      %mul3A_298 = arith.muli %scan3A_296, %mul3A_297 : i32
      %dma_wait3A = arith.constant 0 : i32
      %dma_wait3A_299 = tpu.memref_slice %arg7[%mul3A_298, %dma_wait3A] : memref<256x32xf32, #tpu.memory_space<vmem>> -> memref<8x32xf32, #tpu.memory_space<vmem>>
      %dma_wait3A_300 = arith.constant 0 : i32
      %dma_wait3A_301 = arith.constant 0 : i32
      %dma_wait3A_302 = tpu.memref_slice %arg2[%dma_wait3A_300, %dma_wait3A_301] : memref<1000000x32xf32, #tpu.memory_space<hbm>> -> memref<8x32xf32, #tpu.memory_space<hbm>>
      %dma_wait3A_303 = arith.constant 0 : i32
      %dma_wait3A_304 = tpu.memref_slice %arg7[%mul3A_298, %dma_wait3A_303] : memref<256x32xf32, #tpu.memory_space<vmem>> -> memref<8x32xf32, #tpu.memory_space<vmem>>
      %dma_wait3A_305 = arith.constant 0 : i32
      %dma_wait3A_306 = arith.constant 0 : i32
      %dma_wait3A_307 = tpu.memref_slice %arg2[%dma_wait3A_305, %dma_wait3A_306] : memref<1000000x32xf32, #tpu.memory_space<hbm>> -> memref<8x32xf32, #tpu.memory_space<hbm>>
      tpu.wait_dma2 semaphore(%arg9 : memref<!tpu.dma_semaphore, #tpu.memory_space<semaphore_mem>>) src(%dma_wait3A_307 : memref<8x32xf32, #tpu.memory_space<hbm>>) dst(%dma_wait3A_304 : memref<8x32xf32, #tpu.memory_space<vmem>>)
    }
    %scan3A_235 = arith.constant 32 : i32
    %scan3A_236 = arith.constant 0 : i32
    %scan3A_237 = arith.constant 0 : i32
    %scan3A_238 = arith.constant 32 : i32
    %scan3A_239 = arith.addi %scan3A_237, %scan3A_238 : i32
    %scan3A_240 = arith.constant 1 : i32
    scf.for %scan3A_296 = %scan3A_237 to %scan3A_239 step %scan3A_240  : i32 {
      %add3A_297 = arith.constant 384 : i32
      %add3A_298 = arith.addi %add3A_297, %scan3A_296 : i32
      %get3A = arith.index_cast %add3A_298 : i32 to index
      %get3A_299 = tpu.vector_load %arg5[%get3A] {strides = array<i32>} : memref<528xi32, #tpu.memory_space<vmem>>, vector<16xi32>,
      %get3A_300 = vector.shape_cast %get3A_299 : vector<16xi32> to vector<16xi32>
      %slice3A = vector.extract_strided_slice %get3A_300 {offsets = [0], sizes = [1], strides = [1]} : vector<16xi32> to vector<1xi32>
      %squeeze3A = vector.extract %slice3A[0] : i32 from vector<1xi32>
      %and3A = arith.constant 7 : i32
      %and3A_301 = arith.andi %squeeze3A, %and3A : i32
      %mul3A_302 = arith.constant 8 : i32
      %mul3A_303 = arith.muli %scan3A_296, %mul3A_302 : i32
      %add3A_304 = arith.addi %mul3A_303, %and3A_301 : i32
      %get3A_305 = arith.index_cast %add3A_304 : i32 to index
      %get3A_306 = arith.constant 0 : index
      %get3A_307 = tpu.vector_load %arg7[%get3A_305, %get3A_306] {strides = array<i32>} : memref<256x32xf32, #tpu.memory_space<vmem>>, vector<1x16xf32>,
      %get3A_308 = vector.shape_cast %get3A_307 : vector<1x16xf32> to vector<16xf32>
      %swap3A = arith.index_cast %add3A_298 : i32 to index
      %swap3A_309 = arith.constant 0 : index
      %swap3A_310 = tpu.vector_load %arg8[%swap3A, %swap3A_309] {strides = array<i32>} : memref<512x32xf32, #tpu.memory_space<vmem>>, vector<1x16xf32>,
      %swap3A_311 = vector.shape_cast %swap3A_310 : vector<1x16xf32> to vector<16xf32>
      %swap3A_312 = vector.shape_cast %get3A_308 : vector<16xf32> to vector<1x16xf32>
      tpu.vector_store %arg8[%swap3A, %swap3A_309], %swap3A_312 {strides = array<i32>} : memref<512x32xf32, #tpu.memory_space<vmem>>, vector<1x16xf32>,
      %get3A_313 = arith.index_cast %add3A_304 : i32 to index
      %get3A_314 = arith.constant 16 : index
      %get3A_315 = tpu.vector_load %arg7[%get3A_313, %get3A_314] {strides = array<i32>} : memref<256x32xf32, #tpu.memory_space<vmem>>, vector<1x16xf32>,
      %get3A_316 = vector.shape_cast %get3A_315 : vector<1x16xf32> to vector<16xf32>
      %swap3A_317 = arith.index_cast %add3A_298 : i32 to index
      %swap3A_318 = arith.constant 16 : index
      %swap3A_319 = tpu.vector_load %arg8[%swap3A_317, %swap3A_318] {strides = array<i32>} : memref<512x32xf32, #tpu.memory_space<vmem>>, vector<1x16xf32>,
      %swap3A_320 = vector.shape_cast %swap3A_319 : vector<1x16xf32> to vector<16xf32>
      %swap3A_321 = vector.shape_cast %get3A_316 : vector<16xf32> to vector<1x16xf32>
      tpu.vector_store %arg8[%swap3A_317, %swap3A_318], %swap3A_321 {strides = array<i32>} : memref<512x32xf32, #tpu.memory_space<vmem>>, vector<1x16xf32>,
    }
    %scan3A_241 = arith.constant 32 : i32
    %scan3A_242 = arith.constant 0 : i32
    %scan3A_243 = arith.constant 0 : i32
    %scan3A_244 = arith.constant 32 : i32
    %scan3A_245 = arith.addi %scan3A_243, %scan3A_244 : i32
    %scan3A_246 = arith.constant 1 : i32
    scf.for %scan3A_296 = %scan3A_243 to %scan3A_245 step %scan3A_246  : i32 {
      %add3A_297 = arith.constant 416 : i32
      %add3A_298 = arith.addi %add3A_297, %scan3A_296 : i32
      %get3A = arith.index_cast %add3A_298 : i32 to index
      %get3A_299 = tpu.vector_load %arg6[%get3A] {strides = array<i32>} : memref<528xi32, #tpu.memory_space<vmem>>, vector<16xi32>,
      %get3A_300 = vector.shape_cast %get3A_299 : vector<16xi32> to vector<16xi32>
      %slice3A = vector.extract_strided_slice %get3A_300 {offsets = [0], sizes = [1], strides = [1]} : vector<16xi32> to vector<1xi32>
      %squeeze3A = vector.extract %slice3A[0] : i32 from vector<1xi32>
      %multiple_of3A = tpu.assume_multiple %squeeze3A, 8 : i32
      %mul3A_301 = arith.constant 8 : i32
      %mul3A_302 = arith.muli %scan3A_296, %mul3A_301 : i32
      %dma_start3A = arith.constant 0 : i32
      %dma_start3A_303 = tpu.memref_slice %arg7[%mul3A_302, %dma_start3A] : memref<256x32xf32, #tpu.memory_space<vmem>> -> memref<8x32xf32, #tpu.memory_space<vmem>>
      %dma_start3A_304 = arith.constant 0 : i32
      %dma_start3A_305 = tpu.memref_slice %arg2[%multiple_of3A, %dma_start3A_304] : memref<1000000x32xf32, #tpu.memory_space<hbm>> -> memref<8x32xf32, #tpu.memory_space<hbm>>
      %dma_start3A_306 = arith.constant 0 : i32
      %dma_start3A_307 = tpu.memref_slice %arg7[%mul3A_302, %dma_start3A_306] : memref<256x32xf32, #tpu.memory_space<vmem>> -> memref<8x32xf32, #tpu.memory_space<vmem>>
      %dma_start3A_308 = arith.constant 0 : i32
      %dma_start3A_309 = tpu.memref_slice %arg2[%multiple_of3A, %dma_start3A_308] : memref<1000000x32xf32, #tpu.memory_space<hbm>> -> memref<8x32xf32, #tpu.memory_space<hbm>>
      tpu.enqueue_dma source(%dma_start3A_309 : memref<8x32xf32, #tpu.memory_space<hbm>>) target(%dma_start3A_307 : memref<8x32xf32, #tpu.memory_space<vmem>>) target_semaphore(%arg9 : memref<!tpu.dma_semaphore, #tpu.memory_space<semaphore_mem>>)
    }
    %scan3A_247 = arith.constant 32 : i32
    %scan3A_248 = arith.constant 0 : i32
    %scan3A_249 = arith.constant 0 : i32
    %scan3A_250 = arith.constant 32 : i32
    %scan3A_251 = arith.addi %scan3A_249, %scan3A_250 : i32
    %scan3A_252 = arith.constant 1 : i32
    scf.for %scan3A_296 = %scan3A_249 to %scan3A_251 step %scan3A_252  : i32 {
      %mul3A_297 = arith.constant 8 : i32
      %mul3A_298 = arith.muli %scan3A_296, %mul3A_297 : i32
      %dma_wait3A = arith.constant 0 : i32
      %dma_wait3A_299 = tpu.memref_slice %arg7[%mul3A_298, %dma_wait3A] : memref<256x32xf32, #tpu.memory_space<vmem>> -> memref<8x32xf32, #tpu.memory_space<vmem>>
      %dma_wait3A_300 = arith.constant 0 : i32
      %dma_wait3A_301 = arith.constant 0 : i32
      %dma_wait3A_302 = tpu.memref_slice %arg2[%dma_wait3A_300, %dma_wait3A_301] : memref<1000000x32xf32, #tpu.memory_space<hbm>> -> memref<8x32xf32, #tpu.memory_space<hbm>>
      %dma_wait3A_303 = arith.constant 0 : i32
      %dma_wait3A_304 = tpu.memref_slice %arg7[%mul3A_298, %dma_wait3A_303] : memref<256x32xf32, #tpu.memory_space<vmem>> -> memref<8x32xf32, #tpu.memory_space<vmem>>
      %dma_wait3A_305 = arith.constant 0 : i32
      %dma_wait3A_306 = arith.constant 0 : i32
      %dma_wait3A_307 = tpu.memref_slice %arg2[%dma_wait3A_305, %dma_wait3A_306] : memref<1000000x32xf32, #tpu.memory_space<hbm>> -> memref<8x32xf32, #tpu.memory_space<hbm>>
      tpu.wait_dma2 semaphore(%arg9 : memref<!tpu.dma_semaphore, #tpu.memory_space<semaphore_mem>>) src(%dma_wait3A_307 : memref<8x32xf32, #tpu.memory_space<hbm>>) dst(%dma_wait3A_304 : memref<8x32xf32, #tpu.memory_space<vmem>>)
    }
    %scan3A_253 = arith.constant 32 : i32
    %scan3A_254 = arith.constant 0 : i32
    %scan3A_255 = arith.constant 0 : i32
    %scan3A_256 = arith.constant 32 : i32
    %scan3A_257 = arith.addi %scan3A_255, %scan3A_256 : i32
    %scan3A_258 = arith.constant 1 : i32
    scf.for %scan3A_296 = %scan3A_255 to %scan3A_257 step %scan3A_258  : i32 {
      %add3A_297 = arith.constant 416 : i32
      %add3A_298 = arith.addi %add3A_297, %scan3A_296 : i32
      %get3A = arith.index_cast %add3A_298 : i32 to index
      %get3A_299 = tpu.vector_load %arg5[%get3A] {strides = array<i32>} : memref<528xi32, #tpu.memory_space<vmem>>, vector<16xi32>,
      %get3A_300 = vector.shape_cast %get3A_299 : vector<16xi32> to vector<16xi32>
      %slice3A = vector.extract_strided_slice %get3A_300 {offsets = [0], sizes = [1], strides = [1]} : vector<16xi32> to vector<1xi32>
      %squeeze3A = vector.extract %slice3A[0] : i32 from vector<1xi32>
      %and3A = arith.constant 7 : i32
      %and3A_301 = arith.andi %squeeze3A, %and3A : i32
      %mul3A_302 = arith.constant 8 : i32
      %mul3A_303 = arith.muli %scan3A_296, %mul3A_302 : i32
      %add3A_304 = arith.addi %mul3A_303, %and3A_301 : i32
      %get3A_305 = arith.index_cast %add3A_304 : i32 to index
      %get3A_306 = arith.constant 0 : index
      %get3A_307 = tpu.vector_load %arg7[%get3A_305, %get3A_306] {strides = array<i32>} : memref<256x32xf32, #tpu.memory_space<vmem>>, vector<1x16xf32>,
      %get3A_308 = vector.shape_cast %get3A_307 : vector<1x16xf32> to vector<16xf32>
      %swap3A = arith.index_cast %add3A_298 : i32 to index
      %swap3A_309 = arith.constant 0 : index
      %swap3A_310 = tpu.vector_load %arg8[%swap3A, %swap3A_309] {strides = array<i32>} : memref<512x32xf32, #tpu.memory_space<vmem>>, vector<1x16xf32>,
      %swap3A_311 = vector.shape_cast %swap3A_310 : vector<1x16xf32> to vector<16xf32>
      %swap3A_312 = vector.shape_cast %get3A_308 : vector<16xf32> to vector<1x16xf32>
      tpu.vector_store %arg8[%swap3A, %swap3A_309], %swap3A_312 {strides = array<i32>} : memref<512x32xf32, #tpu.memory_space<vmem>>, vector<1x16xf32>,
      %get3A_313 = arith.index_cast %add3A_304 : i32 to index
      %get3A_314 = arith.constant 16 : index
      %get3A_315 = tpu.vector_load %arg7[%get3A_313, %get3A_314] {strides = array<i32>} : memref<256x32xf32, #tpu.memory_space<vmem>>, vector<1x16xf32>,
      %get3A_316 = vector.shape_cast %get3A_315 : vector<1x16xf32> to vector<16xf32>
      %swap3A_317 = arith.index_cast %add3A_298 : i32 to index
      %swap3A_318 = arith.constant 16 : index
      %swap3A_319 = tpu.vector_load %arg8[%swap3A_317, %swap3A_318] {strides = array<i32>} : memref<512x32xf32, #tpu.memory_space<vmem>>, vector<1x16xf32>,
      %swap3A_320 = vector.shape_cast %swap3A_319 : vector<1x16xf32> to vector<16xf32>
      %swap3A_321 = vector.shape_cast %get3A_316 : vector<16xf32> to vector<1x16xf32>
      tpu.vector_store %arg8[%swap3A_317, %swap3A_318], %swap3A_321 {strides = array<i32>} : memref<512x32xf32, #tpu.memory_space<vmem>>, vector<1x16xf32>,
    }
    %scan3A_259 = arith.constant 32 : i32
    %scan3A_260 = arith.constant 0 : i32
    %scan3A_261 = arith.constant 0 : i32
    %scan3A_262 = arith.constant 32 : i32
    %scan3A_263 = arith.addi %scan3A_261, %scan3A_262 : i32
    %scan3A_264 = arith.constant 1 : i32
    scf.for %scan3A_296 = %scan3A_261 to %scan3A_263 step %scan3A_264  : i32 {
      %add3A_297 = arith.constant 448 : i32
      %add3A_298 = arith.addi %add3A_297, %scan3A_296 : i32
      %get3A = arith.index_cast %add3A_298 : i32 to index
      %get3A_299 = tpu.vector_load %arg6[%get3A] {strides = array<i32>} : memref<528xi32, #tpu.memory_space<vmem>>, vector<16xi32>,
      %get3A_300 = vector.shape_cast %get3A_299 : vector<16xi32> to vector<16xi32>
      %slice3A = vector.extract_strided_slice %get3A_300 {offsets = [0], sizes = [1], strides = [1]} : vector<16xi32> to vector<1xi32>
      %squeeze3A = vector.extract %slice3A[0] : i32 from vector<1xi32>
      %multiple_of3A = tpu.assume_multiple %squeeze3A, 8 : i32
      %mul3A_301 = arith.constant 8 : i32
      %mul3A_302 = arith.muli %scan3A_296, %mul3A_301 : i32
      %dma_start3A = arith.constant 0 : i32
      %dma_start3A_303 = tpu.memref_slice %arg7[%mul3A_302, %dma_start3A] : memref<256x32xf32, #tpu.memory_space<vmem>> -> memref<8x32xf32, #tpu.memory_space<vmem>>
      %dma_start3A_304 = arith.constant 0 : i32
      %dma_start3A_305 = tpu.memref_slice %arg2[%multiple_of3A, %dma_start3A_304] : memref<1000000x32xf32, #tpu.memory_space<hbm>> -> memref<8x32xf32, #tpu.memory_space<hbm>>
      %dma_start3A_306 = arith.constant 0 : i32
      %dma_start3A_307 = tpu.memref_slice %arg7[%mul3A_302, %dma_start3A_306] : memref<256x32xf32, #tpu.memory_space<vmem>> -> memref<8x32xf32, #tpu.memory_space<vmem>>
      %dma_start3A_308 = arith.constant 0 : i32
      %dma_start3A_309 = tpu.memref_slice %arg2[%multiple_of3A, %dma_start3A_308] : memref<1000000x32xf32, #tpu.memory_space<hbm>> -> memref<8x32xf32, #tpu.memory_space<hbm>>
      tpu.enqueue_dma source(%dma_start3A_309 : memref<8x32xf32, #tpu.memory_space<hbm>>) target(%dma_start3A_307 : memref<8x32xf32, #tpu.memory_space<vmem>>) target_semaphore(%arg9 : memref<!tpu.dma_semaphore, #tpu.memory_space<semaphore_mem>>)
    }
    %scan3A_265 = arith.constant 32 : i32
    %scan3A_266 = arith.constant 0 : i32
    %scan3A_267 = arith.constant 0 : i32
    %scan3A_268 = arith.constant 32 : i32
    %scan3A_269 = arith.addi %scan3A_267, %scan3A_268 : i32
    %scan3A_270 = arith.constant 1 : i32
    scf.for %scan3A_296 = %scan3A_267 to %scan3A_269 step %scan3A_270  : i32 {
      %mul3A_297 = arith.constant 8 : i32
      %mul3A_298 = arith.muli %scan3A_296, %mul3A_297 : i32
      %dma_wait3A = arith.constant 0 : i32
      %dma_wait3A_299 = tpu.memref_slice %arg7[%mul3A_298, %dma_wait3A] : memref<256x32xf32, #tpu.memory_space<vmem>> -> memref<8x32xf32, #tpu.memory_space<vmem>>
      %dma_wait3A_300 = arith.constant 0 : i32
      %dma_wait3A_301 = arith.constant 0 : i32
      %dma_wait3A_302 = tpu.memref_slice %arg2[%dma_wait3A_300, %dma_wait3A_301] : memref<1000000x32xf32, #tpu.memory_space<hbm>> -> memref<8x32xf32, #tpu.memory_space<hbm>>
      %dma_wait3A_303 = arith.constant 0 : i32
      %dma_wait3A_304 = tpu.memref_slice %arg7[%mul3A_298, %dma_wait3A_303] : memref<256x32xf32, #tpu.memory_space<vmem>> -> memref<8x32xf32, #tpu.memory_space<vmem>>
      %dma_wait3A_305 = arith.constant 0 : i32
      %dma_wait3A_306 = arith.constant 0 : i32
      %dma_wait3A_307 = tpu.memref_slice %arg2[%dma_wait3A_305, %dma_wait3A_306] : memref<1000000x32xf32, #tpu.memory_space<hbm>> -> memref<8x32xf32, #tpu.memory_space<hbm>>
      tpu.wait_dma2 semaphore(%arg9 : memref<!tpu.dma_semaphore, #tpu.memory_space<semaphore_mem>>) src(%dma_wait3A_307 : memref<8x32xf32, #tpu.memory_space<hbm>>) dst(%dma_wait3A_304 : memref<8x32xf32, #tpu.memory_space<vmem>>)
    }
    %scan3A_271 = arith.constant 32 : i32
    %scan3A_272 = arith.constant 0 : i32
    %scan3A_273 = arith.constant 0 : i32
    %scan3A_274 = arith.constant 32 : i32
    %scan3A_275 = arith.addi %scan3A_273, %scan3A_274 : i32
    %scan3A_276 = arith.constant 1 : i32
    scf.for %scan3A_296 = %scan3A_273 to %scan3A_275 step %scan3A_276  : i32 {
      %add3A_297 = arith.constant 448 : i32
      %add3A_298 = arith.addi %add3A_297, %scan3A_296 : i32
      %get3A = arith.index_cast %add3A_298 : i32 to index
      %get3A_299 = tpu.vector_load %arg5[%get3A] {strides = array<i32>} : memref<528xi32, #tpu.memory_space<vmem>>, vector<16xi32>,
      %get3A_300 = vector.shape_cast %get3A_299 : vector<16xi32> to vector<16xi32>
      %slice3A = vector.extract_strided_slice %get3A_300 {offsets = [0], sizes = [1], strides = [1]} : vector<16xi32> to vector<1xi32>
      %squeeze3A = vector.extract %slice3A[0] : i32 from vector<1xi32>
      %and3A = arith.constant 7 : i32
      %and3A_301 = arith.andi %squeeze3A, %and3A : i32
      %mul3A_302 = arith.constant 8 : i32
      %mul3A_303 = arith.muli %scan3A_296, %mul3A_302 : i32
      %add3A_304 = arith.addi %mul3A_303, %and3A_301 : i32
      %get3A_305 = arith.index_cast %add3A_304 : i32 to index
      %get3A_306 = arith.constant 0 : index
      %get3A_307 = tpu.vector_load %arg7[%get3A_305, %get3A_306] {strides = array<i32>} : memref<256x32xf32, #tpu.memory_space<vmem>>, vector<1x16xf32>,
      %get3A_308 = vector.shape_cast %get3A_307 : vector<1x16xf32> to vector<16xf32>
      %swap3A = arith.index_cast %add3A_298 : i32 to index
      %swap3A_309 = arith.constant 0 : index
      %swap3A_310 = tpu.vector_load %arg8[%swap3A, %swap3A_309] {strides = array<i32>} : memref<512x32xf32, #tpu.memory_space<vmem>>, vector<1x16xf32>,
      %swap3A_311 = vector.shape_cast %swap3A_310 : vector<1x16xf32> to vector<16xf32>
      %swap3A_312 = vector.shape_cast %get3A_308 : vector<16xf32> to vector<1x16xf32>
      tpu.vector_store %arg8[%swap3A, %swap3A_309], %swap3A_312 {strides = array<i32>} : memref<512x32xf32, #tpu.memory_space<vmem>>, vector<1x16xf32>,
      %get3A_313 = arith.index_cast %add3A_304 : i32 to index
      %get3A_314 = arith.constant 16 : index
      %get3A_315 = tpu.vector_load %arg7[%get3A_313, %get3A_314] {strides = array<i32>} : memref<256x32xf32, #tpu.memory_space<vmem>>, vector<1x16xf32>,
      %get3A_316 = vector.shape_cast %get3A_315 : vector<1x16xf32> to vector<16xf32>
      %swap3A_317 = arith.index_cast %add3A_298 : i32 to index
      %swap3A_318 = arith.constant 16 : index
      %swap3A_319 = tpu.vector_load %arg8[%swap3A_317, %swap3A_318] {strides = array<i32>} : memref<512x32xf32, #tpu.memory_space<vmem>>, vector<1x16xf32>,
      %swap3A_320 = vector.shape_cast %swap3A_319 : vector<1x16xf32> to vector<16xf32>
      %swap3A_321 = vector.shape_cast %get3A_316 : vector<16xf32> to vector<1x16xf32>
      tpu.vector_store %arg8[%swap3A_317, %swap3A_318], %swap3A_321 {strides = array<i32>} : memref<512x32xf32, #tpu.memory_space<vmem>>, vector<1x16xf32>,
    }
    %scan3A_277 = arith.constant 32 : i32
    %scan3A_278 = arith.constant 0 : i32
    %scan3A_279 = arith.constant 0 : i32
    %scan3A_280 = arith.constant 32 : i32
    %scan3A_281 = arith.addi %scan3A_279, %scan3A_280 : i32
    %scan3A_282 = arith.constant 1 : i32
    scf.for %scan3A_296 = %scan3A_279 to %scan3A_281 step %scan3A_282  : i32 {
      %add3A_297 = arith.constant 480 : i32
      %add3A_298 = arith.addi %add3A_297, %scan3A_296 : i32
      %get3A = arith.index_cast %add3A_298 : i32 to index
      %get3A_299 = tpu.vector_load %arg6[%get3A] {strides = array<i32>} : memref<528xi32, #tpu.memory_space<vmem>>, vector<16xi32>,
      %get3A_300 = vector.shape_cast %get3A_299 : vector<16xi32> to vector<16xi32>
      %slice3A = vector.extract_strided_slice %get3A_300 {offsets = [0], sizes = [1], strides = [1]} : vector<16xi32> to vector<1xi32>
      %squeeze3A = vector.extract %slice3A[0] : i32 from vector<1xi32>
      %multiple_of3A = tpu.assume_multiple %squeeze3A, 8 : i32
      %mul3A_301 = arith.constant 8 : i32
      %mul3A_302 = arith.muli %scan3A_296, %mul3A_301 : i32
      %dma_start3A = arith.constant 0 : i32
      %dma_start3A_303 = tpu.memref_slice %arg7[%mul3A_302, %dma_start3A] : memref<256x32xf32, #tpu.memory_space<vmem>> -> memref<8x32xf32, #tpu.memory_space<vmem>>
      %dma_start3A_304 = arith.constant 0 : i32
      %dma_start3A_305 = tpu.memref_slice %arg2[%multiple_of3A, %dma_start3A_304] : memref<1000000x32xf32, #tpu.memory_space<hbm>> -> memref<8x32xf32, #tpu.memory_space<hbm>>
      %dma_start3A_306 = arith.constant 0 : i32
      %dma_start3A_307 = tpu.memref_slice %arg7[%mul3A_302, %dma_start3A_306] : memref<256x32xf32, #tpu.memory_space<vmem>> -> memref<8x32xf32, #tpu.memory_space<vmem>>
      %dma_start3A_308 = arith.constant 0 : i32
      %dma_start3A_309 = tpu.memref_slice %arg2[%multiple_of3A, %dma_start3A_308] : memref<1000000x32xf32, #tpu.memory_space<hbm>> -> memref<8x32xf32, #tpu.memory_space<hbm>>
      tpu.enqueue_dma source(%dma_start3A_309 : memref<8x32xf32, #tpu.memory_space<hbm>>) target(%dma_start3A_307 : memref<8x32xf32, #tpu.memory_space<vmem>>) target_semaphore(%arg9 : memref<!tpu.dma_semaphore, #tpu.memory_space<semaphore_mem>>)
    }
    %scan3A_283 = arith.constant 32 : i32
    %scan3A_284 = arith.constant 0 : i32
    %scan3A_285 = arith.constant 0 : i32
    %scan3A_286 = arith.constant 32 : i32
    %scan3A_287 = arith.addi %scan3A_285, %scan3A_286 : i32
    %scan3A_288 = arith.constant 1 : i32
    scf.for %scan3A_296 = %scan3A_285 to %scan3A_287 step %scan3A_288  : i32 {
      %mul3A_297 = arith.constant 8 : i32
      %mul3A_298 = arith.muli %scan3A_296, %mul3A_297 : i32
      %dma_wait3A = arith.constant 0 : i32
      %dma_wait3A_299 = tpu.memref_slice %arg7[%mul3A_298, %dma_wait3A] : memref<256x32xf32, #tpu.memory_space<vmem>> -> memref<8x32xf32, #tpu.memory_space<vmem>>
      %dma_wait3A_300 = arith.constant 0 : i32
      %dma_wait3A_301 = arith.constant 0 : i32
      %dma_wait3A_302 = tpu.memref_slice %arg2[%dma_wait3A_300, %dma_wait3A_301] : memref<1000000x32xf32, #tpu.memory_space<hbm>> -> memref<8x32xf32, #tpu.memory_space<hbm>>
      %dma_wait3A_303 = arith.constant 0 : i32
      %dma_wait3A_304 = tpu.memref_slice %arg7[%mul3A_298, %dma_wait3A_303] : memref<256x32xf32, #tpu.memory_space<vmem>> -> memref<8x32xf32, #tpu.memory_space<vmem>>
      %dma_wait3A_305 = arith.constant 0 : i32
      %dma_wait3A_306 = arith.constant 0 : i32
      %dma_wait3A_307 = tpu.memref_slice %arg2[%dma_wait3A_305, %dma_wait3A_306] : memref<1000000x32xf32, #tpu.memory_space<hbm>> -> memref<8x32xf32, #tpu.memory_space<hbm>>
      tpu.wait_dma2 semaphore(%arg9 : memref<!tpu.dma_semaphore, #tpu.memory_space<semaphore_mem>>) src(%dma_wait3A_307 : memref<8x32xf32, #tpu.memory_space<hbm>>) dst(%dma_wait3A_304 : memref<8x32xf32, #tpu.memory_space<vmem>>)
    }
    %scan3A_289 = arith.constant 32 : i32
    %scan3A_290 = arith.constant 0 : i32
    %scan3A_291 = arith.constant 0 : i32
    %scan3A_292 = arith.constant 32 : i32
    %scan3A_293 = arith.addi %scan3A_291, %scan3A_292 : i32
    %scan3A_294 = arith.constant 1 : i32
    scf.for %scan3A_296 = %scan3A_291 to %scan3A_293 step %scan3A_294  : i32 {
      %add3A_297 = arith.constant 480 : i32
      %add3A_298 = arith.addi %add3A_297, %scan3A_296 : i32
      %get3A = arith.index_cast %add3A_298 : i32 to index
      %get3A_299 = tpu.vector_load %arg5[%get3A] {strides = array<i32>} : memref<528xi32, #tpu.memory_space<vmem>>, vector<16xi32>,
      %get3A_300 = vector.shape_cast %get3A_299 : vector<16xi32> to vector<16xi32>
      %slice3A = vector.extract_strided_slice %get3A_300 {offsets = [0], sizes = [1], strides = [1]} : vector<16xi32> to vector<1xi32>
      %squeeze3A = vector.extract %slice3A[0] : i32 from vector<1xi32>
      %and3A = arith.constant 7 : i32
      %and3A_301 = arith.andi %squeeze3A, %and3A : i32
      %mul3A_302 = arith.constant 8 : i32
      %mul3A_303 = arith.muli %scan3A_296, %mul3A_302 : i32
      %add3A_304 = arith.addi %mul3A_303, %and3A_301 : i32
      %get3A_305 = arith.index_cast %add3A_304 : i32 to index
      %get3A_306 = arith.constant 0 : index
      %get3A_307 = tpu.vector_load %arg7[%get3A_305, %get3A_306] {strides = array<i32>} : memref<256x32xf32, #tpu.memory_space<vmem>>, vector<1x16xf32>,
      %get3A_308 = vector.shape_cast %get3A_307 : vector<1x16xf32> to vector<16xf32>
      %swap3A = arith.index_cast %add3A_298 : i32 to index
      %swap3A_309 = arith.constant 0 : index
      %swap3A_310 = tpu.vector_load %arg8[%swap3A, %swap3A_309] {strides = array<i32>} : memref<512x32xf32, #tpu.memory_space<vmem>>, vector<1x16xf32>,
      %swap3A_311 = vector.shape_cast %swap3A_310 : vector<1x16xf32> to vector<16xf32>
      %swap3A_312 = vector.shape_cast %get3A_308 : vector<16xf32> to vector<1x16xf32>
      tpu.vector_store %arg8[%swap3A, %swap3A_309], %swap3A_312 {strides = array<i32>} : memref<512x32xf32, #tpu.memory_space<vmem>>, vector<1x16xf32>,
      %get3A_313 = arith.index_cast %add3A_304 : i32 to index
      %get3A_314 = arith.constant 16 : index
      %get3A_315 = tpu.vector_load %arg7[%get3A_313, %get3A_314] {strides = array<i32>} : memref<256x32xf32, #tpu.memory_space<vmem>>, vector<1x16xf32>,
      %get3A_316 = vector.shape_cast %get3A_315 : vector<1x16xf32> to vector<16xf32>
      %swap3A_317 = arith.index_cast %add3A_298 : i32 to index
      %swap3A_318 = arith.constant 16 : index
      %swap3A_319 = tpu.vector_load %arg8[%swap3A_317, %swap3A_318] {strides = array<i32>} : memref<512x32xf32, #tpu.memory_space<vmem>>, vector<1x16xf32>,
      %swap3A_320 = vector.shape_cast %swap3A_319 : vector<1x16xf32> to vector<16xf32>
      %swap3A_321 = vector.shape_cast %get3A_316 : vector<16xf32> to vector<1x16xf32>
      tpu.vector_store %arg8[%swap3A_317, %swap3A_318], %swap3A_321 {strides = array<i32>} : memref<512x32xf32, #tpu.memory_space<vmem>>, vector<1x16xf32>,
    }
    %scan3A_295 = arith.constant 32 : i32
    "tpu.region"() ({
      %run_scoped3A = tpu.sem_alloc : memref<!tpu.dma_semaphore, #tpu.memory_space<semaphore_mem>>
      %dma_start3A = arith.constant 0 : i32
      %dma_start3A_296 = tpu.memref_slice %arg4[%mul3A_2, %dma_start3A] : memref<16384x32xf32, #tpu.memory_space<hbm>> -> memref<512x32xf32, #tpu.memory_space<hbm>>
      %dma_start3A_297 = arith.constant 0 : i32
      %dma_start3A_298 = tpu.memref_slice %arg4[%mul3A_2, %dma_start3A_297] : memref<16384x32xf32, #tpu.memory_space<hbm>> -> memref<512x32xf32, #tpu.memory_space<hbm>>
      tpu.enqueue_dma source(%arg8 : memref<512x32xf32, #tpu.memory_space<vmem>>) target(%dma_start3A_298 : memref<512x32xf32, #tpu.memory_space<hbm>>) target_semaphore(%run_scoped3A : memref<!tpu.dma_semaphore, #tpu.memory_space<semaphore_mem>>)
      %dma_wait3A = arith.constant 0 : i32
      %dma_wait3A_299 = tpu.memref_slice %arg4[%mul3A_2, %dma_wait3A] : memref<16384x32xf32, #tpu.memory_space<hbm>> -> memref<512x32xf32, #tpu.memory_space<hbm>>
      %dma_wait3A_300 = arith.constant 0 : i32
      %dma_wait3A_301 = tpu.memref_slice %arg4[%mul3A_2, %dma_wait3A_300] : memref<16384x32xf32, #tpu.memory_space<hbm>> -> memref<512x32xf32, #tpu.memory_space<hbm>>
      tpu.wait_dma2 semaphore(%run_scoped3A : memref<!tpu.dma_semaphore, #tpu.memory_space<semaphore_mem>>) src(%arg8 : memref<512x32xf32, #tpu.memory_space<vmem>>) dst(%dma_wait3A_301 : memref<512x32xf32, #tpu.memory_space<hbm>>)
      tpu.yield
    }) : () -> ()
    return
  }
}

</mosaic_0001>

<sc_bundles>
// kernel: kernel.3.cloned.1.call-start
scs
__scs_entry_jumppad:
0x0: {  	(pc) =	sbr.rel $0x88, $3  }
0x1: {  	(tag) =	ssettag $0x0;
	lr =	simm.s32 $0x1  }
0x2: {  	[smem:$0x3F9F] =	sst lr;
	_ =	strace $0xD0000000  }
0x3: {  	_ = 	snop  }
0x4: {  	_ = 	snop  }
0x5: {  	_ = 	snop  }
0x6: {  	_ = 	snop  }
0x7: {  	_ = 	snop  }
__scs_overlays_trampoline_lowered:
0x8: {  	[smem:$0x3FAE] =	sst s0  }
0x9: {  	[smem:$0x3FAF] =	sst s1  }
0xa: {  	[smem:$0x3FB0] =	sst s2  }
0xb: {  	[smem:$0x3FB1] =	sst s3  }
0xc: {  	[smem:$0x3FB2] =	sst s4  }
0xd: {  	[smem:$0x3FB3] =	sst s5  }
0xe: {  	[smem:$0x3FB4] =	sst s6  }
0xf: {  	[smem:$0x3FB5] =	sst s7  }
0x10: {  	[smem:$0x3FB6] =	sst s8  }
0x11: {  	[smem:$0x3FB7] =	sst s9;
	s0 =	simm.s32 @!p0 $0x0  }
0x12: {  	s1 =	sld [smem:$0x3F9D];
	s0 =	simm.s32 @p0 $0x1  }
0x13: {  	[smem:$0x3FB8] =	sst s0;
	s0 =	simm.s32 @!p1 $0x0  }
0x14: {  	s2 =	sld [smem:$0x3F9C];
	s0 =	simm.s32 @p1 $0x1  }
0x15: {  	[smem:$0x3FB9] =	sst s0;
	s0 =	simm.s32 @!p2 $0x0  }
0x16: {  	s3 =	sld [smem:$0x3FDB];
	s0 =	simm.s32 @p2 $0x1  }
0x17: {  	s4 =	simm.s32 $0x1BF5;
	[smem:$0x3FBB] =	sst s0  }
0x18: {  	s0 =	sld [smem:$0x3F9E];
	_ =	swait.ge [sflag:s4], $0x0  }
0x19: {  	s7 =	sld [smem:$0x3F9F]  }
0x1a: {  	s8 =	sadd.s32 $0xFFFFE003, lr  }
0x1b: {  	s9 =	sadd.s32 $0xFFFFFEF7, lr;
	s5 =	simm.s32 $0xFFFFFFFF;
	p2 =	slt.u32 s8, $0xFFFFF086  }
0x1c: {  	p1 =	slt.u32 s9, $0xF7A;
	s5 =	simm.s32 @!p2 $0x0  }
0x1d: {  	s5 =	simm.s32 @p1 $0x1;
	p0 =	seq.s32 s7, s2  }
0x1e: {  	s7 =	smul.u32 @!p0 $0xF7A, s2;
	p2 =	seq.s32 @!p0 s5, $0x0  }
0x1f: {  	s9 =	smul.u32 $0xF7A, s1;
	s8 =	simm.s32 @!p0 $0x1BF5;
	p2 =	por !p2, p0  }
0x20: {  	[sflag:s8] =	ssyncset.s32 @!p0 $0xFFFFF086;
	s6 =	sadd.s32 @!p0 s3, s7;
	s7 =	simm.s32 @!p0 $0x108  }
0x21: {  	s3 =	sadd.s32 s3, s9;
	s6 =	sadd.s32 @!p0 $0x88, s6;
	s7 =	simm.s32 @p2 $0x1082  }
0x22: {  	[simem:s7], [sflag:s8] =	dma.local @!p0 [hbm:s6], $0xF7A  }
0x23: {  	s9 =	sor.u32 $0xD0000000, s2;
	s6 =	simm.s32 $0x108;
	_ =	swait.ge @!p0 [sflag:s8], $0x0  }
0x24: {  	s3 =	sadd.s32 $0x88, s3;
	s6 =	simm.s32 @!p1 $0x1082;
	[sflag:s4] =	ssyncset.s32 $0xFFFFF086  }
0x25: {  	[simem:s6], [sflag:s4] =	dma.local [hbm:s3], $0xF7A  }
0x26: {  	[smem:$0x3F9F] =	sst s1;
	(tag) =	ssettag s2;
	_ =	strace s9  }
0x27: {  	s1 =	sld [smem:$0x3FAF]  }
0x28: {  	s2 =	sld [smem:$0x3FB0]  }
0x29: {  	s4 =	sld [smem:$0x3FB2]  }
0x2a: {  	p0 =	seq.s32 s5, $0x0;
	s5 =	sld [smem:$0x3FB3]  }
0x2b: {  	s6 =	sld [smem:$0x3FB4]  }
0x2c: {  	s7 =	sld [smem:$0x3FB5]  }
0x2d: {  	s3 =	simm.s32 $0x108;
	s8 =	sld [smem:$0x3FB6]  }
0x2e: {  	s3 =	simm.s32 @!p0 $0x1082;
	s9 =	sld [smem:$0x3FB7]  }
0x2f: {  	lr =	sadd.s32 s0, s3;
	s0 =	sld [smem:$0x3FAE]  }
0x30: {  	s3 =	sld [smem:$0x3FB1]  }
0x31: {  	[smem:$0x3FBA] =	sst s10  }
0x32: {  	s10 =	sld [smem:$0x3FB8];
	_ =	sdelay $0x3  }
0x33: {  	p0 =	seq.s32 s10, $0x1;
	s10 =	sld [smem:$0x3FBA];
	_ =	sdelay $0x3  }
0x34: {  	[smem:$0x3FBA] =	sst s10  }
0x35: {  	s10 =	sld [smem:$0x3FB9];
	_ =	sdelay $0x3  }
0x36: {  	p1 =	seq.s32 s10, $0x1;
	s10 =	sld [smem:$0x3FBA];
	_ =	sdelay $0x3  }
0x37: {  	[smem:$0x3FBA] =	sst s10  }
0x38: {  	s10 =	sld [smem:$0x3FBB]  }
0x39: {  	_ = 	snop;
	(pc) =	sbr.ind lr, $3  }
0x3a: {  	_ = 	snop  }
0x3b: {  	_ = 	snop  }
0x3c: {  	p2 =	seq.s32 s10, $0x1;
	s10 =	sld [smem:$0x3FBA]  }
0x3d: {  	_ =	shalt  }
0x3e: {  	_ =	shalt  }
0x3f: {  	_ =	shalt  }
0x40: {  	_ =	shalt  }
0x41: {  	_ =	shalt  }
0x42: {  	_ =	shalt  }
0x43: {  	_ =	shalt  }
0x44: {  	_ =	shalt  }
0x45: {  	_ =	shalt  }
0x46: {  	_ =	shalt  }
0x47: {  	_ =	shalt  }
0x48: {  	_ =	shalt  }
0x49: {  	_ =	shalt  }
0x4a: {  	_ =	shalt  }
0x4b: {  	_ =	shalt  }
0x4c: {  	_ =	shalt  }
0x4d: {  	_ =	shalt  }
0x4e: {  	_ =	shalt  }
0x4f: {  	_ =	shalt  }
0x50: {  	_ =	shalt  }
0x51: {  	_ =	shalt  }
0x52: {  	_ =	shalt  }
0x53: {  	_ =	shalt  }
0x54: {  	_ =	shalt  }
0x55: {  	_ =	shalt  }
0x56: {  	_ =	shalt  }
0x57: {  	_ =	shalt  }
0x58: {  	_ =	shalt  }
0x59: {  	_ =	shalt  }
0x5a: {  	_ =	shalt  }
0x5b: {  	_ =	shalt  }
0x5c: {  	_ =	shalt  }
0x5d: {  	_ =	shalt  }
0x5e: {  	_ =	shalt  }
0x5f: {  	_ =	shalt  }
0x60: {  	_ =	shalt  }
0x61: {  	_ =	shalt  }
0x62: {  	_ =	shalt  }
0x63: {  	_ =	shalt  }
0x64: {  	_ =	shalt  }
0x65: {  	_ =	shalt  }
0x66: {  	_ =	shalt  }
0x67: {  	_ =	shalt  }
0x68: {  	_ =	shalt  }
0x69: {  	_ =	shalt  }
0x6a: {  	_ =	shalt  }
0x6b: {  	_ =	shalt  }
0x6c: {  	_ =	shalt  }
0x6d: {  	_ =	shalt  }
0x6e: {  	_ =	shalt  }
0x6f: {  	_ =	shalt  }
0x70: {  	_ =	shalt  }
0x71: {  	_ =	shalt  }
0x72: {  	_ =	shalt  }
0x73: {  	_ =	shalt  }
0x74: {  	_ =	shalt  }
0x75: {  	_ =	shalt  }
0x76: {  	_ =	shalt  }
0x77: {  	_ =	shalt  }
0x78: {  	_ =	shalt  }
0x79: {  	_ =	shalt  }
0x7a: {  	_ =	shalt  }
0x7b: {  	_ =	shalt  }
0x7c: {  	_ =	shalt  }
0x7d: {  	_ =	shalt  }
0x7e: {  	_ =	shalt  }
0x7f: {  	_ =	shalt  }
0x80: {  	_ =	shalt  }
0x81: {  	_ =	shalt  }
0x82: {  	_ =	shalt  }
0x83: {  	_ =	shalt  }
0x84: {  	_ =	shalt  }
0x85: {  	_ =	shalt  }
0x86: {  	_ =	shalt  }
0x87: {  	_ =	shalt  }
.Lfunc_end0:
.L_simem_size_0:
called_computation_lowered:
.L_overlay_start_0:
0x88: {  	s2 =	sld [smem:$0x3FD9]  }
0x89: {  	s3 =	sld [smem:$0x3FFE];
	_ =	sdelay $0x1  }
0x8a: {  	s1 =	srdreg.scid  }
0x8b: {  	s0 =	sand.u32 $0x1, s1  }
0x8c: {  	s17 =	sshll.u32 s0, $0xA;
	s2 =	sadd.s32 s3, s2  }
0x8d: {  	s2 =	sadd.s32 s2, s17  }
0x8e: {  	[smem:$0x3FC6] =	sst s2  }
0x8f: {  	_ = 	snop  }
0x90: {  	s2 =	sld [smem:$0x3FC9];
	(tm) =	ssettm $0x1  }
0x91: {  	s18 =	sld [smem:$0x3FFB];
	_ =	sdelay $0x3  }
0x92: {  	_ =	strace s18  }
0x93: {  	s3 =	sld [smem:$0x3FFC];
	_ =	sdelay $0x3  }
0x94: {  	_ =	strace s3  }
0x95: {  	s3 =	sld [smem:$0x3FFD];
	_ =	sdelay $0x3  }
0x96: {  	_ =	strace s3  }
0x97: {  	_ =	strace $0x8FFFFFFF  }
0x98: {  	s19 =	sld [smem:$0x3FDB];
	_ =	sdelay $0x1  }
0x99: {  	s4 =	simm.s32 $_scs_section_size  }
0x9a: {  	s5 =	simm.s32 $_size__tile_overlayer_lowered;
	s6 =	simm.s32 $_tile_overlayer_lowered  }
0x9b: {  	s22 =	simm.s32 $0x1BFF;
	s21 =	sshll.u32 s6, $0x1;
	s3 =	sadd.s32 s4, s19  }
0x9c: {  	s7 =	simm.s32 $0x0;
	s20 =	sshll.u32 s5, $0x1;
	s5 =	sadd.s32 s21, s3  }
0x9d: {  	[timem:s7], [sflag:s22] =	dma.local [hbm:s5], s20  }
0x9e: {  	_ =	swait.ge [sflag:s22], s20  }
0x9f: {  	s4 =	ssub.s32 $0x0, s20;
	[sflag:s22] =	ssyncset.done $0x0  }
0xa0: {  	[sflag:s22] =	ssyncadd.s32 s4;
	_ =	sdelay $0x1  }
0xa1: {  	s23 =	simm.s32 $0x1B8B  }
0xa2: {  	_ =	swait.ge [sflag:s23], $0x1  }
0xa3: {  	[sflag:s23] =	ssyncset.done $0x0  }
0xa4: {  	s25 =	simm.s32 $0x1B8E;
	s24 =	sld [smem:$0x3FFE];
	[sflag:s23] =	ssyncadd.s32 $0xFFFFFFFF  }
0xa5: {  	s26 =	simm.s32 $execute0_lowered;
	[smem:$0x3FD2] =	sst s25  }
0xa6: {  	s5 =	sshll.u32 s26, $0x1;
	_ =	strace $0x80000046;
	[dreg:$0x1] =	wrdreg $0xFFFFFFFF  }
0xa7: {  	s28 =	simm.s32 $_size_execute0_lowered;
	s3 =	sadd.s32 s3, s5;
	[dreg:$0x0] =	wrdreg $0x0  }
0xa8: {  	s5 =	sshll.u32 s28, $0x1;
	[dreg:$0x2] =	wrdreg s3  }
0xa9: {  	[dreg:$0x3] =	wrdreg s5  }
0xaa: {  	[dreg:$0x4] =	wrdreg $0xC0  }
0xab: {  	_ =	task [dreg:s7], $0x5FFFF  }
0xac: {  	[dreg:$0x1] =	wrdreg $0xFFFFFFFF  }
0xad: {  	[dreg:$0x0] =	wrdreg $0x60  }
0xae: {  	[dreg:$0x2] =	wrdreg s24  }
0xaf: {  	[dreg:$0x3] =	wrdreg s2  }
0xb0: {  	[dreg:$0x4] =	wrdreg $0x9  }
0xb1: {  	_ =	task.clear_ibuf [dreg:s7], $0x5FFFF;
	_ =	strace $0x90000046  }
0xb2: {  	s29 =	simm.s32 $0x9;
	_ =	strace $0x80000048  }
0xb3: {  	_ =	swait.ge [sflag:s29], $0x1  }
0xb4: {  	[sflag:s29] =	ssyncadd.s32 $0xFFFFFFFF  }
0xb5: {  	_ =	strace $0x90000048  }
0xb6: {  	_ =	sfence  }
0xb7: {  	s30 =	sld [smem:$0x0];
	_ =	sdelay $0x2  }
0xb8: {  	s31 =	sshll.u32 s1, $0xD;
	s1 =	sshrl.u32 s1, $0x2  }
0xb9: {  	s3 =	sand.u32 $0x4000, s31;
	s1 =	sadd.s32 s1, s30  }
0xba: {  	s0 =	sor.u32 s3, s0;
	s1 =	sshll.u32 s1, $0x11  }
0xbb: {  	s0 =	sor.u32 s1, s0  }
0xbc: {  	s0 =	sadd.s32 $0x8F2B, s0  }
0xbd: {  	[sflag:s0] =	ssyncadd.remote.s32 $0x1  }
0xbe: {  	_ =	sfence.sel $0xFFFF  }
0xbf: {  	[dreg:$0x0] =	wrdreg $0xFFFFFFFF;
	(pc) =	sbr.abs _section_cstart, $3  }
0xc0: {  	[dreg:$0x1] =	wrdreg $0xFFFFFFFF  }
0xc1: {  	_ =	task.clear_ibuf [dreg:s7], $0x2FFFF;
	_ =	strace $0x9FFFFFFF  }
0xc2: {  	(tm) =	ssettm $0x7FFFFFFF  }
0xc3: {  	_ =	shalt  }
tec
execute0_lowered:
.L_overlay_start_1:
0x0: {  	(tag) =	ssettag $0x1  }
0x1: {  	s4 =	rddreg [dreg:$0x0]  }
0x2: {  	s5 =	rddreg [dreg:$0x1]  }
0x3: {  	s0 =	rddreg [dreg:$0x2];
	s2 =	simm.s32 $0x0;
	s3 =	srdreg.scid  }
0x4: {  	s1 =	stileid.u32;
	s10 =	simm.s32 $0x0;
	s6 =	sand.u32 $0x1, s3  }
0x5: {  	[smem:$0x7FF] =	sst s2;
	s7 =	sshll.u32 s1, $0xA;
	s8 =	sshll.u32 s6, $0x9  }
0x6: {  	s3 =	sadd.s32 $0x400, s4;
	s6 =	ssub.s32 $0x2, s6;
	s7 =	sor.u32 s8, s7  }
0x7: {  	_ =	strace $0x80000047;
	s9 =	sshrl.u32 s6, $0x1;
	s8 =	sshll.u32 s7, $0x4  }
0x8: {  	s7 =	sshrl.u32 s7, $0x3;
	s6 =	ssub.s32 s6, s9;
	s9 =	simm.s32 $0x8500  }
0x9: {  	s8 =	sadd.s32 s8, s4;
	s4 =	sadd.s32 s5, s7;
	s6 =	smax.u32 s6, $0x1  }
0xa: {  	s7 =	simm.s32 $0x2;
	s5 =	sadd.s32 $0xF42800, s8;
	s8 =	simm.s32 $0x1  }
.LBB2_1:
0xb: {  	[tilespmem:s2], [sflag:$0x2] =	stream.linear.gather [hbm4b:s4+s2], $0x200, $0x38;
	[tilespmem:$0x18500] =	vst v63  }
0xc: {  	_ =	swait.ge [sflag:s7], $0x200  }
0xd: {  	[sflag:s7] =	ssyncset.done $0x0  }
0xe: {  	s11 =	simm.s32 $0x0;
	[sflag:s7] =	ssyncadd.s32 $0xFFFFFE00  }
0xf: {  	s12 =	simm.s32 $0x40;
	v0 =	vld [tilespmem:s11+$0x0]  }
.LBB2_2:
0x10: {  	p0 =	sne.s32 s12, $0x7C0  }
.Ltmp0:
0x11: {  	_ = 	snop;
	(pc) =	sbr.rel @p0 .LBB2_2-.Ltmp0, $3  }
0x12: {  	_ =	sdelay $0x1  }
0x13: {  	s13 =	sshra.s32 s12, $0x2;
	s12 =	sadd.s32 $0x40, s12;
	v1 =	vand.u32 $0xFFFFFFF8, v0  }
0x14: {  	v0 =	vld [tilespmem:s13+$0x0];
	[tilespmem:s11+$0x280] =	vst v1;
	s11 =	smov.u32 s13  }
0x15: {  	_ =	sdelay $0x3  }
0x16: {  	v0 =	vand.u32 $0xFFFFFFF8, v0  }
0x17: {  	s29 =	simm.s32 $0x0;
	[tilespmem:s11+$0x280] =	vst v0  }
0x18: {  	v0 =	vld [tilespmem:s29+$0x280];
	_ =	sdelay $0x4  }
0x19: {  	(v2sf) =	vpush v0, $0x0;
	_ =	sdelay $0xe  }
0x1a: {  	s30 =	spop (v2sf)  }
0x1b: {  	s11 =	sshll.u32 s30, $0x4  }
0x1c: {  	s12 =	sand.u32 $0xFFFFF80, s11  }
0x1d: {  	s31 =	simm.s32 $0x1;
	s11 =	simm.s32 $0x500;
	s12 =	sadd.s32 s3, s12  }
0x1e: {  	[tilespmem:s11], [sflag:$0x1] =	stream.linear.gather [hbm4b:s12+s2], $0x400, $0x38;
	[tilespmem:$0x18500] =	vst v63  }
0x1f: {  	s12 =	simm.s32 $0x8;
	v0 =	vld [tilespmem:s31+$0x280]  }
.LBB2_4:
0x20: {  	p0 =	sne.s32 s12, $0x7C;
	_ =	sdelay $0x3  }
0x21: {  	(v2sf) =	vpush v0, $0x0;
	_ =	sdelay $0xe  }
0x22: {  	s13 =	spop (v2sf)  }
.Ltmp1:
0x23: {  	s13 =	sshll.u32 s13, $0x4;
	(pc) =	sbr.rel @p0 .LBB2_4-.Ltmp1, $4  }
0x24: {  	s13 =	sand.u32 $0xFFFFF80, s13  }
0x25: {  	s14 =	sshra.s32 s12, $0x2;
	s11 =	sadd.s32 $0x400, s11;
	s13 =	sadd.s32 s3, s13  }
0x26: {  	[tilespmem:s11], [sflag:$0x1] =	stream.linear.gather [hbm4b:s13+s2], $0x400, $0x38;
	[tilespmem:$0x18500] =	vst v63  }
0x27: {  	s12 =	sadd.s32 $0x4, s12;
	v0 =	vld [tilespmem:s14+$0x280]  }
0x28: {  	_ =	sdelay $0x3  }
0x29: {  	(v2sf) =	vpush v0, $0x0;
	_ =	sdelay $0xe  }
0x2a: {  	s12 =	spop (v2sf)  }
0x2b: {  	s12 =	sshll.u32 s12, $0x4  }
0x2c: {  	s12 =	sand.u32 $0xFFFFF80, s12  }
0x2d: {  	s11 =	sadd.s32 $0x400, s11;
	s12 =	sadd.s32 s3, s12  }
0x2e: {  	[tilespmem:s11], [sflag:$0x1] =	stream.linear.gather [hbm4b:s12+s2], $0x400, $0x38;
	[tilespmem:$0x18500] =	vst v63  }
0x2f: {  	_ =	swait.ge [sflag:s8], $0x400  }
0x30: {  	[sflag:s8] =	ssyncset.done $0x0  }
0x31: {  	[sflag:s8] =	ssyncadd.s32 $0xFFFFFC00  }
0x32: {  	_ =	swait.ge [sflag:s8], $0x400  }
0x33: {  	[sflag:s8] =	ssyncset.done $0x0  }
0x34: {  	[sflag:s8] =	ssyncadd.s32 $0xFFFFFC00  }
0x35: {  	_ =	swait.ge [sflag:s8], $0x400  }
0x36: {  	[sflag:s8] =	ssyncset.done $0x0  }
0x37: {  	[sflag:s8] =	ssyncadd.s32 $0xFFFFFC00  }
0x38: {  	_ =	swait.ge [sflag:s8], $0x400  }
0x39: {  	[sflag:s8] =	ssyncset.done $0x0  }
0x3a: {  	[sflag:s8] =	ssyncadd.s32 $0xFFFFFC00  }
0x3b: {  	_ =	swait.ge [sflag:s8], $0x400  }
0x3c: {  	[sflag:s8] =	ssyncset.done $0x0  }
0x3d: {  	[sflag:s8] =	ssyncadd.s32 $0xFFFFFC00  }
0x3e: {  	_ =	swait.ge [sflag:s8], $0x400  }
0x3f: {  	[sflag:s8] =	ssyncset.done $0x0  }
0x40: {  	[sflag:s8] =	ssyncadd.s32 $0xFFFFFC00  }
0x41: {  	_ =	swait.ge [sflag:s8], $0x400  }
0x42: {  	[sflag:s8] =	ssyncset.done $0x0  }
0x43: {  	[sflag:s8] =	ssyncadd.s32 $0xFFFFFC00  }
0x44: {  	_ =	swait.ge [sflag:s8], $0x400  }
0x45: {  	[sflag:s8] =	ssyncset.done $0x0  }
0x46: {  	[sflag:s8] =	ssyncadd.s32 $0xFFFFFC00  }
0x47: {  	_ =	swait.ge [sflag:s8], $0x400  }
0x48: {  	[sflag:s8] =	ssyncset.done $0x0  }
0x49: {  	[sflag:s8] =	ssyncadd.s32 $0xFFFFFC00  }
0x4a: {  	_ =	swait.ge [sflag:s8], $0x400  }
0x4b: {  	[sflag:s8] =	ssyncset.done $0x0  }
0x4c: {  	[sflag:s8] =	ssyncadd.s32 $0xFFFFFC00  }
0x4d: {  	_ =	swait.ge [sflag:s8], $0x400  }
0x4e: {  	[sflag:s8] =	ssyncset.done $0x0  }
0x4f: {  	[sflag:s8] =	ssyncadd.s32 $0xFFFFFC00  }
0x50: {  	_ =	swait.ge [sflag:s8], $0x400  }
0x51: {  	[sflag:s8] =	ssyncset.done $0x0  }
0x52: {  	[sflag:s8] =	ssyncadd.s32 $0xFFFFFC00  }
0x53: {  	_ =	swait.ge [sflag:s8], $0x400  }
0x54: {  	[sflag:s8] =	ssyncset.done $0x0  }
0x55: {  	[sflag:s8] =	ssyncadd.s32 $0xFFFFFC00  }
0x56: {  	_ =	swait.ge [sflag:s8], $0x400  }
0x57: {  	[sflag:s8] =	ssyncset.done $0x0  }
0x58: {  	[sflag:s8] =	ssyncadd.s32 $0xFFFFFC00  }
0x59: {  	_ =	swait.ge [sflag:s8], $0x400  }
0x5a: {  	[sflag:s8] =	ssyncset.done $0x0  }
0x5b: {  	[sflag:s8] =	ssyncadd.s32 $0xFFFFFC00  }
0x5c: {  	_ =	swait.ge [sflag:s8], $0x400  }
0x5d: {  	[sflag:s8] =	ssyncset.done $0x0  }
0x5e: {  	[sflag:s8] =	ssyncadd.s32 $0xFFFFFC00  }
0x5f: {  	_ =	swait.ge [sflag:s8], $0x400  }
0x60: {  	[sflag:s8] =	ssyncset.done $0x0  }
0x61: {  	[sflag:s8] =	ssyncadd.s32 $0xFFFFFC00  }
0x62: {  	_ =	swait.ge [sflag:s8], $0x400  }
0x63: {  	[sflag:s8] =	ssyncset.done $0x0  }
0x64: {  	[sflag:s8] =	ssyncadd.s32 $0xFFFFFC00  }
0x65: {  	_ =	swait.ge [sflag:s8], $0x400  }
0x66: {  	[sflag:s8] =	ssyncset.done $0x0  }
0x67: {  	[sflag:s8] =	ssyncadd.s32 $0xFFFFFC00  }
0x68: {  	_ =	swait.ge [sflag:s8], $0x400  }
0x69: {  	[sflag:s8] =	ssyncset.done $0x0  }
0x6a: {  	[sflag:s8] =	ssyncadd.s32 $0xFFFFFC00  }
0x6b: {  	_ =	swait.ge [sflag:s8], $0x400  }
0x6c: {  	[sflag:s8] =	ssyncset.done $0x0  }
0x6d: {  	[sflag:s8] =	ssyncadd.s32 $0xFFFFFC00  }
0x6e: {  	_ =	swait.ge [sflag:s8], $0x400  }
0x6f: {  	[sflag:s8] =	ssyncset.done $0x0  }
0x70: {  	[sflag:s8] =	ssyncadd.s32 $0xFFFFFC00  }
0x71: {  	_ =	swait.ge [sflag:s8], $0x400  }
0x72: {  	[sflag:s8] =	ssyncset.done $0x0  }
0x73: {  	[sflag:s8] =	ssyncadd.s32 $0xFFFFFC00  }
0x74: {  	_ =	swait.ge [sflag:s8], $0x400  }
0x75: {  	[sflag:s8] =	ssyncset.done $0x0  }
0x76: {  	[sflag:s8] =	ssyncadd.s32 $0xFFFFFC00  }
0x77: {  	_ =	swait.ge [sflag:s8], $0x400  }
0x78: {  	[sflag:s8] =	ssyncset.done $0x0  }
0x79: {  	[sflag:s8] =	ssyncadd.s32 $0xFFFFFC00  }
0x7a: {  	_ =	swait.ge [sflag:s8], $0x400  }
0x7b: {  	[sflag:s8] =	ssyncset.done $0x0  }
0x7c: {  	[sflag:s8] =	ssyncadd.s32 $0xFFFFFC00  }
0x7d: {  	_ =	swait.ge [sflag:s8], $0x400  }
0x7e: {  	[sflag:s8] =	ssyncset.done $0x0  }
0x7f: {  	[sflag:s8] =	ssyncadd.s32 $0xFFFFFC00  }
0x80: {  	_ =	swait.ge [sflag:s8], $0x400  }
0x81: {  	[sflag:s8] =	ssyncset.done $0x0  }
0x82: {  	[sflag:s8] =	ssyncadd.s32 $0xFFFFFC00  }
0x83: {  	_ =	swait.ge [sflag:s8], $0x400  }
0x84: {  	[sflag:s8] =	ssyncset.done $0x0  }
0x85: {  	[sflag:s8] =	ssyncadd.s32 $0xFFFFFC00  }
0x86: {  	_ =	swait.ge [sflag:s8], $0x400  }
0x87: {  	[sflag:s8] =	ssyncset.done $0x0  }
0x88: {  	[sflag:s8] =	ssyncadd.s32 $0xFFFFFC00  }
0x89: {  	_ =	swait.ge [sflag:s8], $0x400  }
0x8a: {  	[sflag:s8] =	ssyncset.done $0x0  }
0x8b: {  	[sflag:s8] =	ssyncadd.s32 $0xFFFFFC00  }
0x8c: {  	_ =	swait.ge [sflag:s8], $0x400  }
0x8d: {  	[sflag:s8] =	ssyncset.done $0x0  }
0x8e: {  	s12 =	simm.s32 $0x0;
	[sflag:s8] =	ssyncadd.s32 $0xFFFFFC00  }
0x8f: {  	v62 =	vld [tilespmem:s12+$0x0];
	_ =	sdelay $0x4  }
0x90: {  	(v2sf) =	vpush v62, $0x0;
	_ =	sdelay $0xe  }
0x91: {  	s31 =	spop (v2sf)  }
0x92: {  	s11 =	sand.u32 $0x7, s31  }
0x93: {  	s11 =	sshll.u32 s11, $0x7  }
0x94: {  	s11 =	sadd.s32 $0x500, s11  }
0x95: {  	v63 =	vld [tilespmem:s11+$0x0];
	_ =	sdelay $0x3  }
0x96: {  	s13 =	simm.s32 $0x8510  }
0x97: {  	[tilespmem:s13+$0xFFFFFFF0] =	vst v63  }
0x98: {  	v0 =	vld [tilespmem:s11+$0x10];
	_ =	sdelay $0x3  }
0x99: {  	s16 =	simm.s32 $0x1  }
0x9a: {  	s15 =	simm.s32 $0x8;
	s14 =	simm.s32 $0x500;
	s11 =	simm.s32 $0x500;
	[tilespmem:s13+$0x0] =	vst v0  }
.LBB2_6:
0x9b: {  	p0 =	sne.s32 s15, $0x7C;
	v0 =	vld [tilespmem:s16+$0x0];
	_ =	sdelay $0x4  }
0x9c: {  	(v2sf) =	vpush v0, $0x0;
	_ =	sdelay $0xe  }
0x9d: {  	s16 =	spop (v2sf)  }
0x9e: {  	s16 =	sand.u32 $0x7, s16  }
0x9f: {  	s14 =	sadd.s32 $0x400, s14;
	s16 =	sshll.u32 s16, $0x7  }
0xa0: {  	s16 =	sadd.s32 s16, s14  }
0xa1: {  	v0 =	vld [tilespmem:s16+$0x0];
	_ =	sdelay $0x3  }
0xa2: {  	s13 =	sadd.s32 $0x80, s13  }
0xa3: {  	[tilespmem:s13+$0xFFFFFFF0] =	vst v0  }
0xa4: {  	v0 =	vld [tilespmem:s16+$0x10]  }
.Ltmp2:
0xa5: {  	(pc) =	sbr.rel @p0 .LBB2_6-.Ltmp2, $2  }
0xa6: {  	_ =	sdelay $0x2  }
0xa7: {  	s16 =	sshra.s32 s15, $0x2;
	s15 =	sadd.s32 $0x4, s15;
	[tilespmem:s13+$0x0] =	vst v0  }
0xa8: {  	v0 =	vld [tilespmem:s16+$0x0];
	_ =	sdelay $0x4  }
0xa9: {  	(v2sf) =	vpush v0, $0x0;
	_ =	sdelay $0xe  }
0xaa: {  	s15 =	spop (v2sf)  }
0xab: {  	s15 =	sand.u32 $0x7, s15  }
0xac: {  	s14 =	sadd.s32 $0x400, s14;
	s15 =	sshll.u32 s15, $0x7  }
0xad: {  	s14 =	sadd.s32 s15, s14  }
0xae: {  	v0 =	vld [tilespmem:s14+$0x0];
	_ =	sdelay $0x3  }
0xaf: {  	s13 =	sadd.s32 $0x80, s13  }
0xb0: {  	[tilespmem:s13+$0xFFFFFFF0] =	vst v0  }
0xb1: {  	v0 =	vld [tilespmem:s14+$0x10];
	_ =	sdelay $0x4  }
0xb2: {  	[tilespmem:s13+$0x0] =	vst v0  }
0xb3: {  	v0 =	vld [tilespmem:s12+$0x2A0];
	_ =	sdelay $0x4  }
0xb4: {  	(v2sf) =	vpush v0, $0x0;
	_ =	sdelay $0xe  }
0xb5: {  	s30 =	spop (v2sf)  }
0xb6: {  	s12 =	sshll.u32 s30, $0x4  }
0xb7: {  	s12 =	sand.u32 $0xFFFFF80, s12  }
0xb8: {  	s31 =	simm.s32 $0x1;
	s12 =	sadd.s32 s3, s12  }
0xb9: {  	[tilespmem:s11], [sflag:$0x1] =	stream.linear.gather [hbm4b:s12+s2], $0x400, $0x38;
	[tilespmem:$0x18500] =	vst v63  }
0xba: {  	s12 =	simm.s32 $0x8;
	v0 =	vld [tilespmem:s31+$0x2A0]  }
.LBB2_8:
0xbb: {  	p0 =	sne.s32 s12, $0x7C;
	_ =	sdelay $0x3  }
0xbc: {  	(v2sf) =	vpush v0, $0x0;
	_ =	sdelay $0xe  }
0xbd: {  	s13 =	spop (v2sf)  }
.Ltmp3:
0xbe: {  	s13 =	sshll.u32 s13, $0x4;
	(pc) =	sbr.rel @p0 .LBB2_8-.Ltmp3, $4  }
0xbf: {  	s13 =	sand.u32 $0xFFFFF80, s13  }
0xc0: {  	s14 =	sshra.s32 s12, $0x2;
	s11 =	sadd.s32 $0x400, s11;
	s13 =	sadd.s32 s3, s13  }
0xc1: {  	[tilespmem:s11], [sflag:$0x1] =	stream.linear.gather [hbm4b:s13+s2], $0x400, $0x38;
	[tilespmem:$0x18500] =	vst v63  }
0xc2: {  	s12 =	sadd.s32 $0x4, s12;
	v0 =	vld [tilespmem:s14+$0x2A0]  }
0xc3: {  	_ =	sdelay $0x3  }
0xc4: {  	(v2sf) =	vpush v0, $0x0;
	_ =	sdelay $0xe  }
0xc5: {  	s12 =	spop (v2sf)  }
0xc6: {  	s12 =	sshll.u32 s12, $0x4  }
0xc7: {  	s12 =	sand.u32 $0xFFFFF80, s12  }
0xc8: {  	s11 =	sadd.s32 $0x400, s11;
	s12 =	sadd.s32 s3, s12  }
0xc9: {  	[tilespmem:s11], [sflag:$0x1] =	stream.linear.gather [hbm4b:s12+s2], $0x400, $0x38;
	[tilespmem:$0x18500] =	vst v63  }
0xca: {  	_ =	swait.ge [sflag:s8], $0x400  }
0xcb: {  	[sflag:s8] =	ssyncset.done $0x0  }
0xcc: {  	[sflag:s8] =	ssyncadd.s32 $0xFFFFFC00  }
0xcd: {  	_ =	swait.ge [sflag:s8], $0x400  }
0xce: {  	[sflag:s8] =	ssyncset.done $0x0  }
0xcf: {  	[sflag:s8] =	ssyncadd.s32 $0xFFFFFC00  }
0xd0: {  	_ =	swait.ge [sflag:s8], $0x400  }
0xd1: {  	[sflag:s8] =	ssyncset.done $0x0  }
0xd2: {  	[sflag:s8] =	ssyncadd.s32 $0xFFFFFC00  }
0xd3: {  	_ =	swait.ge [sflag:s8], $0x400  }
0xd4: {  	[sflag:s8] =	ssyncset.done $0x0  }
0xd5: {  	[sflag:s8] =	ssyncadd.s32 $0xFFFFFC00  }
0xd6: {  	_ =	swait.ge [sflag:s8], $0x400  }
0xd7: {  	[sflag:s8] =	ssyncset.done $0x0  }
0xd8: {  	[sflag:s8] =	ssyncadd.s32 $0xFFFFFC00  }
0xd9: {  	_ =	swait.ge [sflag:s8], $0x400  }
0xda: {  	[sflag:s8] =	ssyncset.done $0x0  }
0xdb: {  	[sflag:s8] =	ssyncadd.s32 $0xFFFFFC00  }
0xdc: {  	_ =	swait.ge [sflag:s8], $0x400  }
0xdd: {  	[sflag:s8] =	ssyncset.done $0x0  }
0xde: {  	[sflag:s8] =	ssyncadd.s32 $0xFFFFFC00  }
0xdf: {  	_ =	swait.ge [sflag:s8], $0x400  }
0xe0: {  	[sflag:s8] =	ssyncset.done $0x0  }
0xe1: {  	[sflag:s8] =	ssyncadd.s32 $0xFFFFFC00  }
0xe2: {  	_ =	swait.ge [sflag:s8], $0x400  }
0xe3: {  	[sflag:s8] =	ssyncset.done $0x0  }
0xe4: {  	[sflag:s8] =	ssyncadd.s32 $0xFFFFFC00  }
0xe5: {  	_ =	swait.ge [sflag:s8], $0x400  }
0xe6: {  	[sflag:s8] =	ssyncset.done $0x0  }
0xe7: {  	[sflag:s8] =	ssyncadd.s32 $0xFFFFFC00  }
0xe8: {  	_ =	swait.ge [sflag:s8], $0x400  }
0xe9: {  	[sflag:s8] =	ssyncset.done $0x0  }
0xea: {  	[sflag:s8] =	ssyncadd.s32 $0xFFFFFC00  }
0xeb: {  	_ =	swait.ge [sflag:s8], $0x400  }
0xec: {  	[sflag:s8] =	ssyncset.done $0x0  }
0xed: {  	[sflag:s8] =	ssyncadd.s32 $0xFFFFFC00  }
0xee: {  	_ =	swait.ge [sflag:s8], $0x400  }
0xef: {  	[sflag:s8] =	ssyncset.done $0x0  }
0xf0: {  	[sflag:s8] =	ssyncadd.s32 $0xFFFFFC00  }
0xf1: {  	_ =	swait.ge [sflag:s8], $0x400  }
0xf2: {  	[sflag:s8] =	ssyncset.done $0x0  }
0xf3: {  	[sflag:s8] =	ssyncadd.s32 $0xFFFFFC00  }
0xf4: {  	_ =	swait.ge [sflag:s8], $0x400  }
0xf5: {  	[sflag:s8] =	ssyncset.done $0x0  }
0xf6: {  	[sflag:s8] =	ssyncadd.s32 $0xFFFFFC00  }
0xf7: {  	_ =	swait.ge [sflag:s8], $0x400  }
0xf8: {  	[sflag:s8] =	ssyncset.done $0x0  }
0xf9: {  	[sflag:s8] =	ssyncadd.s32 $0xFFFFFC00  }
0xfa: {  	_ =	swait.ge [sflag:s8], $0x400  }
0xfb: {  	[sflag:s8] =	ssyncset.done $0x0  }
0xfc: {  	[sflag:s8] =	ssyncadd.s32 $0xFFFFFC00  }
0xfd: {  	_ =	swait.ge [sflag:s8], $0x400  }
0xfe: {  	[sflag:s8] =	ssyncset.done $0x0  }
0xff: {  	[sflag:s8] =	ssyncadd.s32 $0xFFFFFC00  }
0x100: {  	_ =	swait.ge [sflag:s8], $0x400  }
0x101: {  	[sflag:s8] =	ssyncset.done $0x0  }
0x102: {  	[sflag:s8] =	ssyncadd.s32 $0xFFFFFC00  }
0x103: {  	_ =	swait.ge [sflag:s8], $0x400  }
0x104: {  	[sflag:s8] =	ssyncset.done $0x0  }
0x105: {  	[sflag:s8] =	ssyncadd.s32 $0xFFFFFC00  }
0x106: {  	_ =	swait.ge [sflag:s8], $0x400  }
0x107: {  	[sflag:s8] =	ssyncset.done $0x0  }
0x108: {  	[sflag:s8] =	ssyncadd.s32 $0xFFFFFC00  }
0x109: {  	_ =	swait.ge [sflag:s8], $0x400  }
0x10a: {  	[sflag:s8] =	ssyncset.done $0x0  }
0x10b: {  	[sflag:s8] =	ssyncadd.s32 $0xFFFFFC00  }
0x10c: {  	_ =	swait.ge [sflag:s8], $0x400  }
0x10d: {  	[sflag:s8] =	ssyncset.done $0x0  }
0x10e: {  	[sflag:s8] =	ssyncadd.s32 $0xFFFFFC00  }
0x10f: {  	_ =	swait.ge [sflag:s8], $0x400  }
0x110: {  	[sflag:s8] =	ssyncset.done $0x0  }
0x111: {  	[sflag:s8] =	ssyncadd.s32 $0xFFFFFC00  }
0x112: {  	_ =	swait.ge [sflag:s8], $0x400  }
0x113: {  	[sflag:s8] =	ssyncset.done $0x0  }
0x114: {  	[sflag:s8] =	ssyncadd.s32 $0xFFFFFC00  }
0x115: {  	_ =	swait.ge [sflag:s8], $0x400  }
0x116: {  	[sflag:s8] =	ssyncset.done $0x0  }
0x117: {  	[sflag:s8] =	ssyncadd.s32 $0xFFFFFC00  }
0x118: {  	_ =	swait.ge [sflag:s8], $0x400  }
0x119: {  	[sflag:s8] =	ssyncset.done $0x0  }
0x11a: {  	[sflag:s8] =	ssyncadd.s32 $0xFFFFFC00  }
0x11b: {  	_ =	swait.ge [sflag:s8], $0x400  }
0x11c: {  	[sflag:s8] =	ssyncset.done $0x0  }
0x11d: {  	[sflag:s8] =	ssyncadd.s32 $0xFFFFFC00  }
0x11e: {  	_ =	swait.ge [sflag:s8], $0x400  }
0x11f: {  	[sflag:s8] =	ssyncset.done $0x0  }
0x120: {  	[sflag:s8] =	ssyncadd.s32 $0xFFFFFC00  }
0x121: {  	_ =	swait.ge [sflag:s8], $0x400  }
0x122: {  	[sflag:s8] =	ssyncset.done $0x0  }
0x123: {  	[sflag:s8] =	ssyncadd.s32 $0xFFFFFC00  }
0x124: {  	_ =	swait.ge [sflag:s8], $0x400  }
0x125: {  	[sflag:s8] =	ssyncset.done $0x0  }
0x126: {  	[sflag:s8] =	ssyncadd.s32 $0xFFFFFC00  }
0x127: {  	_ =	swait.ge [sflag:s8], $0x400  }
0x128: {  	[sflag:s8] =	ssyncset.done $0x0  }
0x129: {  	s11 =	simm.s32 $0x0;
	[sflag:s8] =	ssyncadd.s32 $0xFFFFFC00  }
0x12a: {  	v62 =	vld [tilespmem:s11+$0x20];
	_ =	sdelay $0x4  }
0x12b: {  	(v2sf) =	vpush v62, $0x0;
	_ =	sdelay $0xe  }
0x12c: {  	s31 =	spop (v2sf)  }
0x12d: {  	s12 =	sand.u32 $0x7, s31  }
0x12e: {  	s12 =	sshll.u32 s12, $0x7  }
0x12f: {  	s13 =	sadd.s32 $0x510, s12  }
0x130: {  	v63 =	vld [tilespmem:s13+$0xFFFFFFF0];
	_ =	sdelay $0x3  }
0x131: {  	s12 =	simm.s32 $0x9510  }
0x132: {  	[tilespmem:s12+$0xFFFFFFF0] =	vst v63  }
0x133: {  	v0 =	vld [tilespmem:s13+$0x0];
	_ =	sdelay $0x4  }
0x134: {  	s15 =	simm.s32 $0x1;
	s14 =	simm.s32 $0x8;
	s13 =	simm.s32 $0x510;
	[tilespmem:s12+$0x0] =	vst v0  }
.LBB2_10:
0x135: {  	p0 =	sne.s32 s14, $0x7C;
	v0 =	vld [tilespmem:s15+$0x20];
	_ =	sdelay $0x4  }
0x136: {  	(v2sf) =	vpush v0, $0x0;
	_ =	sdelay $0xe  }
0x137: {  	s15 =	spop (v2sf)  }
0x138: {  	s15 =	sand.u32 $0x7, s15  }
0x139: {  	s13 =	sadd.s32 $0x400, s13;
	s15 =	sshll.u32 s15, $0x7  }
0x13a: {  	s15 =	sadd.s32 s15, s13  }
0x13b: {  	v0 =	vld [tilespmem:s15+$0xFFFFFFF0];
	_ =	sdelay $0x3  }
0x13c: {  	s12 =	sadd.s32 $0x80, s12  }
0x13d: {  	[tilespmem:s12+$0xFFFFFFF0] =	vst v0  }
0x13e: {  	v0 =	vld [tilespmem:s15+$0x0]  }
.Ltmp4:
0x13f: {  	(pc) =	sbr.rel @p0 .LBB2_10-.Ltmp4, $2  }
0x140: {  	_ =	sdelay $0x2  }
0x141: {  	s15 =	sshra.s32 s14, $0x2;
	s14 =	sadd.s32 $0x4, s14;
	[tilespmem:s12+$0x0] =	vst v0  }
0x142: {  	v0 =	vld [tilespmem:s15+$0x20];
	_ =	sdelay $0x4  }
0x143: {  	(v2sf) =	vpush v0, $0x0;
	_ =	sdelay $0xe  }
0x144: {  	s14 =	spop (v2sf)  }
0x145: {  	s14 =	sand.u32 $0x7, s14  }
0x146: {  	s13 =	sadd.s32 $0x400, s13;
	s14 =	sshll.u32 s14, $0x7  }
0x147: {  	s13 =	sadd.s32 s14, s13  }
0x148: {  	v0 =	vld [tilespmem:s13+$0xFFFFFFF0];
	_ =	sdelay $0x3  }
0x149: {  	s12 =	sadd.s32 $0x80, s12  }
0x14a: {  	[tilespmem:s12+$0xFFFFFFF0] =	vst v0  }
0x14b: {  	v0 =	vld [tilespmem:s13+$0x0];
	_ =	sdelay $0x4  }
0x14c: {  	[tilespmem:s12+$0x0] =	vst v0  }
0x14d: {  	v0 =	vld [tilespmem:s11+$0x2C0];
	_ =	sdelay $0x4  }
0x14e: {  	(v2sf) =	vpush v0, $0x0;
	_ =	sdelay $0xe  }
0x14f: {  	s29 =	spop (v2sf)  }
0x150: {  	s11 =	sshll.u32 s29, $0x4  }
0x151: {  	s30 =	sand.u32 $0xFFFFF80, s11  }
0x152: {  	s31 =	simm.s32 $0x1;
	s11 =	simm.s32 $0x500;
	s12 =	sadd.s32 s3, s30  }
0x153: {  	[tilespmem:s11], [sflag:$0x1] =	stream.linear.gather [hbm4b:s12+s2], $0x400, $0x38;
	[tilespmem:$0x18500] =	vst v63  }
0x154: {  	s12 =	simm.s32 $0x8;
	v0 =	vld [tilespmem:s31+$0x2C0]  }
.LBB2_12:
0x155: {  	p0 =	sne.s32 s12, $0x7C;
	_ =	sdelay $0x3  }
0x156: {  	(v2sf) =	vpush v0, $0x0;
	_ =	sdelay $0xe  }
0x157: {  	s13 =	spop (v2sf)  }
.Ltmp5:
0x158: {  	s13 =	sshll.u32 s13, $0x4;
	(pc) =	sbr.rel @p0 .LBB2_12-.Ltmp5, $4  }
0x159: {  	s13 =	sand.u32 $0xFFFFF80, s13  }
0x15a: {  	s14 =	sshra.s32 s12, $0x2;
	s11 =	sadd.s32 $0x400, s11;
	s13 =	sadd.s32 s3, s13  }
0x15b: {  	[tilespmem:s11], [sflag:$0x1] =	stream.linear.gather [hbm4b:s13+s2], $0x400, $0x38;
	[tilespmem:$0x18500] =	vst v63  }
0x15c: {  	s12 =	sadd.s32 $0x4, s12;
	v0 =	vld [tilespmem:s14+$0x2C0]  }
0x15d: {  	_ =	sdelay $0x3  }
0x15e: {  	(v2sf) =	vpush v0, $0x0;
	_ =	sdelay $0xe  }
0x15f: {  	s12 =	spop (v2sf)  }
0x160: {  	s12 =	sshll.u32 s12, $0x4  }
0x161: {  	s12 =	sand.u32 $0xFFFFF80, s12  }
0x162: {  	s11 =	sadd.s32 $0x400, s11;
	s12 =	sadd.s32 s3, s12  }
0x163: {  	[tilespmem:s11], [sflag:$0x1] =	stream.linear.gather [hbm4b:s12+s2], $0x400, $0x38;
	[tilespmem:$0x18500] =	vst v63  }
0x164: {  	_ =	swait.ge [sflag:s8], $0x400  }
0x165: {  	[sflag:s8] =	ssyncset.done $0x0  }
0x166: {  	[sflag:s8] =	ssyncadd.s32 $0xFFFFFC00  }
0x167: {  	_ =	swait.ge [sflag:s8], $0x400  }
0x168: {  	[sflag:s8] =	ssyncset.done $0x0  }
0x169: {  	[sflag:s8] =	ssyncadd.s32 $0xFFFFFC00  }
0x16a: {  	_ =	swait.ge [sflag:s8], $0x400  }
0x16b: {  	[sflag:s8] =	ssyncset.done $0x0  }
0x16c: {  	[sflag:s8] =	ssyncadd.s32 $0xFFFFFC00  }
0x16d: {  	_ =	swait.ge [sflag:s8], $0x400  }
0x16e: {  	[sflag:s8] =	ssyncset.done $0x0  }
0x16f: {  	[sflag:s8] =	ssyncadd.s32 $0xFFFFFC00  }
0x170: {  	_ =	swait.ge [sflag:s8], $0x400  }
0x171: {  	[sflag:s8] =	ssyncset.done $0x0  }
0x172: {  	[sflag:s8] =	ssyncadd.s32 $0xFFFFFC00  }
0x173: {  	_ =	swait.ge [sflag:s8], $0x400  }
0x174: {  	[sflag:s8] =	ssyncset.done $0x0  }
0x175: {  	[sflag:s8] =	ssyncadd.s32 $0xFFFFFC00  }
0x176: {  	_ =	swait.ge [sflag:s8], $0x400  }
0x177: {  	[sflag:s8] =	ssyncset.done $0x0  }
0x178: {  	[sflag:s8] =	ssyncadd.s32 $0xFFFFFC00  }
0x179: {  	_ =	swait.ge [sflag:s8], $0x400  }
0x17a: {  	[sflag:s8] =	ssyncset.done $0x0  }
0x17b: {  	[sflag:s8] =	ssyncadd.s32 $0xFFFFFC00  }
0x17c: {  	_ =	swait.ge [sflag:s8], $0x400  }
0x17d: {  	[sflag:s8] =	ssyncset.done $0x0  }
0x17e: {  	[sflag:s8] =	ssyncadd.s32 $0xFFFFFC00  }
0x17f: {  	_ =	swait.ge [sflag:s8], $0x400  }
0x180: {  	[sflag:s8] =	ssyncset.done $0x0  }
0x181: {  	[sflag:s8] =	ssyncadd.s32 $0xFFFFFC00  }
0x182: {  	_ =	swait.ge [sflag:s8], $0x400  }
0x183: {  	[sflag:s8] =	ssyncset.done $0x0  }
0x184: {  	[sflag:s8] =	ssyncadd.s32 $0xFFFFFC00  }
0x185: {  	_ =	swait.ge [sflag:s8], $0x400  }
0x186: {  	[sflag:s8] =	ssyncset.done $0x0  }
0x187: {  	[sflag:s8] =	ssyncadd.s32 $0xFFFFFC00  }
0x188: {  	_ =	swait.ge [sflag:s8], $0x400  }
0x189: {  	[sflag:s8] =	ssyncset.done $0x0  }
0x18a: {  	[sflag:s8] =	ssyncadd.s32 $0xFFFFFC00  }
0x18b: {  	_ =	swait.ge [sflag:s8], $0x400  }
0x18c: {  	[sflag:s8] =	ssyncset.done $0x0  }
0x18d: {  	[sflag:s8] =	ssyncadd.s32 $0xFFFFFC00  }
0x18e: {  	_ =	swait.ge [sflag:s8], $0x400  }
0x18f: {  	[sflag:s8] =	ssyncset.done $0x0  }
0x190: {  	[sflag:s8] =	ssyncadd.s32 $0xFFFFFC00  }
0x191: {  	_ =	swait.ge [sflag:s8], $0x400  }
0x192: {  	[sflag:s8] =	ssyncset.done $0x0  }
0x193: {  	[sflag:s8] =	ssyncadd.s32 $0xFFFFFC00  }
0x194: {  	_ =	swait.ge [sflag:s8], $0x400  }
0x195: {  	[sflag:s8] =	ssyncset.done $0x0  }
0x196: {  	[sflag:s8] =	ssyncadd.s32 $0xFFFFFC00  }
0x197: {  	_ =	swait.ge [sflag:s8], $0x400  }
0x198: {  	[sflag:s8] =	ssyncset.done $0x0  }
0x199: {  	[sflag:s8] =	ssyncadd.s32 $0xFFFFFC00  }
0x19a: {  	_ =	swait.ge [sflag:s8], $0x400  }
0x19b: {  	[sflag:s8] =	ssyncset.done $0x0  }
0x19c: {  	[sflag:s8] =	ssyncadd.s32 $0xFFFFFC00  }
0x19d: {  	_ =	swait.ge [sflag:s8], $0x400  }
0x19e: {  	[sflag:s8] =	ssyncset.done $0x0  }
0x19f: {  	[sflag:s8] =	ssyncadd.s32 $0xFFFFFC00  }
0x1a0: {  	_ =	swait.ge [sflag:s8], $0x400  }
0x1a1: {  	[sflag:s8] =	ssyncset.done $0x0  }
0x1a2: {  	[sflag:s8] =	ssyncadd.s32 $0xFFFFFC00  }
0x1a3: {  	_ =	swait.ge [sflag:s8], $0x400  }
0x1a4: {  	[sflag:s8] =	ssyncset.done $0x0  }
0x1a5: {  	[sflag:s8] =	ssyncadd.s32 $0xFFFFFC00  }
0x1a6: {  	_ =	swait.ge [sflag:s8], $0x400  }
0x1a7: {  	[sflag:s8] =	ssyncset.done $0x0  }
0x1a8: {  	[sflag:s8] =	ssyncadd.s32 $0xFFFFFC00  }
0x1a9: {  	_ =	swait.ge [sflag:s8], $0x400  }
0x1aa: {  	[sflag:s8] =	ssyncset.done $0x0  }
0x1ab: {  	[sflag:s8] =	ssyncadd.s32 $0xFFFFFC00  }
0x1ac: {  	_ =	swait.ge [sflag:s8], $0x400  }
0x1ad: {  	[sflag:s8] =	ssyncset.done $0x0  }
0x1ae: {  	[sflag:s8] =	ssyncadd.s32 $0xFFFFFC00  }
0x1af: {  	_ =	swait.ge [sflag:s8], $0x400  }
0x1b0: {  	[sflag:s8] =	ssyncset.done $0x0  }
0x1b1: {  	[sflag:s8] =	ssyncadd.s32 $0xFFFFFC00  }
0x1b2: {  	_ =	swait.ge [sflag:s8], $0x400  }
0x1b3: {  	[sflag:s8] =	ssyncset.done $0x0  }
0x1b4: {  	[sflag:s8] =	ssyncadd.s32 $0xFFFFFC00  }
0x1b5: {  	_ =	swait.ge [sflag:s8], $0x400  }
0x1b6: {  	[sflag:s8] =	ssyncset.done $0x0  }
0x1b7: {  	[sflag:s8] =	ssyncadd.s32 $0xFFFFFC00  }
0x1b8: {  	_ =	swait.ge [sflag:s8], $0x400  }
0x1b9: {  	[sflag:s8] =	ssyncset.done $0x0  }
0x1ba: {  	[sflag:s8] =	ssyncadd.s32 $0xFFFFFC00  }
0x1bb: {  	_ =	swait.ge [sflag:s8], $0x400  }
0x1bc: {  	[sflag:s8] =	ssyncset.done $0x0  }
0x1bd: {  	[sflag:s8] =	ssyncadd.s32 $0xFFFFFC00  }
0x1be: {  	_ =	swait.ge [sflag:s8], $0x400  }
0x1bf: {  	[sflag:s8] =	ssyncset.done $0x0  }
0x1c0: {  	[sflag:s8] =	ssyncadd.s32 $0xFFFFFC00  }
0x1c1: {  	_ =	swait.ge [sflag:s8], $0x400  }
0x1c2: {  	[sflag:s8] =	ssyncset.done $0x0  }
0x1c3: {  	s11 =	simm.s32 $0x0;
	[sflag:s8] =	ssyncadd.s32 $0xFFFFFC00  }
0x1c4: {  	v62 =	vld [tilespmem:s11+$0x40];
	_ =	sdelay $0x4  }
0x1c5: {  	(v2sf) =	vpush v62, $0x0;
	_ =	sdelay $0xe  }
0x1c6: {  	s31 =	spop (v2sf)  }
0x1c7: {  	s12 =	sand.u32 $0x7, s31  }
0x1c8: {  	s12 =	sshll.u32 s12, $0x7  }
0x1c9: {  	s13 =	sadd.s32 $0x510, s12  }
0x1ca: {  	v63 =	vld [tilespmem:s13+$0xFFFFFFF0];
	_ =	sdelay $0x3  }
0x1cb: {  	s12 =	simm.s32 $0xA510  }
0x1cc: {  	[tilespmem:s12+$0xFFFFFFF0] =	vst v63  }
0x1cd: {  	v0 =	vld [tilespmem:s13+$0x0];
	_ =	sdelay $0x4  }
0x1ce: {  	s15 =	simm.s32 $0x1;
	s14 =	simm.s32 $0x8;
	s13 =	simm.s32 $0x510;
	[tilespmem:s12+$0x0] =	vst v0  }
.LBB2_14:
0x1cf: {  	p0 =	sne.s32 s14, $0x7C;
	v0 =	vld [tilespmem:s15+$0x40];
	_ =	sdelay $0x4  }
0x1d0: {  	(v2sf) =	vpush v0, $0x0;
	_ =	sdelay $0xe  }
0x1d1: {  	s15 =	spop (v2sf)  }
0x1d2: {  	s15 =	sand.u32 $0x7, s15  }
0x1d3: {  	s13 =	sadd.s32 $0x400, s13;
	s15 =	sshll.u32 s15, $0x7  }
0x1d4: {  	s15 =	sadd.s32 s15, s13  }
0x1d5: {  	v0 =	vld [tilespmem:s15+$0xFFFFFFF0];
	_ =	sdelay $0x3  }
0x1d6: {  	s12 =	sadd.s32 $0x80, s12  }
0x1d7: {  	[tilespmem:s12+$0xFFFFFFF0] =	vst v0  }
0x1d8: {  	v0 =	vld [tilespmem:s15+$0x0]  }
.Ltmp6:
0x1d9: {  	(pc) =	sbr.rel @p0 .LBB2_14-.Ltmp6, $2  }
0x1da: {  	_ =	sdelay $0x2  }
0x1db: {  	s15 =	sshra.s32 s14, $0x2;
	s14 =	sadd.s32 $0x4, s14;
	[tilespmem:s12+$0x0] =	vst v0  }
0x1dc: {  	v0 =	vld [tilespmem:s15+$0x40];
	_ =	sdelay $0x4  }
0x1dd: {  	(v2sf) =	vpush v0, $0x0;
	_ =	sdelay $0xe  }
0x1de: {  	s14 =	spop (v2sf)  }
0x1df: {  	s14 =	sand.u32 $0x7, s14  }
0x1e0: {  	s13 =	sadd.s32 $0x400, s13;
	s14 =	sshll.u32 s14, $0x7  }
0x1e1: {  	s13 =	sadd.s32 s14, s13  }
0x1e2: {  	v0 =	vld [tilespmem:s13+$0xFFFFFFF0];
	_ =	sdelay $0x3  }
0x1e3: {  	s12 =	sadd.s32 $0x80, s12  }
0x1e4: {  	[tilespmem:s12+$0xFFFFFFF0] =	vst v0  }
0x1e5: {  	v0 =	vld [tilespmem:s13+$0x0];
	_ =	sdelay $0x4  }
0x1e6: {  	[tilespmem:s12+$0x0] =	vst v0  }
0x1e7: {  	v0 =	vld [tilespmem:s11+$0x2E0];
	_ =	sdelay $0x4  }
0x1e8: {  	(v2sf) =	vpush v0, $0x0;
	_ =	sdelay $0xe  }
0x1e9: {  	s29 =	spop (v2sf)  }
0x1ea: {  	s11 =	sshll.u32 s29, $0x4  }
0x1eb: {  	s30 =	sand.u32 $0xFFFFF80, s11  }
0x1ec: {  	s31 =	simm.s32 $0x1;
	s11 =	simm.s32 $0x500;
	s12 =	sadd.s32 s3, s30  }
0x1ed: {  	[tilespmem:s11], [sflag:$0x1] =	stream.linear.gather [hbm4b:s12+s2], $0x400, $0x38;
	[tilespmem:$0x18500] =	vst v63  }
0x1ee: {  	s12 =	simm.s32 $0x8;
	v0 =	vld [tilespmem:s31+$0x2E0]  }
.LBB2_16:
0x1ef: {  	p0 =	sne.s32 s12, $0x7C;
	_ =	sdelay $0x3  }
0x1f0: {  	(v2sf) =	vpush v0, $0x0;
	_ =	sdelay $0xe  }
0x1f1: {  	s13 =	spop (v2sf)  }
.Ltmp7:
0x1f2: {  	s13 =	sshll.u32 s13, $0x4;
	(pc) =	sbr.rel @p0 .LBB2_16-.Ltmp7, $4  }
0x1f3: {  	s13 =	sand.u32 $0xFFFFF80, s13  }
0x1f4: {  	s14 =	sshra.s32 s12, $0x2;
	s11 =	sadd.s32 $0x400, s11;
	s13 =	sadd.s32 s3, s13  }
0x1f5: {  	[tilespmem:s11], [sflag:$0x1] =	stream.linear.gather [hbm4b:s13+s2], $0x400, $0x38;
	[tilespmem:$0x18500] =	vst v63  }
0x1f6: {  	s12 =	sadd.s32 $0x4, s12;
	v0 =	vld [tilespmem:s14+$0x2E0]  }
0x1f7: {  	_ =	sdelay $0x3  }
0x1f8: {  	(v2sf) =	vpush v0, $0x0;
	_ =	sdelay $0xe  }
0x1f9: {  	s12 =	spop (v2sf)  }
0x1fa: {  	s12 =	sshll.u32 s12, $0x4  }
0x1fb: {  	s12 =	sand.u32 $0xFFFFF80, s12  }
0x1fc: {  	s11 =	sadd.s32 $0x400, s11;
	s12 =	sadd.s32 s3, s12  }
0x1fd: {  	[tilespmem:s11], [sflag:$0x1] =	stream.linear.gather [hbm4b:s12+s2], $0x400, $0x38;
	[tilespmem:$0x18500] =	vst v63  }
0x1fe: {  	_ =	swait.ge [sflag:s8], $0x400  }
0x1ff: {  	[sflag:s8] =	ssyncset.done $0x0  }
0x200: {  	[sflag:s8] =	ssyncadd.s32 $0xFFFFFC00  }
0x201: {  	_ =	swait.ge [sflag:s8], $0x400  }
0x202: {  	[sflag:s8] =	ssyncset.done $0x0  }
0x203: {  	[sflag:s8] =	ssyncadd.s32 $0xFFFFFC00  }
0x204: {  	_ =	swait.ge [sflag:s8], $0x400  }
0x205: {  	[sflag:s8] =	ssyncset.done $0x0  }
0x206: {  	[sflag:s8] =	ssyncadd.s32 $0xFFFFFC00  }
0x207: {  	_ =	swait.ge [sflag:s8], $0x400  }
0x208: {  	[sflag:s8] =	ssyncset.done $0x0  }
0x209: {  	[sflag:s8] =	ssyncadd.s32 $0xFFFFFC00  }
0x20a: {  	_ =	swait.ge [sflag:s8], $0x400  }
0x20b: {  	[sflag:s8] =	ssyncset.done $0x0  }
0x20c: {  	[sflag:s8] =	ssyncadd.s32 $0xFFFFFC00  }
0x20d: {  	_ =	swait.ge [sflag:s8], $0x400  }
0x20e: {  	[sflag:s8] =	ssyncset.done $0x0  }
0x20f: {  	[sflag:s8] =	ssyncadd.s32 $0xFFFFFC00  }
0x210: {  	_ =	swait.ge [sflag:s8], $0x400  }
0x211: {  	[sflag:s8] =	ssyncset.done $0x0  }
0x212: {  	[sflag:s8] =	ssyncadd.s32 $0xFFFFFC00  }
0x213: {  	_ =	swait.ge [sflag:s8], $0x400  }
0x214: {  	[sflag:s8] =	ssyncset.done $0x0  }
0x215: {  	[sflag:s8] =	ssyncadd.s32 $0xFFFFFC00  }
0x216: {  	_ =	swait.ge [sflag:s8], $0x400  }
0x217: {  	[sflag:s8] =	ssyncset.done $0x0  }
0x218: {  	[sflag:s8] =	ssyncadd.s32 $0xFFFFFC00  }
0x219: {  	_ =	swait.ge [sflag:s8], $0x400  }
0x21a: {  	[sflag:s8] =	ssyncset.done $0x0  }
0x21b: {  	[sflag:s8] =	ssyncadd.s32 $0xFFFFFC00  }
0x21c: {  	_ =	swait.ge [sflag:s8], $0x400  }
0x21d: {  	[sflag:s8] =	ssyncset.done $0x0  }
0x21e: {  	[sflag:s8] =	ssyncadd.s32 $0xFFFFFC00  }
0x21f: {  	_ =	swait.ge [sflag:s8], $0x400  }
0x220: {  	[sflag:s8] =	ssyncset.done $0x0  }
0x221: {  	[sflag:s8] =	ssyncadd.s32 $0xFFFFFC00  }
0x222: {  	_ =	swait.ge [sflag:s8], $0x400  }
0x223: {  	[sflag:s8] =	ssyncset.done $0x0  }
0x224: {  	[sflag:s8] =	ssyncadd.s32 $0xFFFFFC00  }
0x225: {  	_ =	swait.ge [sflag:s8], $0x400  }
0x226: {  	[sflag:s8] =	ssyncset.done $0x0  }
0x227: {  	[sflag:s8] =	ssyncadd.s32 $0xFFFFFC00  }
0x228: {  	_ =	swait.ge [sflag:s8], $0x400  }
0x229: {  	[sflag:s8] =	ssyncset.done $0x0  }
0x22a: {  	[sflag:s8] =	ssyncadd.s32 $0xFFFFFC00  }
0x22b: {  	_ =	swait.ge [sflag:s8], $0x400  }
0x22c: {  	[sflag:s8] =	ssyncset.done $0x0  }
0x22d: {  	[sflag:s8] =	ssyncadd.s32 $0xFFFFFC00  }
0x22e: {  	_ =	swait.ge [sflag:s8], $0x400  }
0x22f: {  	[sflag:s8] =	ssyncset.done $0x0  }
0x230: {  	[sflag:s8] =	ssyncadd.s32 $0xFFFFFC00  }
0x231: {  	_ =	swait.ge [sflag:s8], $0x400  }
0x232: {  	[sflag:s8] =	ssyncset.done $0x0  }
0x233: {  	[sflag:s8] =	ssyncadd.s32 $0xFFFFFC00  }
0x234: {  	_ =	swait.ge [sflag:s8], $0x400  }
0x235: {  	[sflag:s8] =	ssyncset.done $0x0  }
0x236: {  	[sflag:s8] =	ssyncadd.s32 $0xFFFFFC00  }
0x237: {  	_ =	swait.ge [sflag:s8], $0x400  }
0x238: {  	[sflag:s8] =	ssyncset.done $0x0  }
0x239: {  	[sflag:s8] =	ssyncadd.s32 $0xFFFFFC00  }
0x23a: {  	_ =	swait.ge [sflag:s8], $0x400  }
0x23b: {  	[sflag:s8] =	ssyncset.done $0x0  }
0x23c: {  	[sflag:s8] =	ssyncadd.s32 $0xFFFFFC00  }
0x23d: {  	_ =	swait.ge [sflag:s8], $0x400  }
0x23e: {  	[sflag:s8] =	ssyncset.done $0x0  }
0x23f: {  	[sflag:s8] =	ssyncadd.s32 $0xFFFFFC00  }
0x240: {  	_ =	swait.ge [sflag:s8], $0x400  }
0x241: {  	[sflag:s8] =	ssyncset.done $0x0  }
0x242: {  	[sflag:s8] =	ssyncadd.s32 $0xFFFFFC00  }
0x243: {  	_ =	swait.ge [sflag:s8], $0x400  }
0x244: {  	[sflag:s8] =	ssyncset.done $0x0  }
0x245: {  	[sflag:s8] =	ssyncadd.s32 $0xFFFFFC00  }
0x246: {  	_ =	swait.ge [sflag:s8], $0x400  }
0x247: {  	[sflag:s8] =	ssyncset.done $0x0  }
0x248: {  	[sflag:s8] =	ssyncadd.s32 $0xFFFFFC00  }
0x249: {  	_ =	swait.ge [sflag:s8], $0x400  }
0x24a: {  	[sflag:s8] =	ssyncset.done $0x0  }
0x24b: {  	[sflag:s8] =	ssyncadd.s32 $0xFFFFFC00  }
0x24c: {  	_ =	swait.ge [sflag:s8], $0x400  }
0x24d: {  	[sflag:s8] =	ssyncset.done $0x0  }
0x24e: {  	[sflag:s8] =	ssyncadd.s32 $0xFFFFFC00  }
0x24f: {  	_ =	swait.ge [sflag:s8], $0x400  }
0x250: {  	[sflag:s8] =	ssyncset.done $0x0  }
0x251: {  	[sflag:s8] =	ssyncadd.s32 $0xFFFFFC00  }
0x252: {  	_ =	swait.ge [sflag:s8], $0x400  }
0x253: {  	[sflag:s8] =	ssyncset.done $0x0  }
0x254: {  	[sflag:s8] =	ssyncadd.s32 $0xFFFFFC00  }
0x255: {  	_ =	swait.ge [sflag:s8], $0x400  }
0x256: {  	[sflag:s8] =	ssyncset.done $0x0  }
0x257: {  	[sflag:s8] =	ssyncadd.s32 $0xFFFFFC00  }
0x258: {  	_ =	swait.ge [sflag:s8], $0x400  }
0x259: {  	[sflag:s8] =	ssyncset.done $0x0  }
0x25a: {  	[sflag:s8] =	ssyncadd.s32 $0xFFFFFC00  }
0x25b: {  	_ =	swait.ge [sflag:s8], $0x400  }
0x25c: {  	[sflag:s8] =	ssyncset.done $0x0  }
0x25d: {  	s11 =	simm.s32 $0x0;
	[sflag:s8] =	ssyncadd.s32 $0xFFFFFC00  }
0x25e: {  	v62 =	vld [tilespmem:s11+$0x60];
	_ =	sdelay $0x4  }
0x25f: {  	(v2sf) =	vpush v62, $0x0;
	_ =	sdelay $0xe  }
0x260: {  	s31 =	spop (v2sf)  }
0x261: {  	s12 =	sand.u32 $0x7, s31  }
0x262: {  	s12 =	sshll.u32 s12, $0x7  }
0x263: {  	s13 =	sadd.s32 $0x510, s12  }
0x264: {  	v63 =	vld [tilespmem:s13+$0xFFFFFFF0];
	_ =	sdelay $0x3  }
0x265: {  	s12 =	simm.s32 $0xB510  }
0x266: {  	[tilespmem:s12+$0xFFFFFFF0] =	vst v63  }
0x267: {  	v0 =	vld [tilespmem:s13+$0x0];
	_ =	sdelay $0x4  }
0x268: {  	s15 =	simm.s32 $0x1;
	s14 =	simm.s32 $0x8;
	s13 =	simm.s32 $0x510;
	[tilespmem:s12+$0x0] =	vst v0  }
.LBB2_18:
0x269: {  	p0 =	sne.s32 s14, $0x7C;
	v0 =	vld [tilespmem:s15+$0x60];
	_ =	sdelay $0x4  }
0x26a: {  	(v2sf) =	vpush v0, $0x0;
	_ =	sdelay $0xe  }
0x26b: {  	s15 =	spop (v2sf)  }
0x26c: {  	s15 =	sand.u32 $0x7, s15  }
0x26d: {  	s13 =	sadd.s32 $0x400, s13;
	s15 =	sshll.u32 s15, $0x7  }
0x26e: {  	s15 =	sadd.s32 s15, s13  }
0x26f: {  	v0 =	vld [tilespmem:s15+$0xFFFFFFF0];
	_ =	sdelay $0x3  }
0x270: {  	s12 =	sadd.s32 $0x80, s12  }
0x271: {  	[tilespmem:s12+$0xFFFFFFF0] =	vst v0  }
0x272: {  	v0 =	vld [tilespmem:s15+$0x0]  }
.Ltmp8:
0x273: {  	(pc) =	sbr.rel @p0 .LBB2_18-.Ltmp8, $2  }
0x274: {  	_ =	sdelay $0x2  }
0x275: {  	s15 =	sshra.s32 s14, $0x2;
	s14 =	sadd.s32 $0x4, s14;
	[tilespmem:s12+$0x0] =	vst v0  }
0x276: {  	v0 =	vld [tilespmem:s15+$0x60];
	_ =	sdelay $0x4  }
0x277: {  	(v2sf) =	vpush v0, $0x0;
	_ =	sdelay $0xe  }
0x278: {  	s14 =	spop (v2sf)  }
0x279: {  	s14 =	sand.u32 $0x7, s14  }
0x27a: {  	s13 =	sadd.s32 $0x400, s13;
	s14 =	sshll.u32 s14, $0x7  }
0x27b: {  	s13 =	sadd.s32 s14, s13  }
0x27c: {  	v0 =	vld [tilespmem:s13+$0xFFFFFFF0];
	_ =	sdelay $0x3  }
0x27d: {  	s12 =	sadd.s32 $0x80, s12  }
0x27e: {  	[tilespmem:s12+$0xFFFFFFF0] =	vst v0  }
0x27f: {  	v0 =	vld [tilespmem:s13+$0x0];
	_ =	sdelay $0x4  }
0x280: {  	[tilespmem:s12+$0x0] =	vst v0  }
0x281: {  	v0 =	vld [tilespmem:s11+$0x300];
	_ =	sdelay $0x4  }
0x282: {  	(v2sf) =	vpush v0, $0x0;
	_ =	sdelay $0xe  }
0x283: {  	s29 =	spop (v2sf)  }
0x284: {  	s11 =	sshll.u32 s29, $0x4  }
0x285: {  	s30 =	sand.u32 $0xFFFFF80, s11  }
0x286: {  	s31 =	simm.s32 $0x1;
	s11 =	simm.s32 $0x500;
	s12 =	sadd.s32 s3, s30  }
0x287: {  	[tilespmem:s11], [sflag:$0x1] =	stream.linear.gather [hbm4b:s12+s2], $0x400, $0x38;
	[tilespmem:$0x18500] =	vst v63  }
0x288: {  	s12 =	simm.s32 $0x8;
	v0 =	vld [tilespmem:s31+$0x300]  }
.LBB2_20:
0x289: {  	p0 =	sne.s32 s12, $0x7C;
	_ =	sdelay $0x3  }
0x28a: {  	(v2sf) =	vpush v0, $0x0;
	_ =	sdelay $0xe  }
0x28b: {  	s13 =	spop (v2sf)  }
.Ltmp9:
0x28c: {  	s13 =	sshll.u32 s13, $0x4;
	(pc) =	sbr.rel @p0 .LBB2_20-.Ltmp9, $4  }
0x28d: {  	s13 =	sand.u32 $0xFFFFF80, s13  }
0x28e: {  	s14 =	sshra.s32 s12, $0x2;
	s11 =	sadd.s32 $0x400, s11;
	s13 =	sadd.s32 s3, s13  }
0x28f: {  	[tilespmem:s11], [sflag:$0x1] =	stream.linear.gather [hbm4b:s13+s2], $0x400, $0x38;
	[tilespmem:$0x18500] =	vst v63  }
0x290: {  	s12 =	sadd.s32 $0x4, s12;
	v0 =	vld [tilespmem:s14+$0x300]  }
0x291: {  	_ =	sdelay $0x3  }
0x292: {  	(v2sf) =	vpush v0, $0x0;
	_ =	sdelay $0xe  }
0x293: {  	s12 =	spop (v2sf)  }
0x294: {  	s12 =	sshll.u32 s12, $0x4  }
0x295: {  	s12 =	sand.u32 $0xFFFFF80, s12  }
0x296: {  	s11 =	sadd.s32 $0x400, s11;
	s12 =	sadd.s32 s3, s12  }
0x297: {  	[tilespmem:s11], [sflag:$0x1] =	stream.linear.gather [hbm4b:s12+s2], $0x400, $0x38;
	[tilespmem:$0x18500] =	vst v63  }
0x298: {  	_ =	swait.ge [sflag:s8], $0x400  }
0x299: {  	[sflag:s8] =	ssyncset.done $0x0  }
0x29a: {  	[sflag:s8] =	ssyncadd.s32 $0xFFFFFC00  }
0x29b: {  	_ =	swait.ge [sflag:s8], $0x400  }
0x29c: {  	[sflag:s8] =	ssyncset.done $0x0  }
0x29d: {  	[sflag:s8] =	ssyncadd.s32 $0xFFFFFC00  }
0x29e: {  	_ =	swait.ge [sflag:s8], $0x400  }
0x29f: {  	[sflag:s8] =	ssyncset.done $0x0  }
0x2a0: {  	[sflag:s8] =	ssyncadd.s32 $0xFFFFFC00  }
0x2a1: {  	_ =	swait.ge [sflag:s8], $0x400  }
0x2a2: {  	[sflag:s8] =	ssyncset.done $0x0  }
0x2a3: {  	[sflag:s8] =	ssyncadd.s32 $0xFFFFFC00  }
0x2a4: {  	_ =	swait.ge [sflag:s8], $0x400  }
0x2a5: {  	[sflag:s8] =	ssyncset.done $0x0  }
0x2a6: {  	[sflag:s8] =	ssyncadd.s32 $0xFFFFFC00  }
0x2a7: {  	_ =	swait.ge [sflag:s8], $0x400  }
0x2a8: {  	[sflag:s8] =	ssyncset.done $0x0  }
0x2a9: {  	[sflag:s8] =	ssyncadd.s32 $0xFFFFFC00  }
0x2aa: {  	_ =	swait.ge [sflag:s8], $0x400  }
0x2ab: {  	[sflag:s8] =	ssyncset.done $0x0  }
0x2ac: {  	[sflag:s8] =	ssyncadd.s32 $0xFFFFFC00  }
0x2ad: {  	_ =	swait.ge [sflag:s8], $0x400  }
0x2ae: {  	[sflag:s8] =	ssyncset.done $0x0  }
0x2af: {  	[sflag:s8] =	ssyncadd.s32 $0xFFFFFC00  }
0x2b0: {  	_ =	swait.ge [sflag:s8], $0x400  }
0x2b1: {  	[sflag:s8] =	ssyncset.done $0x0  }
0x2b2: {  	[sflag:s8] =	ssyncadd.s32 $0xFFFFFC00  }
0x2b3: {  	_ =	swait.ge [sflag:s8], $0x400  }
0x2b4: {  	[sflag:s8] =	ssyncset.done $0x0  }
0x2b5: {  	[sflag:s8] =	ssyncadd.s32 $0xFFFFFC00  }
0x2b6: {  	_ =	swait.ge [sflag:s8], $0x400  }
0x2b7: {  	[sflag:s8] =	ssyncset.done $0x0  }
0x2b8: {  	[sflag:s8] =	ssyncadd.s32 $0xFFFFFC00  }
0x2b9: {  	_ =	swait.ge [sflag:s8], $0x400  }
0x2ba: {  	[sflag:s8] =	ssyncset.done $0x0  }
0x2bb: {  	[sflag:s8] =	ssyncadd.s32 $0xFFFFFC00  }
0x2bc: {  	_ =	swait.ge [sflag:s8], $0x400  }
0x2bd: {  	[sflag:s8] =	ssyncset.done $0x0  }
0x2be: {  	[sflag:s8] =	ssyncadd.s32 $0xFFFFFC00  }
0x2bf: {  	_ =	swait.ge [sflag:s8], $0x400  }
0x2c0: {  	[sflag:s8] =	ssyncset.done $0x0  }
0x2c1: {  	[sflag:s8] =	ssyncadd.s32 $0xFFFFFC00  }
0x2c2: {  	_ =	swait.ge [sflag:s8], $0x400  }
0x2c3: {  	[sflag:s8] =	ssyncset.done $0x0  }
0x2c4: {  	[sflag:s8] =	ssyncadd.s32 $0xFFFFFC00  }
0x2c5: {  	_ =	swait.ge [sflag:s8], $0x400  }
0x2c6: {  	[sflag:s8] =	ssyncset.done $0x0  }
0x2c7: {  	[sflag:s8] =	ssyncadd.s32 $0xFFFFFC00  }
0x2c8: {  	_ =	swait.ge [sflag:s8], $0x400  }
0x2c9: {  	[sflag:s8] =	ssyncset.done $0x0  }
0x2ca: {  	[sflag:s8] =	ssyncadd.s32 $0xFFFFFC00  }
0x2cb: {  	_ =	swait.ge [sflag:s8], $0x400  }
0x2cc: {  	[sflag:s8] =	ssyncset.done $0x0  }
0x2cd: {  	[sflag:s8] =	ssyncadd.s32 $0xFFFFFC00  }
0x2ce: {  	_ =	swait.ge [sflag:s8], $0x400  }
0x2cf: {  	[sflag:s8] =	ssyncset.done $0x0  }
0x2d0: {  	[sflag:s8] =	ssyncadd.s32 $0xFFFFFC00  }
0x2d1: {  	_ =	swait.ge [sflag:s8], $0x400  }
0x2d2: {  	[sflag:s8] =	ssyncset.done $0x0  }
0x2d3: {  	[sflag:s8] =	ssyncadd.s32 $0xFFFFFC00  }
0x2d4: {  	_ =	swait.ge [sflag:s8], $0x400  }
0x2d5: {  	[sflag:s8] =	ssyncset.done $0x0  }
0x2d6: {  	[sflag:s8] =	ssyncadd.s32 $0xFFFFFC00  }
0x2d7: {  	_ =	swait.ge [sflag:s8], $0x400  }
0x2d8: {  	[sflag:s8] =	ssyncset.done $0x0  }
0x2d9: {  	[sflag:s8] =	ssyncadd.s32 $0xFFFFFC00  }
0x2da: {  	_ =	swait.ge [sflag:s8], $0x400  }
0x2db: {  	[sflag:s8] =	ssyncset.done $0x0  }
0x2dc: {  	[sflag:s8] =	ssyncadd.s32 $0xFFFFFC00  }
0x2dd: {  	_ =	swait.ge [sflag:s8], $0x400  }
0x2de: {  	[sflag:s8] =	ssyncset.done $0x0  }
0x2df: {  	[sflag:s8] =	ssyncadd.s32 $0xFFFFFC00  }
0x2e0: {  	_ =	swait.ge [sflag:s8], $0x400  }
0x2e1: {  	[sflag:s8] =	ssyncset.done $0x0  }
0x2e2: {  	[sflag:s8] =	ssyncadd.s32 $0xFFFFFC00  }
0x2e3: {  	_ =	swait.ge [sflag:s8], $0x400  }
0x2e4: {  	[sflag:s8] =	ssyncset.done $0x0  }
0x2e5: {  	[sflag:s8] =	ssyncadd.s32 $0xFFFFFC00  }
0x2e6: {  	_ =	swait.ge [sflag:s8], $0x400  }
0x2e7: {  	[sflag:s8] =	ssyncset.done $0x0  }
0x2e8: {  	[sflag:s8] =	ssyncadd.s32 $0xFFFFFC00  }
0x2e9: {  	_ =	swait.ge [sflag:s8], $0x400  }
0x2ea: {  	[sflag:s8] =	ssyncset.done $0x0  }
0x2eb: {  	[sflag:s8] =	ssyncadd.s32 $0xFFFFFC00  }
0x2ec: {  	_ =	swait.ge [sflag:s8], $0x400  }
0x2ed: {  	[sflag:s8] =	ssyncset.done $0x0  }
0x2ee: {  	[sflag:s8] =	ssyncadd.s32 $0xFFFFFC00  }
0x2ef: {  	_ =	swait.ge [sflag:s8], $0x400  }
0x2f0: {  	[sflag:s8] =	ssyncset.done $0x0  }
0x2f1: {  	[sflag:s8] =	ssyncadd.s32 $0xFFFFFC00  }
0x2f2: {  	_ =	swait.ge [sflag:s8], $0x400  }
0x2f3: {  	[sflag:s8] =	ssyncset.done $0x0  }
0x2f4: {  	[sflag:s8] =	ssyncadd.s32 $0xFFFFFC00  }
0x2f5: {  	_ =	swait.ge [sflag:s8], $0x400  }
0x2f6: {  	[sflag:s8] =	ssyncset.done $0x0  }
0x2f7: {  	s11 =	simm.s32 $0x0;
	[sflag:s8] =	ssyncadd.s32 $0xFFFFFC00  }
0x2f8: {  	v62 =	vld [tilespmem:s11+$0x80];
	_ =	sdelay $0x4  }
0x2f9: {  	(v2sf) =	vpush v62, $0x0;
	_ =	sdelay $0xe  }
0x2fa: {  	s31 =	spop (v2sf)  }
0x2fb: {  	s12 =	sand.u32 $0x7, s31  }
0x2fc: {  	s12 =	sshll.u32 s12, $0x7  }
0x2fd: {  	s13 =	sadd.s32 $0x510, s12  }
0x2fe: {  	v63 =	vld [tilespmem:s13+$0xFFFFFFF0];
	_ =	sdelay $0x3  }
0x2ff: {  	s12 =	simm.s32 $0xC500  }
0x300: {  	[tilespmem:s12+$0x0] =	vst v63  }
0x301: {  	v0 =	vld [tilespmem:s13+$0x0];
	_ =	sdelay $0x4  }
0x302: {  	s15 =	simm.s32 $0x1;
	s14 =	simm.s32 $0x8;
	s13 =	simm.s32 $0x510;
	[tilespmem:s12+$0x10] =	vst v0  }
.LBB2_22:
0x303: {  	p0 =	sne.s32 s14, $0x7C;
	v0 =	vld [tilespmem:s15+$0x80];
	_ =	sdelay $0x4  }
0x304: {  	(v2sf) =	vpush v0, $0x0;
	_ =	sdelay $0xe  }
0x305: {  	s15 =	spop (v2sf)  }
0x306: {  	s15 =	sand.u32 $0x7, s15  }
0x307: {  	s13 =	sadd.s32 $0x400, s13;
	s15 =	sshll.u32 s15, $0x7  }
0x308: {  	s15 =	sadd.s32 s15, s13  }
0x309: {  	v0 =	vld [tilespmem:s15+$0xFFFFFFF0];
	_ =	sdelay $0x3  }
0x30a: {  	s12 =	sadd.s32 $0x80, s12  }
0x30b: {  	[tilespmem:s12+$0x0] =	vst v0  }
0x30c: {  	v0 =	vld [tilespmem:s15+$0x0]  }
.Ltmp10:
0x30d: {  	(pc) =	sbr.rel @p0 .LBB2_22-.Ltmp10, $2  }
0x30e: {  	_ =	sdelay $0x2  }
0x30f: {  	s15 =	sshra.s32 s14, $0x2;
	s14 =	sadd.s32 $0x4, s14;
	[tilespmem:s12+$0x10] =	vst v0  }
0x310: {  	v0 =	vld [tilespmem:s15+$0x80];
	_ =	sdelay $0x4  }
0x311: {  	(v2sf) =	vpush v0, $0x0;
	_ =	sdelay $0xe  }
0x312: {  	s14 =	spop (v2sf)  }
0x313: {  	s14 =	sand.u32 $0x7, s14  }
0x314: {  	s13 =	sadd.s32 $0x400, s13;
	s14 =	sshll.u32 s14, $0x7  }
0x315: {  	s13 =	sadd.s32 s14, s13  }
0x316: {  	v0 =	vld [tilespmem:s13+$0xFFFFFFF0];
	_ =	sdelay $0x3  }
0x317: {  	s12 =	sadd.s32 $0x80, s12  }
0x318: {  	[tilespmem:s12+$0x0] =	vst v0  }
0x319: {  	v0 =	vld [tilespmem:s13+$0x0];
	_ =	sdelay $0x4  }
0x31a: {  	[tilespmem:s12+$0x10] =	vst v0  }
0x31b: {  	v0 =	vld [tilespmem:s11+$0x320];
	_ =	sdelay $0x4  }
0x31c: {  	(v2sf) =	vpush v0, $0x0;
	_ =	sdelay $0xe  }
0x31d: {  	s29 =	spop (v2sf)  }
0x31e: {  	s11 =	sshll.u32 s29, $0x4  }
0x31f: {  	s30 =	sand.u32 $0xFFFFF80, s11  }
0x320: {  	s31 =	simm.s32 $0x1;
	s11 =	simm.s32 $0x500;
	s12 =	sadd.s32 s3, s30  }
0x321: {  	[tilespmem:s11], [sflag:$0x1] =	stream.linear.gather [hbm4b:s12+s2], $0x400, $0x38;
	[tilespmem:$0x18500] =	vst v63  }
0x322: {  	s12 =	simm.s32 $0x8;
	v0 =	vld [tilespmem:s31+$0x320]  }
.LBB2_24:
0x323: {  	p0 =	sne.s32 s12, $0x7C;
	_ =	sdelay $0x3  }
0x324: {  	(v2sf) =	vpush v0, $0x0;
	_ =	sdelay $0xe  }
0x325: {  	s13 =	spop (v2sf)  }
.Ltmp11:
0x326: {  	s13 =	sshll.u32 s13, $0x4;
	(pc) =	sbr.rel @p0 .LBB2_24-.Ltmp11, $4  }
0x327: {  	s13 =	sand.u32 $0xFFFFF80, s13  }
0x328: {  	s14 =	sshra.s32 s12, $0x2;
	s11 =	sadd.s32 $0x400, s11;
	s13 =	sadd.s32 s3, s13  }
0x329: {  	[tilespmem:s11], [sflag:$0x1] =	stream.linear.gather [hbm4b:s13+s2], $0x400, $0x38;
	[tilespmem:$0x18500] =	vst v63  }
0x32a: {  	s12 =	sadd.s32 $0x4, s12;
	v0 =	vld [tilespmem:s14+$0x320]  }
0x32b: {  	_ =	sdelay $0x3  }
0x32c: {  	(v2sf) =	vpush v0, $0x0;
	_ =	sdelay $0xe  }
0x32d: {  	s12 =	spop (v2sf)  }
0x32e: {  	s12 =	sshll.u32 s12, $0x4  }
0x32f: {  	s12 =	sand.u32 $0xFFFFF80, s12  }
0x330: {  	s11 =	sadd.s32 $0x400, s11;
	s12 =	sadd.s32 s3, s12  }
0x331: {  	[tilespmem:s11], [sflag:$0x1] =	stream.linear.gather [hbm4b:s12+s2], $0x400, $0x38;
	[tilespmem:$0x18500] =	vst v63  }
0x332: {  	_ =	swait.ge [sflag:s8], $0x400  }
0x333: {  	[sflag:s8] =	ssyncset.done $0x0  }
0x334: {  	[sflag:s8] =	ssyncadd.s32 $0xFFFFFC00  }
0x335: {  	_ =	swait.ge [sflag:s8], $0x400  }
0x336: {  	[sflag:s8] =	ssyncset.done $0x0  }
0x337: {  	[sflag:s8] =	ssyncadd.s32 $0xFFFFFC00  }
0x338: {  	_ =	swait.ge [sflag:s8], $0x400  }
0x339: {  	[sflag:s8] =	ssyncset.done $0x0  }
0x33a: {  	[sflag:s8] =	ssyncadd.s32 $0xFFFFFC00  }
0x33b: {  	_ =	swait.ge [sflag:s8], $0x400  }
0x33c: {  	[sflag:s8] =	ssyncset.done $0x0  }
0x33d: {  	[sflag:s8] =	ssyncadd.s32 $0xFFFFFC00  }
0x33e: {  	_ =	swait.ge [sflag:s8], $0x400  }
0x33f: {  	[sflag:s8] =	ssyncset.done $0x0  }
0x340: {  	[sflag:s8] =	ssyncadd.s32 $0xFFFFFC00  }
0x341: {  	_ =	swait.ge [sflag:s8], $0x400  }
0x342: {  	[sflag:s8] =	ssyncset.done $0x0  }
0x343: {  	[sflag:s8] =	ssyncadd.s32 $0xFFFFFC00  }
0x344: {  	_ =	swait.ge [sflag:s8], $0x400  }
0x345: {  	[sflag:s8] =	ssyncset.done $0x0  }
0x346: {  	[sflag:s8] =	ssyncadd.s32 $0xFFFFFC00  }
0x347: {  	_ =	swait.ge [sflag:s8], $0x400  }
0x348: {  	[sflag:s8] =	ssyncset.done $0x0  }
0x349: {  	[sflag:s8] =	ssyncadd.s32 $0xFFFFFC00  }
0x34a: {  	_ =	swait.ge [sflag:s8], $0x400  }
0x34b: {  	[sflag:s8] =	ssyncset.done $0x0  }
0x34c: {  	[sflag:s8] =	ssyncadd.s32 $0xFFFFFC00  }
0x34d: {  	_ =	swait.ge [sflag:s8], $0x400  }
0x34e: {  	[sflag:s8] =	ssyncset.done $0x0  }
0x34f: {  	[sflag:s8] =	ssyncadd.s32 $0xFFFFFC00  }
0x350: {  	_ =	swait.ge [sflag:s8], $0x400  }
0x351: {  	[sflag:s8] =	ssyncset.done $0x0  }
0x352: {  	[sflag:s8] =	ssyncadd.s32 $0xFFFFFC00  }
0x353: {  	_ =	swait.ge [sflag:s8], $0x400  }
0x354: {  	[sflag:s8] =	ssyncset.done $0x0  }
0x355: {  	[sflag:s8] =	ssyncadd.s32 $0xFFFFFC00  }
0x356: {  	_ =	swait.ge [sflag:s8], $0x400  }
0x357: {  	[sflag:s8] =	ssyncset.done $0x0  }
0x358: {  	[sflag:s8] =	ssyncadd.s32 $0xFFFFFC00  }
0x359: {  	_ =	swait.ge [sflag:s8], $0x400  }
0x35a: {  	[sflag:s8] =	ssyncset.done $0x0  }
0x35b: {  	[sflag:s8] =	ssyncadd.s32 $0xFFFFFC00  }
0x35c: {  	_ =	swait.ge [sflag:s8], $0x400  }
0x35d: {  	[sflag:s8] =	ssyncset.done $0x0  }
0x35e: {  	[sflag:s8] =	ssyncadd.s32 $0xFFFFFC00  }
0x35f: {  	_ =	swait.ge [sflag:s8], $0x400  }
0x360: {  	[sflag:s8] =	ssyncset.done $0x0  }
0x361: {  	[sflag:s8] =	ssyncadd.s32 $0xFFFFFC00  }
0x362: {  	_ =	swait.ge [sflag:s8], $0x400  }
0x363: {  	[sflag:s8] =	ssyncset.done $0x0  }
0x364: {  	[sflag:s8] =	ssyncadd.s32 $0xFFFFFC00  }
0x365: {  	_ =	swait.ge [sflag:s8], $0x400  }
0x366: {  	[sflag:s8] =	ssyncset.done $0x0  }
0x367: {  	[sflag:s8] =	ssyncadd.s32 $0xFFFFFC00  }
0x368: {  	_ =	swait.ge [sflag:s8], $0x400  }
0x369: {  	[sflag:s8] =	ssyncset.done $0x0  }
0x36a: {  	[sflag:s8] =	ssyncadd.s32 $0xFFFFFC00  }
0x36b: {  	_ =	swait.ge [sflag:s8], $0x400  }
0x36c: {  	[sflag:s8] =	ssyncset.done $0x0  }
0x36d: {  	[sflag:s8] =	ssyncadd.s32 $0xFFFFFC00  }
0x36e: {  	_ =	swait.ge [sflag:s8], $0x400  }
0x36f: {  	[sflag:s8] =	ssyncset.done $0x0  }
0x370: {  	[sflag:s8] =	ssyncadd.s32 $0xFFFFFC00  }
0x371: {  	_ =	swait.ge [sflag:s8], $0x400  }
0x372: {  	[sflag:s8] =	ssyncset.done $0x0  }
0x373: {  	[sflag:s8] =	ssyncadd.s32 $0xFFFFFC00  }
0x374: {  	_ =	swait.ge [sflag:s8], $0x400  }
0x375: {  	[sflag:s8] =	ssyncset.done $0x0  }
0x376: {  	[sflag:s8] =	ssyncadd.s32 $0xFFFFFC00  }
0x377: {  	_ =	swait.ge [sflag:s8], $0x400  }
0x378: {  	[sflag:s8] =	ssyncset.done $0x0  }
0x379: {  	[sflag:s8] =	ssyncadd.s32 $0xFFFFFC00  }
0x37a: {  	_ =	swait.ge [sflag:s8], $0x400  }
0x37b: {  	[sflag:s8] =	ssyncset.done $0x0  }
0x37c: {  	[sflag:s8] =	ssyncadd.s32 $0xFFFFFC00  }
0x37d: {  	_ =	swait.ge [sflag:s8], $0x400  }
0x37e: {  	[sflag:s8] =	ssyncset.done $0x0  }
0x37f: {  	[sflag:s8] =	ssyncadd.s32 $0xFFFFFC00  }
0x380: {  	_ =	swait.ge [sflag:s8], $0x400  }
0x381: {  	[sflag:s8] =	ssyncset.done $0x0  }
0x382: {  	[sflag:s8] =	ssyncadd.s32 $0xFFFFFC00  }
0x383: {  	_ =	swait.ge [sflag:s8], $0x400  }
0x384: {  	[sflag:s8] =	ssyncset.done $0x0  }
0x385: {  	[sflag:s8] =	ssyncadd.s32 $0xFFFFFC00  }
0x386: {  	_ =	swait.ge [sflag:s8], $0x400  }
0x387: {  	[sflag:s8] =	ssyncset.done $0x0  }
0x388: {  	[sflag:s8] =	ssyncadd.s32 $0xFFFFFC00  }
0x389: {  	_ =	swait.ge [sflag:s8], $0x400  }
0x38a: {  	[sflag:s8] =	ssyncset.done $0x0  }
0x38b: {  	[sflag:s8] =	ssyncadd.s32 $0xFFFFFC00  }
0x38c: {  	_ =	swait.ge [sflag:s8], $0x400  }
0x38d: {  	[sflag:s8] =	ssyncset.done $0x0  }
0x38e: {  	[sflag:s8] =	ssyncadd.s32 $0xFFFFFC00  }
0x38f: {  	_ =	swait.ge [sflag:s8], $0x400  }
0x390: {  	[sflag:s8] =	ssyncset.done $0x0  }
0x391: {  	s11 =	simm.s32 $0x0;
	[sflag:s8] =	ssyncadd.s32 $0xFFFFFC00  }
0x392: {  	v62 =	vld [tilespmem:s11+$0xA0];
	_ =	sdelay $0x4  }
0x393: {  	(v2sf) =	vpush v62, $0x0;
	_ =	sdelay $0xe  }
0x394: {  	s31 =	spop (v2sf)  }
0x395: {  	s12 =	sand.u32 $0x7, s31  }
0x396: {  	s12 =	sshll.u32 s12, $0x7  }
0x397: {  	s13 =	sadd.s32 $0x510, s12  }
0x398: {  	v63 =	vld [tilespmem:s13+$0xFFFFFFF0];
	_ =	sdelay $0x3  }
0x399: {  	s12 =	simm.s32 $0xD500  }
0x39a: {  	[tilespmem:s12+$0x0] =	vst v63  }
0x39b: {  	v0 =	vld [tilespmem:s13+$0x0];
	_ =	sdelay $0x4  }
0x39c: {  	s15 =	simm.s32 $0x1;
	s14 =	simm.s32 $0x8;
	s13 =	simm.s32 $0x510;
	[tilespmem:s12+$0x10] =	vst v0  }
.LBB2_26:
0x39d: {  	p0 =	sne.s32 s14, $0x7C;
	v0 =	vld [tilespmem:s15+$0xA0];
	_ =	sdelay $0x4  }
0x39e: {  	(v2sf) =	vpush v0, $0x0;
	_ =	sdelay $0xe  }
0x39f: {  	s15 =	spop (v2sf)  }
0x3a0: {  	s15 =	sand.u32 $0x7, s15  }
0x3a1: {  	s13 =	sadd.s32 $0x400, s13;
	s15 =	sshll.u32 s15, $0x7  }
0x3a2: {  	s15 =	sadd.s32 s15, s13  }
0x3a3: {  	v0 =	vld [tilespmem:s15+$0xFFFFFFF0];
	_ =	sdelay $0x3  }
0x3a4: {  	s12 =	sadd.s32 $0x80, s12  }
0x3a5: {  	[tilespmem:s12+$0x0] =	vst v0  }
0x3a6: {  	v0 =	vld [tilespmem:s15+$0x0]  }
.Ltmp12:
0x3a7: {  	(pc) =	sbr.rel @p0 .LBB2_26-.Ltmp12, $2  }
0x3a8: {  	_ =	sdelay $0x2  }
0x3a9: {  	s15 =	sshra.s32 s14, $0x2;
	s14 =	sadd.s32 $0x4, s14;
	[tilespmem:s12+$0x10] =	vst v0  }
0x3aa: {  	v0 =	vld [tilespmem:s15+$0xA0];
	_ =	sdelay $0x4  }
0x3ab: {  	(v2sf) =	vpush v0, $0x0;
	_ =	sdelay $0xe  }
0x3ac: {  	s14 =	spop (v2sf)  }
0x3ad: {  	s14 =	sand.u32 $0x7, s14  }
0x3ae: {  	s13 =	sadd.s32 $0x400, s13;
	s14 =	sshll.u32 s14, $0x7  }
0x3af: {  	s13 =	sadd.s32 s14, s13  }
0x3b0: {  	v0 =	vld [tilespmem:s13+$0xFFFFFFF0];
	_ =	sdelay $0x3  }
0x3b1: {  	s12 =	sadd.s32 $0x80, s12  }
0x3b2: {  	[tilespmem:s12+$0x0] =	vst v0  }
0x3b3: {  	v0 =	vld [tilespmem:s13+$0x0];
	_ =	sdelay $0x4  }
0x3b4: {  	[tilespmem:s12+$0x10] =	vst v0  }
0x3b5: {  	v0 =	vld [tilespmem:s11+$0x340];
	_ =	sdelay $0x4  }
0x3b6: {  	(v2sf) =	vpush v0, $0x0;
	_ =	sdelay $0xe  }
0x3b7: {  	s29 =	spop (v2sf)  }
0x3b8: {  	s11 =	sshll.u32 s29, $0x4  }
0x3b9: {  	s30 =	sand.u32 $0xFFFFF80, s11  }
0x3ba: {  	s31 =	simm.s32 $0x1;
	s11 =	simm.s32 $0x500;
	s12 =	sadd.s32 s3, s30  }
0x3bb: {  	[tilespmem:s11], [sflag:$0x1] =	stream.linear.gather [hbm4b:s12+s2], $0x400, $0x38;
	[tilespmem:$0x18500] =	vst v63  }
0x3bc: {  	s12 =	simm.s32 $0x8;
	v0 =	vld [tilespmem:s31+$0x340]  }
.LBB2_28:
0x3bd: {  	p0 =	sne.s32 s12, $0x7C;
	_ =	sdelay $0x3  }
0x3be: {  	(v2sf) =	vpush v0, $0x0;
	_ =	sdelay $0xe  }
0x3bf: {  	s13 =	spop (v2sf)  }
.Ltmp13:
0x3c0: {  	s13 =	sshll.u32 s13, $0x4;
	(pc) =	sbr.rel @p0 .LBB2_28-.Ltmp13, $4  }
0x3c1: {  	s13 =	sand.u32 $0xFFFFF80, s13  }
0x3c2: {  	s14 =	sshra.s32 s12, $0x2;
	s11 =	sadd.s32 $0x400, s11;
	s13 =	sadd.s32 s3, s13  }
0x3c3: {  	[tilespmem:s11], [sflag:$0x1] =	stream.linear.gather [hbm4b:s13+s2], $0x400, $0x38;
	[tilespmem:$0x18500] =	vst v63  }
0x3c4: {  	s12 =	sadd.s32 $0x4, s12;
	v0 =	vld [tilespmem:s14+$0x340]  }
0x3c5: {  	_ =	sdelay $0x3  }
0x3c6: {  	(v2sf) =	vpush v0, $0x0;
	_ =	sdelay $0xe  }
0x3c7: {  	s12 =	spop (v2sf)  }
0x3c8: {  	s12 =	sshll.u32 s12, $0x4  }
0x3c9: {  	s12 =	sand.u32 $0xFFFFF80, s12  }
0x3ca: {  	s11 =	sadd.s32 $0x400, s11;
	s12 =	sadd.s32 s3, s12  }
0x3cb: {  	[tilespmem:s11], [sflag:$0x1] =	stream.linear.gather [hbm4b:s12+s2], $0x400, $0x38;
	[tilespmem:$0x18500] =	vst v63  }
0x3cc: {  	_ =	swait.ge [sflag:s8], $0x400  }
0x3cd: {  	[sflag:s8] =	ssyncset.done $0x0  }
0x3ce: {  	[sflag:s8] =	ssyncadd.s32 $0xFFFFFC00  }
0x3cf: {  	_ =	swait.ge [sflag:s8], $0x400  }
0x3d0: {  	[sflag:s8] =	ssyncset.done $0x0  }
0x3d1: {  	[sflag:s8] =	ssyncadd.s32 $0xFFFFFC00  }
0x3d2: {  	_ =	swait.ge [sflag:s8], $0x400  }
0x3d3: {  	[sflag:s8] =	ssyncset.done $0x0  }
0x3d4: {  	[sflag:s8] =	ssyncadd.s32 $0xFFFFFC00  }
0x3d5: {  	_ =	swait.ge [sflag:s8], $0x400  }
0x3d6: {  	[sflag:s8] =	ssyncset.done $0x0  }
0x3d7: {  	[sflag:s8] =	ssyncadd.s32 $0xFFFFFC00  }
0x3d8: {  	_ =	swait.ge [sflag:s8], $0x400  }
0x3d9: {  	[sflag:s8] =	ssyncset.done $0x0  }
0x3da: {  	[sflag:s8] =	ssyncadd.s32 $0xFFFFFC00  }
0x3db: {  	_ =	swait.ge [sflag:s8], $0x400  }
0x3dc: {  	[sflag:s8] =	ssyncset.done $0x0  }
0x3dd: {  	[sflag:s8] =	ssyncadd.s32 $0xFFFFFC00  }
0x3de: {  	_ =	swait.ge [sflag:s8], $0x400  }
0x3df: {  	[sflag:s8] =	ssyncset.done $0x0  }
0x3e0: {  	[sflag:s8] =	ssyncadd.s32 $0xFFFFFC00  }
0x3e1: {  	_ =	swait.ge [sflag:s8], $0x400  }
0x3e2: {  	[sflag:s8] =	ssyncset.done $0x0  }
0x3e3: {  	[sflag:s8] =	ssyncadd.s32 $0xFFFFFC00  }
0x3e4: {  	_ =	swait.ge [sflag:s8], $0x400  }
0x3e5: {  	[sflag:s8] =	ssyncset.done $0x0  }
0x3e6: {  	[sflag:s8] =	ssyncadd.s32 $0xFFFFFC00  }
0x3e7: {  	_ =	swait.ge [sflag:s8], $0x400  }
0x3e8: {  	[sflag:s8] =	ssyncset.done $0x0  }
0x3e9: {  	[sflag:s8] =	ssyncadd.s32 $0xFFFFFC00  }
0x3ea: {  	_ =	swait.ge [sflag:s8], $0x400  }
0x3eb: {  	[sflag:s8] =	ssyncset.done $0x0  }
0x3ec: {  	[sflag:s8] =	ssyncadd.s32 $0xFFFFFC00  }
0x3ed: {  	_ =	swait.ge [sflag:s8], $0x400  }
0x3ee: {  	[sflag:s8] =	ssyncset.done $0x0  }
0x3ef: {  	[sflag:s8] =	ssyncadd.s32 $0xFFFFFC00  }
0x3f0: {  	_ =	swait.ge [sflag:s8], $0x400  }
0x3f1: {  	[sflag:s8] =	ssyncset.done $0x0  }
0x3f2: {  	[sflag:s8] =	ssyncadd.s32 $0xFFFFFC00  }
0x3f3: {  	_ =	swait.ge [sflag:s8], $0x400  }
0x3f4: {  	[sflag:s8] =	ssyncset.done $0x0  }
0x3f5: {  	[sflag:s8] =	ssyncadd.s32 $0xFFFFFC00  }
0x3f6: {  	_ =	swait.ge [sflag:s8], $0x400  }
0x3f7: {  	[sflag:s8] =	ssyncset.done $0x0  }
0x3f8: {  	[sflag:s8] =	ssyncadd.s32 $0xFFFFFC00  }
0x3f9: {  	_ =	swait.ge [sflag:s8], $0x400  }
0x3fa: {  	[sflag:s8] =	ssyncset.done $0x0  }
0x3fb: {  	[sflag:s8] =	ssyncadd.s32 $0xFFFFFC00  }
0x3fc: {  	_ =	swait.ge [sflag:s8], $0x400  }
0x3fd: {  	[sflag:s8] =	ssyncset.done $0x0  }
0x3fe: {  	[sflag:s8] =	ssyncadd.s32 $0xFFFFFC00  }
0x3ff: {  	_ =	swait.ge [sflag:s8], $0x400  }
0x400: {  	[sflag:s8] =	ssyncset.done $0x0  }
0x401: {  	[sflag:s8] =	ssyncadd.s32 $0xFFFFFC00  }
0x402: {  	_ =	swait.ge [sflag:s8], $0x400  }
0x403: {  	[sflag:s8] =	ssyncset.done $0x0  }
0x404: {  	[sflag:s8] =	ssyncadd.s32 $0xFFFFFC00  }
0x405: {  	_ =	swait.ge [sflag:s8], $0x400  }
0x406: {  	[sflag:s8] =	ssyncset.done $0x0  }
0x407: {  	[sflag:s8] =	ssyncadd.s32 $0xFFFFFC00  }
0x408: {  	_ =	swait.ge [sflag:s8], $0x400  }
0x409: {  	[sflag:s8] =	ssyncset.done $0x0  }
0x40a: {  	[sflag:s8] =	ssyncadd.s32 $0xFFFFFC00  }
0x40b: {  	_ =	swait.ge [sflag:s8], $0x400  }
0x40c: {  	[sflag:s8] =	ssyncset.done $0x0  }
0x40d: {  	[sflag:s8] =	ssyncadd.s32 $0xFFFFFC00  }
0x40e: {  	_ =	swait.ge [sflag:s8], $0x400  }
0x40f: {  	[sflag:s8] =	ssyncset.done $0x0  }
0x410: {  	[sflag:s8] =	ssyncadd.s32 $0xFFFFFC00  }
0x411: {  	_ =	swait.ge [sflag:s8], $0x400  }
0x412: {  	[sflag:s8] =	ssyncset.done $0x0  }
0x413: {  	[sflag:s8] =	ssyncadd.s32 $0xFFFFFC00  }
0x414: {  	_ =	swait.ge [sflag:s8], $0x400  }
0x415: {  	[sflag:s8] =	ssyncset.done $0x0  }
0x416: {  	[sflag:s8] =	ssyncadd.s32 $0xFFFFFC00  }
0x417: {  	_ =	swait.ge [sflag:s8], $0x400  }
0x418: {  	[sflag:s8] =	ssyncset.done $0x0  }
0x419: {  	[sflag:s8] =	ssyncadd.s32 $0xFFFFFC00  }
0x41a: {  	_ =	swait.ge [sflag:s8], $0x400  }
0x41b: {  	[sflag:s8] =	ssyncset.done $0x0  }
0x41c: {  	[sflag:s8] =	ssyncadd.s32 $0xFFFFFC00  }
0x41d: {  	_ =	swait.ge [sflag:s8], $0x400  }
0x41e: {  	[sflag:s8] =	ssyncset.done $0x0  }
0x41f: {  	[sflag:s8] =	ssyncadd.s32 $0xFFFFFC00  }
0x420: {  	_ =	swait.ge [sflag:s8], $0x400  }
0x421: {  	[sflag:s8] =	ssyncset.done $0x0  }
0x422: {  	[sflag:s8] =	ssyncadd.s32 $0xFFFFFC00  }
0x423: {  	_ =	swait.ge [sflag:s8], $0x400  }
0x424: {  	[sflag:s8] =	ssyncset.done $0x0  }
0x425: {  	[sflag:s8] =	ssyncadd.s32 $0xFFFFFC00  }
0x426: {  	_ =	swait.ge [sflag:s8], $0x400  }
0x427: {  	[sflag:s8] =	ssyncset.done $0x0  }
0x428: {  	[sflag:s8] =	ssyncadd.s32 $0xFFFFFC00  }
0x429: {  	_ =	swait.ge [sflag:s8], $0x400  }
0x42a: {  	[sflag:s8] =	ssyncset.done $0x0  }
0x42b: {  	s11 =	simm.s32 $0x0;
	[sflag:s8] =	ssyncadd.s32 $0xFFFFFC00  }
0x42c: {  	v62 =	vld [tilespmem:s11+$0xC0];
	_ =	sdelay $0x4  }
0x42d: {  	(v2sf) =	vpush v62, $0x0;
	_ =	sdelay $0xe  }
0x42e: {  	s31 =	spop (v2sf)  }
0x42f: {  	s12 =	sand.u32 $0x7, s31  }
0x430: {  	s12 =	sshll.u32 s12, $0x7  }
0x431: {  	s13 =	sadd.s32 $0x510, s12  }
0x432: {  	v63 =	vld [tilespmem:s13+$0xFFFFFFF0];
	_ =	sdelay $0x3  }
0x433: {  	s12 =	simm.s32 $0xE500  }
0x434: {  	[tilespmem:s12+$0x0] =	vst v63  }
0x435: {  	v0 =	vld [tilespmem:s13+$0x0];
	_ =	sdelay $0x4  }
0x436: {  	s15 =	simm.s32 $0x1;
	s14 =	simm.s32 $0x8;
	s13 =	simm.s32 $0x510;
	[tilespmem:s12+$0x10] =	vst v0  }
.LBB2_30:
0x437: {  	p0 =	sne.s32 s14, $0x7C;
	v0 =	vld [tilespmem:s15+$0xC0];
	_ =	sdelay $0x4  }
0x438: {  	(v2sf) =	vpush v0, $0x0;
	_ =	sdelay $0xe  }
0x439: {  	s15 =	spop (v2sf)  }
0x43a: {  	s15 =	sand.u32 $0x7, s15  }
0x43b: {  	s13 =	sadd.s32 $0x400, s13;
	s15 =	sshll.u32 s15, $0x7  }
0x43c: {  	s15 =	sadd.s32 s15, s13  }
0x43d: {  	v0 =	vld [tilespmem:s15+$0xFFFFFFF0];
	_ =	sdelay $0x3  }
0x43e: {  	s12 =	sadd.s32 $0x80, s12  }
0x43f: {  	[tilespmem:s12+$0x0] =	vst v0  }
0x440: {  	v0 =	vld [tilespmem:s15+$0x0]  }
.Ltmp14:
0x441: {  	(pc) =	sbr.rel @p0 .LBB2_30-.Ltmp14, $2  }
0x442: {  	_ =	sdelay $0x2  }
0x443: {  	s15 =	sshra.s32 s14, $0x2;
	s14 =	sadd.s32 $0x4, s14;
	[tilespmem:s12+$0x10] =	vst v0  }
0x444: {  	v0 =	vld [tilespmem:s15+$0xC0];
	_ =	sdelay $0x4  }
0x445: {  	(v2sf) =	vpush v0, $0x0;
	_ =	sdelay $0xe  }
0x446: {  	s14 =	spop (v2sf)  }
0x447: {  	s14 =	sand.u32 $0x7, s14  }
0x448: {  	s13 =	sadd.s32 $0x400, s13;
	s14 =	sshll.u32 s14, $0x7  }
0x449: {  	s13 =	sadd.s32 s14, s13  }
0x44a: {  	v0 =	vld [tilespmem:s13+$0xFFFFFFF0];
	_ =	sdelay $0x3  }
0x44b: {  	s12 =	sadd.s32 $0x80, s12  }
0x44c: {  	[tilespmem:s12+$0x0] =	vst v0  }
0x44d: {  	v0 =	vld [tilespmem:s13+$0x0];
	_ =	sdelay $0x4  }
0x44e: {  	[tilespmem:s12+$0x10] =	vst v0  }
0x44f: {  	v0 =	vld [tilespmem:s11+$0x360];
	_ =	sdelay $0x4  }
0x450: {  	(v2sf) =	vpush v0, $0x0;
	_ =	sdelay $0xe  }
0x451: {  	s29 =	spop (v2sf)  }
0x452: {  	s11 =	sshll.u32 s29, $0x4  }
0x453: {  	s30 =	sand.u32 $0xFFFFF80, s11  }
0x454: {  	s31 =	simm.s32 $0x1;
	s11 =	simm.s32 $0x500;
	s12 =	sadd.s32 s3, s30  }
0x455: {  	[tilespmem:s11], [sflag:$0x1] =	stream.linear.gather [hbm4b:s12+s2], $0x400, $0x38;
	[tilespmem:$0x18500] =	vst v63  }
0x456: {  	s12 =	simm.s32 $0x8;
	v0 =	vld [tilespmem:s31+$0x360]  }
.LBB2_32:
0x457: {  	p0 =	sne.s32 s12, $0x7C;
	_ =	sdelay $0x3  }
0x458: {  	(v2sf) =	vpush v0, $0x0;
	_ =	sdelay $0xe  }
0x459: {  	s13 =	spop (v2sf)  }
.Ltmp15:
0x45a: {  	s13 =	sshll.u32 s13, $0x4;
	(pc) =	sbr.rel @p0 .LBB2_32-.Ltmp15, $4  }
0x45b: {  	s13 =	sand.u32 $0xFFFFF80, s13  }
0x45c: {  	s14 =	sshra.s32 s12, $0x2;
	s11 =	sadd.s32 $0x400, s11;
	s13 =	sadd.s32 s3, s13  }
0x45d: {  	[tilespmem:s11], [sflag:$0x1] =	stream.linear.gather [hbm4b:s13+s2], $0x400, $0x38;
	[tilespmem:$0x18500] =	vst v63  }
0x45e: {  	s12 =	sadd.s32 $0x4, s12;
	v0 =	vld [tilespmem:s14+$0x360]  }
0x45f: {  	_ =	sdelay $0x3  }
0x460: {  	(v2sf) =	vpush v0, $0x0;
	_ =	sdelay $0xe  }
0x461: {  	s12 =	spop (v2sf)  }
0x462: {  	s12 =	sshll.u32 s12, $0x4  }
0x463: {  	s12 =	sand.u32 $0xFFFFF80, s12  }
0x464: {  	s11 =	sadd.s32 $0x400, s11;
	s12 =	sadd.s32 s3, s12  }
0x465: {  	[tilespmem:s11], [sflag:$0x1] =	stream.linear.gather [hbm4b:s12+s2], $0x400, $0x38;
	[tilespmem:$0x18500] =	vst v63  }
0x466: {  	_ =	swait.ge [sflag:s8], $0x400  }
0x467: {  	[sflag:s8] =	ssyncset.done $0x0  }
0x468: {  	[sflag:s8] =	ssyncadd.s32 $0xFFFFFC00  }
0x469: {  	_ =	swait.ge [sflag:s8], $0x400  }
0x46a: {  	[sflag:s8] =	ssyncset.done $0x0  }
0x46b: {  	[sflag:s8] =	ssyncadd.s32 $0xFFFFFC00  }
0x46c: {  	_ =	swait.ge [sflag:s8], $0x400  }
0x46d: {  	[sflag:s8] =	ssyncset.done $0x0  }
0x46e: {  	[sflag:s8] =	ssyncadd.s32 $0xFFFFFC00  }
0x46f: {  	_ =	swait.ge [sflag:s8], $0x400  }
0x470: {  	[sflag:s8] =	ssyncset.done $0x0  }
0x471: {  	[sflag:s8] =	ssyncadd.s32 $0xFFFFFC00  }
0x472: {  	_ =	swait.ge [sflag:s8], $0x400  }
0x473: {  	[sflag:s8] =	ssyncset.done $0x0  }
0x474: {  	[sflag:s8] =	ssyncadd.s32 $0xFFFFFC00  }
0x475: {  	_ =	swait.ge [sflag:s8], $0x400  }
0x476: {  	[sflag:s8] =	ssyncset.done $0x0  }
0x477: {  	[sflag:s8] =	ssyncadd.s32 $0xFFFFFC00  }
0x478: {  	_ =	swait.ge [sflag:s8], $0x400  }
0x479: {  	[sflag:s8] =	ssyncset.done $0x0  }
0x47a: {  	[sflag:s8] =	ssyncadd.s32 $0xFFFFFC00  }
0x47b: {  	_ =	swait.ge [sflag:s8], $0x400  }
0x47c: {  	[sflag:s8] =	ssyncset.done $0x0  }
0x47d: {  	[sflag:s8] =	ssyncadd.s32 $0xFFFFFC00  }
0x47e: {  	_ =	swait.ge [sflag:s8], $0x400  }
0x47f: {  	[sflag:s8] =	ssyncset.done $0x0  }
0x480: {  	[sflag:s8] =	ssyncadd.s32 $0xFFFFFC00  }
0x481: {  	_ =	swait.ge [sflag:s8], $0x400  }
0x482: {  	[sflag:s8] =	ssyncset.done $0x0  }
0x483: {  	[sflag:s8] =	ssyncadd.s32 $0xFFFFFC00  }
0x484: {  	_ =	swait.ge [sflag:s8], $0x400  }
0x485: {  	[sflag:s8] =	ssyncset.done $0x0  }
0x486: {  	[sflag:s8] =	ssyncadd.s32 $0xFFFFFC00  }
0x487: {  	_ =	swait.ge [sflag:s8], $0x400  }
0x488: {  	[sflag:s8] =	ssyncset.done $0x0  }
0x489: {  	[sflag:s8] =	ssyncadd.s32 $0xFFFFFC00  }
0x48a: {  	_ =	swait.ge [sflag:s8], $0x400  }
0x48b: {  	[sflag:s8] =	ssyncset.done $0x0  }
0x48c: {  	[sflag:s8] =	ssyncadd.s32 $0xFFFFFC00  }
0x48d: {  	_ =	swait.ge [sflag:s8], $0x400  }
0x48e: {  	[sflag:s8] =	ssyncset.done $0x0  }
0x48f: {  	[sflag:s8] =	ssyncadd.s32 $0xFFFFFC00  }
0x490: {  	_ =	swait.ge [sflag:s8], $0x400  }
0x491: {  	[sflag:s8] =	ssyncset.done $0x0  }
0x492: {  	[sflag:s8] =	ssyncadd.s32 $0xFFFFFC00  }
0x493: {  	_ =	swait.ge [sflag:s8], $0x400  }
0x494: {  	[sflag:s8] =	ssyncset.done $0x0  }
0x495: {  	[sflag:s8] =	ssyncadd.s32 $0xFFFFFC00  }
0x496: {  	_ =	swait.ge [sflag:s8], $0x400  }
0x497: {  	[sflag:s8] =	ssyncset.done $0x0  }
0x498: {  	[sflag:s8] =	ssyncadd.s32 $0xFFFFFC00  }
0x499: {  	_ =	swait.ge [sflag:s8], $0x400  }
0x49a: {  	[sflag:s8] =	ssyncset.done $0x0  }
0x49b: {  	[sflag:s8] =	ssyncadd.s32 $0xFFFFFC00  }
0x49c: {  	_ =	swait.ge [sflag:s8], $0x400  }
0x49d: {  	[sflag:s8] =	ssyncset.done $0x0  }
0x49e: {  	[sflag:s8] =	ssyncadd.s32 $0xFFFFFC00  }
0x49f: {  	_ =	swait.ge [sflag:s8], $0x400  }
0x4a0: {  	[sflag:s8] =	ssyncset.done $0x0  }
0x4a1: {  	[sflag:s8] =	ssyncadd.s32 $0xFFFFFC00  }
0x4a2: {  	_ =	swait.ge [sflag:s8], $0x400  }
0x4a3: {  	[sflag:s8] =	ssyncset.done $0x0  }
0x4a4: {  	[sflag:s8] =	ssyncadd.s32 $0xFFFFFC00  }
0x4a5: {  	_ =	swait.ge [sflag:s8], $0x400  }
0x4a6: {  	[sflag:s8] =	ssyncset.done $0x0  }
0x4a7: {  	[sflag:s8] =	ssyncadd.s32 $0xFFFFFC00  }
0x4a8: {  	_ =	swait.ge [sflag:s8], $0x400  }
0x4a9: {  	[sflag:s8] =	ssyncset.done $0x0  }
0x4aa: {  	[sflag:s8] =	ssyncadd.s32 $0xFFFFFC00  }
0x4ab: {  	_ =	swait.ge [sflag:s8], $0x400  }
0x4ac: {  	[sflag:s8] =	ssyncset.done $0x0  }
0x4ad: {  	[sflag:s8] =	ssyncadd.s32 $0xFFFFFC00  }
0x4ae: {  	_ =	swait.ge [sflag:s8], $0x400  }
0x4af: {  	[sflag:s8] =	ssyncset.done $0x0  }
0x4b0: {  	[sflag:s8] =	ssyncadd.s32 $0xFFFFFC00  }
0x4b1: {  	_ =	swait.ge [sflag:s8], $0x400  }
0x4b2: {  	[sflag:s8] =	ssyncset.done $0x0  }
0x4b3: {  	[sflag:s8] =	ssyncadd.s32 $0xFFFFFC00  }
0x4b4: {  	_ =	swait.ge [sflag:s8], $0x400  }
0x4b5: {  	[sflag:s8] =	ssyncset.done $0x0  }
0x4b6: {  	[sflag:s8] =	ssyncadd.s32 $0xFFFFFC00  }
0x4b7: {  	_ =	swait.ge [sflag:s8], $0x400  }
0x4b8: {  	[sflag:s8] =	ssyncset.done $0x0  }
0x4b9: {  	[sflag:s8] =	ssyncadd.s32 $0xFFFFFC00  }
0x4ba: {  	_ =	swait.ge [sflag:s8], $0x400  }
0x4bb: {  	[sflag:s8] =	ssyncset.done $0x0  }
0x4bc: {  	[sflag:s8] =	ssyncadd.s32 $0xFFFFFC00  }
0x4bd: {  	_ =	swait.ge [sflag:s8], $0x400  }
0x4be: {  	[sflag:s8] =	ssyncset.done $0x0  }
0x4bf: {  	[sflag:s8] =	ssyncadd.s32 $0xFFFFFC00  }
0x4c0: {  	_ =	swait.ge [sflag:s8], $0x400  }
0x4c1: {  	[sflag:s8] =	ssyncset.done $0x0  }
0x4c2: {  	[sflag:s8] =	ssyncadd.s32 $0xFFFFFC00  }
0x4c3: {  	_ =	swait.ge [sflag:s8], $0x400  }
0x4c4: {  	[sflag:s8] =	ssyncset.done $0x0  }
0x4c5: {  	s11 =	simm.s32 $0x0;
	[sflag:s8] =	ssyncadd.s32 $0xFFFFFC00  }
0x4c6: {  	v62 =	vld [tilespmem:s11+$0xE0];
	_ =	sdelay $0x4  }
0x4c7: {  	(v2sf) =	vpush v62, $0x0;
	_ =	sdelay $0xe  }
0x4c8: {  	s31 =	spop (v2sf)  }
0x4c9: {  	s12 =	sand.u32 $0x7, s31  }
0x4ca: {  	s12 =	sshll.u32 s12, $0x7  }
0x4cb: {  	s13 =	sadd.s32 $0x510, s12  }
0x4cc: {  	v63 =	vld [tilespmem:s13+$0xFFFFFFF0];
	_ =	sdelay $0x3  }
0x4cd: {  	s12 =	simm.s32 $0xF500  }
0x4ce: {  	[tilespmem:s12+$0x0] =	vst v63  }
0x4cf: {  	v0 =	vld [tilespmem:s13+$0x0];
	_ =	sdelay $0x4  }
0x4d0: {  	s15 =	simm.s32 $0x1;
	s14 =	simm.s32 $0x8;
	s13 =	simm.s32 $0x510;
	[tilespmem:s12+$0x10] =	vst v0  }
.LBB2_34:
0x4d1: {  	p0 =	sne.s32 s14, $0x7C;
	v0 =	vld [tilespmem:s15+$0xE0];
	_ =	sdelay $0x4  }
0x4d2: {  	(v2sf) =	vpush v0, $0x0;
	_ =	sdelay $0xe  }
0x4d3: {  	s15 =	spop (v2sf)  }
0x4d4: {  	s15 =	sand.u32 $0x7, s15  }
0x4d5: {  	s13 =	sadd.s32 $0x400, s13;
	s15 =	sshll.u32 s15, $0x7  }
0x4d6: {  	s15 =	sadd.s32 s15, s13  }
0x4d7: {  	v0 =	vld [tilespmem:s15+$0xFFFFFFF0];
	_ =	sdelay $0x3  }
0x4d8: {  	s12 =	sadd.s32 $0x80, s12  }
0x4d9: {  	[tilespmem:s12+$0x0] =	vst v0  }
0x4da: {  	v0 =	vld [tilespmem:s15+$0x0]  }
.Ltmp16:
0x4db: {  	(pc) =	sbr.rel @p0 .LBB2_34-.Ltmp16, $2  }
0x4dc: {  	_ =	sdelay $0x2  }
0x4dd: {  	s15 =	sshra.s32 s14, $0x2;
	s14 =	sadd.s32 $0x4, s14;
	[tilespmem:s12+$0x10] =	vst v0  }
0x4de: {  	v0 =	vld [tilespmem:s15+$0xE0];
	_ =	sdelay $0x4  }
0x4df: {  	(v2sf) =	vpush v0, $0x0;
	_ =	sdelay $0xe  }
0x4e0: {  	s14 =	spop (v2sf)  }
0x4e1: {  	s14 =	sand.u32 $0x7, s14  }
0x4e2: {  	s13 =	sadd.s32 $0x400, s13;
	s14 =	sshll.u32 s14, $0x7  }
0x4e3: {  	s13 =	sadd.s32 s14, s13  }
0x4e4: {  	v0 =	vld [tilespmem:s13+$0xFFFFFFF0];
	_ =	sdelay $0x3  }
0x4e5: {  	s12 =	sadd.s32 $0x80, s12  }
0x4e6: {  	[tilespmem:s12+$0x0] =	vst v0  }
0x4e7: {  	v0 =	vld [tilespmem:s13+$0x0];
	_ =	sdelay $0x4  }
0x4e8: {  	[tilespmem:s12+$0x10] =	vst v0  }
0x4e9: {  	v0 =	vld [tilespmem:s11+$0x380];
	_ =	sdelay $0x4  }
0x4ea: {  	(v2sf) =	vpush v0, $0x0;
	_ =	sdelay $0xe  }
0x4eb: {  	s29 =	spop (v2sf)  }
0x4ec: {  	s11 =	sshll.u32 s29, $0x4  }
0x4ed: {  	s30 =	sand.u32 $0xFFFFF80, s11  }
0x4ee: {  	s31 =	simm.s32 $0x1;
	s11 =	simm.s32 $0x500;
	s12 =	sadd.s32 s3, s30  }
0x4ef: {  	[tilespmem:s11], [sflag:$0x1] =	stream.linear.gather [hbm4b:s12+s2], $0x400, $0x38;
	[tilespmem:$0x18500] =	vst v63  }
0x4f0: {  	s12 =	simm.s32 $0x8;
	v0 =	vld [tilespmem:s31+$0x380]  }
.LBB2_36:
0x4f1: {  	p0 =	sne.s32 s12, $0x7C;
	_ =	sdelay $0x3  }
0x4f2: {  	(v2sf) =	vpush v0, $0x0;
	_ =	sdelay $0xe  }
0x4f3: {  	s13 =	spop (v2sf)  }
.Ltmp17:
0x4f4: {  	s13 =	sshll.u32 s13, $0x4;
	(pc) =	sbr.rel @p0 .LBB2_36-.Ltmp17, $4  }
0x4f5: {  	s13 =	sand.u32 $0xFFFFF80, s13  }
0x4f6: {  	s14 =	sshra.s32 s12, $0x2;
	s11 =	sadd.s32 $0x400, s11;
	s13 =	sadd.s32 s3, s13  }
0x4f7: {  	[tilespmem:s11], [sflag:$0x1] =	stream.linear.gather [hbm4b:s13+s2], $0x400, $0x38;
	[tilespmem:$0x18500] =	vst v63  }
0x4f8: {  	s12 =	sadd.s32 $0x4, s12;
	v0 =	vld [tilespmem:s14+$0x380]  }
0x4f9: {  	_ =	sdelay $0x3  }
0x4fa: {  	(v2sf) =	vpush v0, $0x0;
	_ =	sdelay $0xe  }
0x4fb: {  	s12 =	spop (v2sf)  }
0x4fc: {  	s12 =	sshll.u32 s12, $0x4  }
0x4fd: {  	s12 =	sand.u32 $0xFFFFF80, s12  }
0x4fe: {  	s11 =	sadd.s32 $0x400, s11;
	s12 =	sadd.s32 s3, s12  }
0x4ff: {  	[tilespmem:s11], [sflag:$0x1] =	stream.linear.gather [hbm4b:s12+s2], $0x400, $0x38;
	[tilespmem:$0x18500] =	vst v63  }
0x500: {  	_ =	swait.ge [sflag:s8], $0x400  }
0x501: {  	[sflag:s8] =	ssyncset.done $0x0  }
0x502: {  	[sflag:s8] =	ssyncadd.s32 $0xFFFFFC00  }
0x503: {  	_ =	swait.ge [sflag:s8], $0x400  }
0x504: {  	[sflag:s8] =	ssyncset.done $0x0  }
0x505: {  	[sflag:s8] =	ssyncadd.s32 $0xFFFFFC00  }
0x506: {  	_ =	swait.ge [sflag:s8], $0x400  }
0x507: {  	[sflag:s8] =	ssyncset.done $0x0  }
0x508: {  	[sflag:s8] =	ssyncadd.s32 $0xFFFFFC00  }
0x509: {  	_ =	swait.ge [sflag:s8], $0x400  }
0x50a: {  	[sflag:s8] =	ssyncset.done $0x0  }
0x50b: {  	[sflag:s8] =	ssyncadd.s32 $0xFFFFFC00  }
0x50c: {  	_ =	swait.ge [sflag:s8], $0x400  }
0x50d: {  	[sflag:s8] =	ssyncset.done $0x0  }
0x50e: {  	[sflag:s8] =	ssyncadd.s32 $0xFFFFFC00  }
0x50f: {  	_ =	swait.ge [sflag:s8], $0x400  }
0x510: {  	[sflag:s8] =	ssyncset.done $0x0  }
0x511: {  	[sflag:s8] =	ssyncadd.s32 $0xFFFFFC00  }
0x512: {  	_ =	swait.ge [sflag:s8], $0x400  }
0x513: {  	[sflag:s8] =	ssyncset.done $0x0  }
0x514: {  	[sflag:s8] =	ssyncadd.s32 $0xFFFFFC00  }
0x515: {  	_ =	swait.ge [sflag:s8], $0x400  }
0x516: {  	[sflag:s8] =	ssyncset.done $0x0  }
0x517: {  	[sflag:s8] =	ssyncadd.s32 $0xFFFFFC00  }
0x518: {  	_ =	swait.ge [sflag:s8], $0x400  }
0x519: {  	[sflag:s8] =	ssyncset.done $0x0  }
0x51a: {  	[sflag:s8] =	ssyncadd.s32 $0xFFFFFC00  }
0x51b: {  	_ =	swait.ge [sflag:s8], $0x400  }
0x51c: {  	[sflag:s8] =	ssyncset.done $0x0  }
0x51d: {  	[sflag:s8] =	ssyncadd.s32 $0xFFFFFC00  }
0x51e: {  	_ =	swait.ge [sflag:s8], $0x400  }
0x51f: {  	[sflag:s8] =	ssyncset.done $0x0  }
0x520: {  	[sflag:s8] =	ssyncadd.s32 $0xFFFFFC00  }
0x521: {  	_ =	swait.ge [sflag:s8], $0x400  }
0x522: {  	[sflag:s8] =	ssyncset.done $0x0  }
0x523: {  	[sflag:s8] =	ssyncadd.s32 $0xFFFFFC00  }
0x524: {  	_ =	swait.ge [sflag:s8], $0x400  }
0x525: {  	[sflag:s8] =	ssyncset.done $0x0  }
0x526: {  	[sflag:s8] =	ssyncadd.s32 $0xFFFFFC00  }
0x527: {  	_ =	swait.ge [sflag:s8], $0x400  }
0x528: {  	[sflag:s8] =	ssyncset.done $0x0  }
0x529: {  	[sflag:s8] =	ssyncadd.s32 $0xFFFFFC00  }
0x52a: {  	_ =	swait.ge [sflag:s8], $0x400  }
0x52b: {  	[sflag:s8] =	ssyncset.done $0x0  }
0x52c: {  	[sflag:s8] =	ssyncadd.s32 $0xFFFFFC00  }
0x52d: {  	_ =	swait.ge [sflag:s8], $0x400  }
0x52e: {  	[sflag:s8] =	ssyncset.done $0x0  }
0x52f: {  	[sflag:s8] =	ssyncadd.s32 $0xFFFFFC00  }
0x530: {  	_ =	swait.ge [sflag:s8], $0x400  }
0x531: {  	[sflag:s8] =	ssyncset.done $0x0  }
0x532: {  	[sflag:s8] =	ssyncadd.s32 $0xFFFFFC00  }
0x533: {  	_ =	swait.ge [sflag:s8], $0x400  }
0x534: {  	[sflag:s8] =	ssyncset.done $0x0  }
0x535: {  	[sflag:s8] =	ssyncadd.s32 $0xFFFFFC00  }
0x536: {  	_ =	swait.ge [sflag:s8], $0x400  }
0x537: {  	[sflag:s8] =	ssyncset.done $0x0  }
0x538: {  	[sflag:s8] =	ssyncadd.s32 $0xFFFFFC00  }
0x539: {  	_ =	swait.ge [sflag:s8], $0x400  }
0x53a: {  	[sflag:s8] =	ssyncset.done $0x0  }
0x53b: {  	[sflag:s8] =	ssyncadd.s32 $0xFFFFFC00  }
0x53c: {  	_ =	swait.ge [sflag:s8], $0x400  }
0x53d: {  	[sflag:s8] =	ssyncset.done $0x0  }
0x53e: {  	[sflag:s8] =	ssyncadd.s32 $0xFFFFFC00  }
0x53f: {  	_ =	swait.ge [sflag:s8], $0x400  }
0x540: {  	[sflag:s8] =	ssyncset.done $0x0  }
0x541: {  	[sflag:s8] =	ssyncadd.s32 $0xFFFFFC00  }
0x542: {  	_ =	swait.ge [sflag:s8], $0x400  }
0x543: {  	[sflag:s8] =	ssyncset.done $0x0  }
0x544: {  	[sflag:s8] =	ssyncadd.s32 $0xFFFFFC00  }
0x545: {  	_ =	swait.ge [sflag:s8], $0x400  }
0x546: {  	[sflag:s8] =	ssyncset.done $0x0  }
0x547: {  	[sflag:s8] =	ssyncadd.s32 $0xFFFFFC00  }
0x548: {  	_ =	swait.ge [sflag:s8], $0x400  }
0x549: {  	[sflag:s8] =	ssyncset.done $0x0  }
0x54a: {  	[sflag:s8] =	ssyncadd.s32 $0xFFFFFC00  }
0x54b: {  	_ =	swait.ge [sflag:s8], $0x400  }
0x54c: {  	[sflag:s8] =	ssyncset.done $0x0  }
0x54d: {  	[sflag:s8] =	ssyncadd.s32 $0xFFFFFC00  }
0x54e: {  	_ =	swait.ge [sflag:s8], $0x400  }
0x54f: {  	[sflag:s8] =	ssyncset.done $0x0  }
0x550: {  	[sflag:s8] =	ssyncadd.s32 $0xFFFFFC00  }
0x551: {  	_ =	swait.ge [sflag:s8], $0x400  }
0x552: {  	[sflag:s8] =	ssyncset.done $0x0  }
0x553: {  	[sflag:s8] =	ssyncadd.s32 $0xFFFFFC00  }
0x554: {  	_ =	swait.ge [sflag:s8], $0x400  }
0x555: {  	[sflag:s8] =	ssyncset.done $0x0  }
0x556: {  	[sflag:s8] =	ssyncadd.s32 $0xFFFFFC00  }
0x557: {  	_ =	swait.ge [sflag:s8], $0x400  }
0x558: {  	[sflag:s8] =	ssyncset.done $0x0  }
0x559: {  	[sflag:s8] =	ssyncadd.s32 $0xFFFFFC00  }
0x55a: {  	_ =	swait.ge [sflag:s8], $0x400  }
0x55b: {  	[sflag:s8] =	ssyncset.done $0x0  }
0x55c: {  	[sflag:s8] =	ssyncadd.s32 $0xFFFFFC00  }
0x55d: {  	_ =	swait.ge [sflag:s8], $0x400  }
0x55e: {  	[sflag:s8] =	ssyncset.done $0x0  }
0x55f: {  	s11 =	simm.s32 $0x0;
	[sflag:s8] =	ssyncadd.s32 $0xFFFFFC00  }
0x560: {  	v62 =	vld [tilespmem:s11+$0x100];
	_ =	sdelay $0x4  }
0x561: {  	(v2sf) =	vpush v62, $0x0;
	_ =	sdelay $0xe  }
0x562: {  	s31 =	spop (v2sf)  }
0x563: {  	s12 =	sand.u32 $0x7, s31  }
0x564: {  	s12 =	sshll.u32 s12, $0x7  }
0x565: {  	s13 =	sadd.s32 $0x510, s12  }
0x566: {  	v63 =	vld [tilespmem:s13+$0xFFFFFFF0];
	_ =	sdelay $0x3  }
0x567: {  	s12 =	simm.s32 $0x10500  }
0x568: {  	[tilespmem:s12+$0x0] =	vst v63  }
0x569: {  	v0 =	vld [tilespmem:s13+$0x0];
	_ =	sdelay $0x4  }
0x56a: {  	s15 =	simm.s32 $0x1;
	s14 =	simm.s32 $0x8;
	s13 =	simm.s32 $0x510;
	[tilespmem:s12+$0x10] =	vst v0  }
.LBB2_38:
0x56b: {  	p0 =	sne.s32 s14, $0x7C;
	v0 =	vld [tilespmem:s15+$0x100];
	_ =	sdelay $0x4  }
0x56c: {  	(v2sf) =	vpush v0, $0x0;
	_ =	sdelay $0xe  }
0x56d: {  	s15 =	spop (v2sf)  }
0x56e: {  	s15 =	sand.u32 $0x7, s15  }
0x56f: {  	s13 =	sadd.s32 $0x400, s13;
	s15 =	sshll.u32 s15, $0x7  }
0x570: {  	s15 =	sadd.s32 s15, s13  }
0x571: {  	v0 =	vld [tilespmem:s15+$0xFFFFFFF0];
	_ =	sdelay $0x3  }
0x572: {  	s12 =	sadd.s32 $0x80, s12  }
0x573: {  	[tilespmem:s12+$0x0] =	vst v0  }
0x574: {  	v0 =	vld [tilespmem:s15+$0x0]  }
.Ltmp18:
0x575: {  	(pc) =	sbr.rel @p0 .LBB2_38-.Ltmp18, $2  }
0x576: {  	_ =	sdelay $0x2  }
0x577: {  	s15 =	sshra.s32 s14, $0x2;
	s14 =	sadd.s32 $0x4, s14;
	[tilespmem:s12+$0x10] =	vst v0  }
0x578: {  	v0 =	vld [tilespmem:s15+$0x100];
	_ =	sdelay $0x4  }
0x579: {  	(v2sf) =	vpush v0, $0x0;
	_ =	sdelay $0xe  }
0x57a: {  	s14 =	spop (v2sf)  }
0x57b: {  	s14 =	sand.u32 $0x7, s14  }
0x57c: {  	s13 =	sadd.s32 $0x400, s13;
	s14 =	sshll.u32 s14, $0x7  }
0x57d: {  	s13 =	sadd.s32 s14, s13  }
0x57e: {  	v0 =	vld [tilespmem:s13+$0xFFFFFFF0];
	_ =	sdelay $0x3  }
0x57f: {  	s12 =	sadd.s32 $0x80, s12  }
0x580: {  	[tilespmem:s12+$0x0] =	vst v0  }
0x581: {  	v0 =	vld [tilespmem:s13+$0x0];
	_ =	sdelay $0x4  }
0x582: {  	[tilespmem:s12+$0x10] =	vst v0  }
0x583: {  	v0 =	vld [tilespmem:s11+$0x3A0];
	_ =	sdelay $0x4  }
0x584: {  	(v2sf) =	vpush v0, $0x0;
	_ =	sdelay $0xe  }
0x585: {  	s29 =	spop (v2sf)  }
0x586: {  	s11 =	sshll.u32 s29, $0x4  }
0x587: {  	s30 =	sand.u32 $0xFFFFF80, s11  }
0x588: {  	s31 =	simm.s32 $0x1;
	s11 =	simm.s32 $0x500;
	s12 =	sadd.s32 s3, s30  }
0x589: {  	[tilespmem:s11], [sflag:$0x1] =	stream.linear.gather [hbm4b:s12+s2], $0x400, $0x38;
	[tilespmem:$0x18500] =	vst v63  }
0x58a: {  	s12 =	simm.s32 $0x8;
	v0 =	vld [tilespmem:s31+$0x3A0]  }
.LBB2_40:
0x58b: {  	p0 =	sne.s32 s12, $0x7C;
	_ =	sdelay $0x3  }
0x58c: {  	(v2sf) =	vpush v0, $0x0;
	_ =	sdelay $0xe  }
0x58d: {  	s13 =	spop (v2sf)  }
.Ltmp19:
0x58e: {  	s13 =	sshll.u32 s13, $0x4;
	(pc) =	sbr.rel @p0 .LBB2_40-.Ltmp19, $4  }
0x58f: {  	s13 =	sand.u32 $0xFFFFF80, s13  }
0x590: {  	s14 =	sshra.s32 s12, $0x2;
	s11 =	sadd.s32 $0x400, s11;
	s13 =	sadd.s32 s3, s13  }
0x591: {  	[tilespmem:s11], [sflag:$0x1] =	stream.linear.gather [hbm4b:s13+s2], $0x400, $0x38;
	[tilespmem:$0x18500] =	vst v63  }
0x592: {  	s12 =	sadd.s32 $0x4, s12;
	v0 =	vld [tilespmem:s14+$0x3A0]  }
0x593: {  	_ =	sdelay $0x3  }
0x594: {  	(v2sf) =	vpush v0, $0x0;
	_ =	sdelay $0xe  }
0x595: {  	s12 =	spop (v2sf)  }
0x596: {  	s12 =	sshll.u32 s12, $0x4  }
0x597: {  	s12 =	sand.u32 $0xFFFFF80, s12  }
0x598: {  	s11 =	sadd.s32 $0x400, s11;
	s12 =	sadd.s32 s3, s12  }
0x599: {  	[tilespmem:s11], [sflag:$0x1] =	stream.linear.gather [hbm4b:s12+s2], $0x400, $0x38;
	[tilespmem:$0x18500] =	vst v63  }
0x59a: {  	_ =	swait.ge [sflag:s8], $0x400  }
0x59b: {  	[sflag:s8] =	ssyncset.done $0x0  }
0x59c: {  	[sflag:s8] =	ssyncadd.s32 $0xFFFFFC00  }
0x59d: {  	_ =	swait.ge [sflag:s8], $0x400  }
0x59e: {  	[sflag:s8] =	ssyncset.done $0x0  }
0x59f: {  	[sflag:s8] =	ssyncadd.s32 $0xFFFFFC00  }
0x5a0: {  	_ =	swait.ge [sflag:s8], $0x400  }
0x5a1: {  	[sflag:s8] =	ssyncset.done $0x0  }
0x5a2: {  	[sflag:s8] =	ssyncadd.s32 $0xFFFFFC00  }
0x5a3: {  	_ =	swait.ge [sflag:s8], $0x400  }
0x5a4: {  	[sflag:s8] =	ssyncset.done $0x0  }
0x5a5: {  	[sflag:s8] =	ssyncadd.s32 $0xFFFFFC00  }
0x5a6: {  	_ =	swait.ge [sflag:s8], $0x400  }
0x5a7: {  	[sflag:s8] =	ssyncset.done $0x0  }
0x5a8: {  	[sflag:s8] =	ssyncadd.s32 $0xFFFFFC00  }
0x5a9: {  	_ =	swait.ge [sflag:s8], $0x400  }
0x5aa: {  	[sflag:s8] =	ssyncset.done $0x0  }
0x5ab: {  	[sflag:s8] =	ssyncadd.s32 $0xFFFFFC00  }
0x5ac: {  	_ =	swait.ge [sflag:s8], $0x400  }
0x5ad: {  	[sflag:s8] =	ssyncset.done $0x0  }
0x5ae: {  	[sflag:s8] =	ssyncadd.s32 $0xFFFFFC00  }
0x5af: {  	_ =	swait.ge [sflag:s8], $0x400  }
0x5b0: {  	[sflag:s8] =	ssyncset.done $0x0  }
0x5b1: {  	[sflag:s8] =	ssyncadd.s32 $0xFFFFFC00  }
0x5b2: {  	_ =	swait.ge [sflag:s8], $0x400  }
0x5b3: {  	[sflag:s8] =	ssyncset.done $0x0  }
0x5b4: {  	[sflag:s8] =	ssyncadd.s32 $0xFFFFFC00  }
0x5b5: {  	_ =	swait.ge [sflag:s8], $0x400  }
0x5b6: {  	[sflag:s8] =	ssyncset.done $0x0  }
0x5b7: {  	[sflag:s8] =	ssyncadd.s32 $0xFFFFFC00  }
0x5b8: {  	_ =	swait.ge [sflag:s8], $0x400  }
0x5b9: {  	[sflag:s8] =	ssyncset.done $0x0  }
0x5ba: {  	[sflag:s8] =	ssyncadd.s32 $0xFFFFFC00  }
0x5bb: {  	_ =	swait.ge [sflag:s8], $0x400  }
0x5bc: {  	[sflag:s8] =	ssyncset.done $0x0  }
0x5bd: {  	[sflag:s8] =	ssyncadd.s32 $0xFFFFFC00  }
0x5be: {  	_ =	swait.ge [sflag:s8], $0x400  }
0x5bf: {  	[sflag:s8] =	ssyncset.done $0x0  }
0x5c0: {  	[sflag:s8] =	ssyncadd.s32 $0xFFFFFC00  }
0x5c1: {  	_ =	swait.ge [sflag:s8], $0x400  }
0x5c2: {  	[sflag:s8] =	ssyncset.done $0x0  }
0x5c3: {  	[sflag:s8] =	ssyncadd.s32 $0xFFFFFC00  }
0x5c4: {  	_ =	swait.ge [sflag:s8], $0x400  }
0x5c5: {  	[sflag:s8] =	ssyncset.done $0x0  }
0x5c6: {  	[sflag:s8] =	ssyncadd.s32 $0xFFFFFC00  }
0x5c7: {  	_ =	swait.ge [sflag:s8], $0x400  }
0x5c8: {  	[sflag:s8] =	ssyncset.done $0x0  }
0x5c9: {  	[sflag:s8] =	ssyncadd.s32 $0xFFFFFC00  }
0x5ca: {  	_ =	swait.ge [sflag:s8], $0x400  }
0x5cb: {  	[sflag:s8] =	ssyncset.done $0x0  }
0x5cc: {  	[sflag:s8] =	ssyncadd.s32 $0xFFFFFC00  }
0x5cd: {  	_ =	swait.ge [sflag:s8], $0x400  }
0x5ce: {  	[sflag:s8] =	ssyncset.done $0x0  }
0x5cf: {  	[sflag:s8] =	ssyncadd.s32 $0xFFFFFC00  }
0x5d0: {  	_ =	swait.ge [sflag:s8], $0x400  }
0x5d1: {  	[sflag:s8] =	ssyncset.done $0x0  }
0x5d2: {  	[sflag:s8] =	ssyncadd.s32 $0xFFFFFC00  }
0x5d3: {  	_ =	swait.ge [sflag:s8], $0x400  }
0x5d4: {  	[sflag:s8] =	ssyncset.done $0x0  }
0x5d5: {  	[sflag:s8] =	ssyncadd.s32 $0xFFFFFC00  }
0x5d6: {  	_ =	swait.ge [sflag:s8], $0x400  }
0x5d7: {  	[sflag:s8] =	ssyncset.done $0x0  }
0x5d8: {  	[sflag:s8] =	ssyncadd.s32 $0xFFFFFC00  }
0x5d9: {  	_ =	swait.ge [sflag:s8], $0x400  }
0x5da: {  	[sflag:s8] =	ssyncset.done $0x0  }
0x5db: {  	[sflag:s8] =	ssyncadd.s32 $0xFFFFFC00  }
0x5dc: {  	_ =	swait.ge [sflag:s8], $0x400  }
0x5dd: {  	[sflag:s8] =	ssyncset.done $0x0  }
0x5de: {  	[sflag:s8] =	ssyncadd.s32 $0xFFFFFC00  }
0x5df: {  	_ =	swait.ge [sflag:s8], $0x400  }
0x5e0: {  	[sflag:s8] =	ssyncset.done $0x0  }
0x5e1: {  	[sflag:s8] =	ssyncadd.s32 $0xFFFFFC00  }
0x5e2: {  	_ =	swait.ge [sflag:s8], $0x400  }
0x5e3: {  	[sflag:s8] =	ssyncset.done $0x0  }
0x5e4: {  	[sflag:s8] =	ssyncadd.s32 $0xFFFFFC00  }
0x5e5: {  	_ =	swait.ge [sflag:s8], $0x400  }
0x5e6: {  	[sflag:s8] =	ssyncset.done $0x0  }
0x5e7: {  	[sflag:s8] =	ssyncadd.s32 $0xFFFFFC00  }
0x5e8: {  	_ =	swait.ge [sflag:s8], $0x400  }
0x5e9: {  	[sflag:s8] =	ssyncset.done $0x0  }
0x5ea: {  	[sflag:s8] =	ssyncadd.s32 $0xFFFFFC00  }
0x5eb: {  	_ =	swait.ge [sflag:s8], $0x400  }
0x5ec: {  	[sflag:s8] =	ssyncset.done $0x0  }
0x5ed: {  	[sflag:s8] =	ssyncadd.s32 $0xFFFFFC00  }
0x5ee: {  	_ =	swait.ge [sflag:s8], $0x400  }
0x5ef: {  	[sflag:s8] =	ssyncset.done $0x0  }
0x5f0: {  	[sflag:s8] =	ssyncadd.s32 $0xFFFFFC00  }
0x5f1: {  	_ =	swait.ge [sflag:s8], $0x400  }
0x5f2: {  	[sflag:s8] =	ssyncset.done $0x0  }
0x5f3: {  	[sflag:s8] =	ssyncadd.s32 $0xFFFFFC00  }
0x5f4: {  	_ =	swait.ge [sflag:s8], $0x400  }
0x5f5: {  	[sflag:s8] =	ssyncset.done $0x0  }
0x5f6: {  	[sflag:s8] =	ssyncadd.s32 $0xFFFFFC00  }
0x5f7: {  	_ =	swait.ge [sflag:s8], $0x400  }
0x5f8: {  	[sflag:s8] =	ssyncset.done $0x0  }
0x5f9: {  	s11 =	simm.s32 $0x0;
	[sflag:s8] =	ssyncadd.s32 $0xFFFFFC00  }
0x5fa: {  	v62 =	vld [tilespmem:s11+$0x120];
	_ =	sdelay $0x4  }
0x5fb: {  	(v2sf) =	vpush v62, $0x0;
	_ =	sdelay $0xe  }
0x5fc: {  	s31 =	spop (v2sf)  }
0x5fd: {  	s12 =	sand.u32 $0x7, s31  }
0x5fe: {  	s12 =	sshll.u32 s12, $0x7  }
0x5ff: {  	s13 =	sadd.s32 $0x510, s12  }
0x600: {  	v63 =	vld [tilespmem:s13+$0xFFFFFFF0];
	_ =	sdelay $0x3  }
0x601: {  	s12 =	simm.s32 $0x11500  }
0x602: {  	[tilespmem:s12+$0x0] =	vst v63  }
0x603: {  	v0 =	vld [tilespmem:s13+$0x0];
	_ =	sdelay $0x4  }
0x604: {  	s15 =	simm.s32 $0x1;
	s14 =	simm.s32 $0x8;
	s13 =	simm.s32 $0x510;
	[tilespmem:s12+$0x10] =	vst v0  }
.LBB2_42:
0x605: {  	p0 =	sne.s32 s14, $0x7C;
	v0 =	vld [tilespmem:s15+$0x120];
	_ =	sdelay $0x4  }
0x606: {  	(v2sf) =	vpush v0, $0x0;
	_ =	sdelay $0xe  }
0x607: {  	s15 =	spop (v2sf)  }
0x608: {  	s15 =	sand.u32 $0x7, s15  }
0x609: {  	s13 =	sadd.s32 $0x400, s13;
	s15 =	sshll.u32 s15, $0x7  }
0x60a: {  	s15 =	sadd.s32 s15, s13  }
0x60b: {  	v0 =	vld [tilespmem:s15+$0xFFFFFFF0];
	_ =	sdelay $0x3  }
0x60c: {  	s12 =	sadd.s32 $0x80, s12  }
0x60d: {  	[tilespmem:s12+$0x0] =	vst v0  }
0x60e: {  	v0 =	vld [tilespmem:s15+$0x0]  }
.Ltmp20:
0x60f: {  	(pc) =	sbr.rel @p0 .LBB2_42-.Ltmp20, $2  }
0x610: {  	_ =	sdelay $0x2  }
0x611: {  	s15 =	sshra.s32 s14, $0x2;
	s14 =	sadd.s32 $0x4, s14;
	[tilespmem:s12+$0x10] =	vst v0  }
0x612: {  	v0 =	vld [tilespmem:s15+$0x120];
	_ =	sdelay $0x4  }
0x613: {  	(v2sf) =	vpush v0, $0x0;
	_ =	sdelay $0xe  }
0x614: {  	s14 =	spop (v2sf)  }
0x615: {  	s14 =	sand.u32 $0x7, s14  }
0x616: {  	s13 =	sadd.s32 $0x400, s13;
	s14 =	sshll.u32 s14, $0x7  }
0x617: {  	s13 =	sadd.s32 s14, s13  }
0x618: {  	v0 =	vld [tilespmem:s13+$0xFFFFFFF0];
	_ =	sdelay $0x3  }
0x619: {  	s12 =	sadd.s32 $0x80, s12  }
0x61a: {  	[tilespmem:s12+$0x0] =	vst v0  }
0x61b: {  	v0 =	vld [tilespmem:s13+$0x0];
	_ =	sdelay $0x4  }
0x61c: {  	[tilespmem:s12+$0x10] =	vst v0  }
0x61d: {  	v0 =	vld [tilespmem:s11+$0x3C0];
	_ =	sdelay $0x4  }
0x61e: {  	(v2sf) =	vpush v0, $0x0;
	_ =	sdelay $0xe  }
0x61f: {  	s29 =	spop (v2sf)  }
0x620: {  	s11 =	sshll.u32 s29, $0x4  }
0x621: {  	s30 =	sand.u32 $0xFFFFF80, s11  }
0x622: {  	s31 =	simm.s32 $0x1;
	s11 =	simm.s32 $0x500;
	s12 =	sadd.s32 s3, s30  }
0x623: {  	[tilespmem:s11], [sflag:$0x1] =	stream.linear.gather [hbm4b:s12+s2], $0x400, $0x38;
	[tilespmem:$0x18500] =	vst v63  }
0x624: {  	s12 =	simm.s32 $0x8;
	v0 =	vld [tilespmem:s31+$0x3C0]  }
.LBB2_44:
0x625: {  	p0 =	sne.s32 s12, $0x7C;
	_ =	sdelay $0x3  }
0x626: {  	(v2sf) =	vpush v0, $0x0;
	_ =	sdelay $0xe  }
0x627: {  	s13 =	spop (v2sf)  }
.Ltmp21:
0x628: {  	s13 =	sshll.u32 s13, $0x4;
	(pc) =	sbr.rel @p0 .LBB2_44-.Ltmp21, $4  }
0x629: {  	s13 =	sand.u32 $0xFFFFF80, s13  }
0x62a: {  	s14 =	sshra.s32 s12, $0x2;
	s11 =	sadd.s32 $0x400, s11;
	s13 =	sadd.s32 s3, s13  }
0x62b: {  	[tilespmem:s11], [sflag:$0x1] =	stream.linear.gather [hbm4b:s13+s2], $0x400, $0x38;
	[tilespmem:$0x18500] =	vst v63  }
0x62c: {  	s12 =	sadd.s32 $0x4, s12;
	v0 =	vld [tilespmem:s14+$0x3C0]  }
0x62d: {  	_ =	sdelay $0x3  }
0x62e: {  	(v2sf) =	vpush v0, $0x0;
	_ =	sdelay $0xe  }
0x62f: {  	s12 =	spop (v2sf)  }
0x630: {  	s12 =	sshll.u32 s12, $0x4  }
0x631: {  	s12 =	sand.u32 $0xFFFFF80, s12  }
0x632: {  	s11 =	sadd.s32 $0x400, s11;
	s12 =	sadd.s32 s3, s12  }
0x633: {  	[tilespmem:s11], [sflag:$0x1] =	stream.linear.gather [hbm4b:s12+s2], $0x400, $0x38;
	[tilespmem:$0x18500] =	vst v63  }
0x634: {  	_ =	swait.ge [sflag:s8], $0x400  }
0x635: {  	[sflag:s8] =	ssyncset.done $0x0  }
0x636: {  	[sflag:s8] =	ssyncadd.s32 $0xFFFFFC00  }
0x637: {  	_ =	swait.ge [sflag:s8], $0x400  }
0x638: {  	[sflag:s8] =	ssyncset.done $0x0  }
0x639: {  	[sflag:s8] =	ssyncadd.s32 $0xFFFFFC00  }
0x63a: {  	_ =	swait.ge [sflag:s8], $0x400  }
0x63b: {  	[sflag:s8] =	ssyncset.done $0x0  }
0x63c: {  	[sflag:s8] =	ssyncadd.s32 $0xFFFFFC00  }
0x63d: {  	_ =	swait.ge [sflag:s8], $0x400  }
0x63e: {  	[sflag:s8] =	ssyncset.done $0x0  }
0x63f: {  	[sflag:s8] =	ssyncadd.s32 $0xFFFFFC00  }
0x640: {  	_ =	swait.ge [sflag:s8], $0x400  }
0x641: {  	[sflag:s8] =	ssyncset.done $0x0  }
0x642: {  	[sflag:s8] =	ssyncadd.s32 $0xFFFFFC00  }
0x643: {  	_ =	swait.ge [sflag:s8], $0x400  }
0x644: {  	[sflag:s8] =	ssyncset.done $0x0  }
0x645: {  	[sflag:s8] =	ssyncadd.s32 $0xFFFFFC00  }
0x646: {  	_ =	swait.ge [sflag:s8], $0x400  }
0x647: {  	[sflag:s8] =	ssyncset.done $0x0  }
0x648: {  	[sflag:s8] =	ssyncadd.s32 $0xFFFFFC00  }
0x649: {  	_ =	swait.ge [sflag:s8], $0x400  }
0x64a: {  	[sflag:s8] =	ssyncset.done $0x0  }
0x64b: {  	[sflag:s8] =	ssyncadd.s32 $0xFFFFFC00  }
0x64c: {  	_ =	swait.ge [sflag:s8], $0x400  }
0x64d: {  	[sflag:s8] =	ssyncset.done $0x0  }
0x64e: {  	[sflag:s8] =	ssyncadd.s32 $0xFFFFFC00  }
0x64f: {  	_ =	swait.ge [sflag:s8], $0x400  }
0x650: {  	[sflag:s8] =	ssyncset.done $0x0  }
0x651: {  	[sflag:s8] =	ssyncadd.s32 $0xFFFFFC00  }
0x652: {  	_ =	swait.ge [sflag:s8], $0x400  }
0x653: {  	[sflag:s8] =	ssyncset.done $0x0  }
0x654: {  	[sflag:s8] =	ssyncadd.s32 $0xFFFFFC00  }
0x655: {  	_ =	swait.ge [sflag:s8], $0x400  }
0x656: {  	[sflag:s8] =	ssyncset.done $0x0  }
0x657: {  	[sflag:s8] =	ssyncadd.s32 $0xFFFFFC00  }
0x658: {  	_ =	swait.ge [sflag:s8], $0x400  }
0x659: {  	[sflag:s8] =	ssyncset.done $0x0  }
0x65a: {  	[sflag:s8] =	ssyncadd.s32 $0xFFFFFC00  }
0x65b: {  	_ =	swait.ge [sflag:s8], $0x400  }
0x65c: {  	[sflag:s8] =	ssyncset.done $0x0  }
0x65d: {  	[sflag:s8] =	ssyncadd.s32 $0xFFFFFC00  }
0x65e: {  	_ =	swait.ge [sflag:s8], $0x400  }
0x65f: {  	[sflag:s8] =	ssyncset.done $0x0  }
0x660: {  	[sflag:s8] =	ssyncadd.s32 $0xFFFFFC00  }
0x661: {  	_ =	swait.ge [sflag:s8], $0x400  }
0x662: {  	[sflag:s8] =	ssyncset.done $0x0  }
0x663: {  	[sflag:s8] =	ssyncadd.s32 $0xFFFFFC00  }
0x664: {  	_ =	swait.ge [sflag:s8], $0x400  }
0x665: {  	[sflag:s8] =	ssyncset.done $0x0  }
0x666: {  	[sflag:s8] =	ssyncadd.s32 $0xFFFFFC00  }
0x667: {  	_ =	swait.ge [sflag:s8], $0x400  }
0x668: {  	[sflag:s8] =	ssyncset.done $0x0  }
0x669: {  	[sflag:s8] =	ssyncadd.s32 $0xFFFFFC00  }
0x66a: {  	_ =	swait.ge [sflag:s8], $0x400  }
0x66b: {  	[sflag:s8] =	ssyncset.done $0x0  }
0x66c: {  	[sflag:s8] =	ssyncadd.s32 $0xFFFFFC00  }
0x66d: {  	_ =	swait.ge [sflag:s8], $0x400  }
0x66e: {  	[sflag:s8] =	ssyncset.done $0x0  }
0x66f: {  	[sflag:s8] =	ssyncadd.s32 $0xFFFFFC00  }
0x670: {  	_ =	swait.ge [sflag:s8], $0x400  }
0x671: {  	[sflag:s8] =	ssyncset.done $0x0  }
0x672: {  	[sflag:s8] =	ssyncadd.s32 $0xFFFFFC00  }
0x673: {  	_ =	swait.ge [sflag:s8], $0x400  }
0x674: {  	[sflag:s8] =	ssyncset.done $0x0  }
0x675: {  	[sflag:s8] =	ssyncadd.s32 $0xFFFFFC00  }
0x676: {  	_ =	swait.ge [sflag:s8], $0x400  }
0x677: {  	[sflag:s8] =	ssyncset.done $0x0  }
0x678: {  	[sflag:s8] =	ssyncadd.s32 $0xFFFFFC00  }
0x679: {  	_ =	swait.ge [sflag:s8], $0x400  }
0x67a: {  	[sflag:s8] =	ssyncset.done $0x0  }
0x67b: {  	[sflag:s8] =	ssyncadd.s32 $0xFFFFFC00  }
0x67c: {  	_ =	swait.ge [sflag:s8], $0x400  }
0x67d: {  	[sflag:s8] =	ssyncset.done $0x0  }
0x67e: {  	[sflag:s8] =	ssyncadd.s32 $0xFFFFFC00  }
0x67f: {  	_ =	swait.ge [sflag:s8], $0x400  }
0x680: {  	[sflag:s8] =	ssyncset.done $0x0  }
0x681: {  	[sflag:s8] =	ssyncadd.s32 $0xFFFFFC00  }
0x682: {  	_ =	swait.ge [sflag:s8], $0x400  }
0x683: {  	[sflag:s8] =	ssyncset.done $0x0  }
0x684: {  	[sflag:s8] =	ssyncadd.s32 $0xFFFFFC00  }
0x685: {  	_ =	swait.ge [sflag:s8], $0x400  }
0x686: {  	[sflag:s8] =	ssyncset.done $0x0  }
0x687: {  	[sflag:s8] =	ssyncadd.s32 $0xFFFFFC00  }
0x688: {  	_ =	swait.ge [sflag:s8], $0x400  }
0x689: {  	[sflag:s8] =	ssyncset.done $0x0  }
0x68a: {  	[sflag:s8] =	ssyncadd.s32 $0xFFFFFC00  }
0x68b: {  	_ =	swait.ge [sflag:s8], $0x400  }
0x68c: {  	[sflag:s8] =	ssyncset.done $0x0  }
0x68d: {  	[sflag:s8] =	ssyncadd.s32 $0xFFFFFC00  }
0x68e: {  	_ =	swait.ge [sflag:s8], $0x400  }
0x68f: {  	[sflag:s8] =	ssyncset.done $0x0  }
0x690: {  	[sflag:s8] =	ssyncadd.s32 $0xFFFFFC00  }
0x691: {  	_ =	swait.ge [sflag:s8], $0x400  }
0x692: {  	[sflag:s8] =	ssyncset.done $0x0  }
0x693: {  	s11 =	simm.s32 $0x0;
	[sflag:s8] =	ssyncadd.s32 $0xFFFFFC00  }
0x694: {  	v62 =	vld [tilespmem:s11+$0x140];
	_ =	sdelay $0x4  }
0x695: {  	(v2sf) =	vpush v62, $0x0;
	_ =	sdelay $0xe  }
0x696: {  	s31 =	spop (v2sf)  }
0x697: {  	s12 =	sand.u32 $0x7, s31  }
0x698: {  	s12 =	sshll.u32 s12, $0x7  }
0x699: {  	s13 =	sadd.s32 $0x510, s12  }
0x69a: {  	v63 =	vld [tilespmem:s13+$0xFFFFFFF0];
	_ =	sdelay $0x3  }
0x69b: {  	s12 =	simm.s32 $0x12500  }
0x69c: {  	[tilespmem:s12+$0x0] =	vst v63  }
0x69d: {  	v0 =	vld [tilespmem:s13+$0x0];
	_ =	sdelay $0x4  }
0x69e: {  	s15 =	simm.s32 $0x1;
	s14 =	simm.s32 $0x8;
	s13 =	simm.s32 $0x510;
	[tilespmem:s12+$0x10] =	vst v0  }
.LBB2_46:
0x69f: {  	p0 =	sne.s32 s14, $0x7C;
	v0 =	vld [tilespmem:s15+$0x140];
	_ =	sdelay $0x4  }
0x6a0: {  	(v2sf) =	vpush v0, $0x0;
	_ =	sdelay $0xe  }
0x6a1: {  	s15 =	spop (v2sf)  }
0x6a2: {  	s15 =	sand.u32 $0x7, s15  }
0x6a3: {  	s13 =	sadd.s32 $0x400, s13;
	s15 =	sshll.u32 s15, $0x7  }
0x6a4: {  	s15 =	sadd.s32 s15, s13  }
0x6a5: {  	v0 =	vld [tilespmem:s15+$0xFFFFFFF0];
	_ =	sdelay $0x3  }
0x6a6: {  	s12 =	sadd.s32 $0x80, s12  }
0x6a7: {  	[tilespmem:s12+$0x0] =	vst v0  }
0x6a8: {  	v0 =	vld [tilespmem:s15+$0x0]  }
.Ltmp22:
0x6a9: {  	(pc) =	sbr.rel @p0 .LBB2_46-.Ltmp22, $2  }
0x6aa: {  	_ =	sdelay $0x2  }
0x6ab: {  	s15 =	sshra.s32 s14, $0x2;
	s14 =	sadd.s32 $0x4, s14;
	[tilespmem:s12+$0x10] =	vst v0  }
0x6ac: {  	v0 =	vld [tilespmem:s15+$0x140];
	_ =	sdelay $0x4  }
0x6ad: {  	(v2sf) =	vpush v0, $0x0;
	_ =	sdelay $0xe  }
0x6ae: {  	s14 =	spop (v2sf)  }
0x6af: {  	s14 =	sand.u32 $0x7, s14  }
0x6b0: {  	s13 =	sadd.s32 $0x400, s13;
	s14 =	sshll.u32 s14, $0x7  }
0x6b1: {  	s13 =	sadd.s32 s14, s13  }
0x6b2: {  	v0 =	vld [tilespmem:s13+$0xFFFFFFF0];
	_ =	sdelay $0x3  }
0x6b3: {  	s12 =	sadd.s32 $0x80, s12  }
0x6b4: {  	[tilespmem:s12+$0x0] =	vst v0  }
0x6b5: {  	v0 =	vld [tilespmem:s13+$0x0];
	_ =	sdelay $0x4  }
0x6b6: {  	[tilespmem:s12+$0x10] =	vst v0  }
0x6b7: {  	v0 =	vld [tilespmem:s11+$0x3E0];
	_ =	sdelay $0x4  }
0x6b8: {  	(v2sf) =	vpush v0, $0x0;
	_ =	sdelay $0xe  }
0x6b9: {  	s29 =	spop (v2sf)  }
0x6ba: {  	s11 =	sshll.u32 s29, $0x4  }
0x6bb: {  	s30 =	sand.u32 $0xFFFFF80, s11  }
0x6bc: {  	s31 =	simm.s32 $0x1;
	s11 =	simm.s32 $0x500;
	s12 =	sadd.s32 s3, s30  }
0x6bd: {  	[tilespmem:s11], [sflag:$0x1] =	stream.linear.gather [hbm4b:s12+s2], $0x400, $0x38;
	[tilespmem:$0x18500] =	vst v63  }
0x6be: {  	s12 =	simm.s32 $0x8;
	v0 =	vld [tilespmem:s31+$0x3E0]  }
.LBB2_48:
0x6bf: {  	p0 =	sne.s32 s12, $0x7C;
	_ =	sdelay $0x3  }
0x6c0: {  	(v2sf) =	vpush v0, $0x0;
	_ =	sdelay $0xe  }
0x6c1: {  	s13 =	spop (v2sf)  }
.Ltmp23:
0x6c2: {  	s13 =	sshll.u32 s13, $0x4;
	(pc) =	sbr.rel @p0 .LBB2_48-.Ltmp23, $4  }
0x6c3: {  	s13 =	sand.u32 $0xFFFFF80, s13  }
0x6c4: {  	s14 =	sshra.s32 s12, $0x2;
	s11 =	sadd.s32 $0x400, s11;
	s13 =	sadd.s32 s3, s13  }
0x6c5: {  	[tilespmem:s11], [sflag:$0x1] =	stream.linear.gather [hbm4b:s13+s2], $0x400, $0x38;
	[tilespmem:$0x18500] =	vst v63  }
0x6c6: {  	s12 =	sadd.s32 $0x4, s12;
	v0 =	vld [tilespmem:s14+$0x3E0]  }
0x6c7: {  	_ =	sdelay $0x3  }
0x6c8: {  	(v2sf) =	vpush v0, $0x0;
	_ =	sdelay $0xe  }
0x6c9: {  	s12 =	spop (v2sf)  }
0x6ca: {  	s12 =	sshll.u32 s12, $0x4  }
0x6cb: {  	s12 =	sand.u32 $0xFFFFF80, s12  }
0x6cc: {  	s11 =	sadd.s32 $0x400, s11;
	s12 =	sadd.s32 s3, s12  }
0x6cd: {  	[tilespmem:s11], [sflag:$0x1] =	stream.linear.gather [hbm4b:s12+s2], $0x400, $0x38;
	[tilespmem:$0x18500] =	vst v63  }
0x6ce: {  	_ =	swait.ge [sflag:s8], $0x400  }
0x6cf: {  	[sflag:s8] =	ssyncset.done $0x0  }
0x6d0: {  	[sflag:s8] =	ssyncadd.s32 $0xFFFFFC00  }
0x6d1: {  	_ =	swait.ge [sflag:s8], $0x400  }
0x6d2: {  	[sflag:s8] =	ssyncset.done $0x0  }
0x6d3: {  	[sflag:s8] =	ssyncadd.s32 $0xFFFFFC00  }
0x6d4: {  	_ =	swait.ge [sflag:s8], $0x400  }
0x6d5: {  	[sflag:s8] =	ssyncset.done $0x0  }
0x6d6: {  	[sflag:s8] =	ssyncadd.s32 $0xFFFFFC00  }
0x6d7: {  	_ =	swait.ge [sflag:s8], $0x400  }
0x6d8: {  	[sflag:s8] =	ssyncset.done $0x0  }
0x6d9: {  	[sflag:s8] =	ssyncadd.s32 $0xFFFFFC00  }
0x6da: {  	_ =	swait.ge [sflag:s8], $0x400  }
0x6db: {  	[sflag:s8] =	ssyncset.done $0x0  }
0x6dc: {  	[sflag:s8] =	ssyncadd.s32 $0xFFFFFC00  }
0x6dd: {  	_ =	swait.ge [sflag:s8], $0x400  }
0x6de: {  	[sflag:s8] =	ssyncset.done $0x0  }
0x6df: {  	[sflag:s8] =	ssyncadd.s32 $0xFFFFFC00  }
0x6e0: {  	_ =	swait.ge [sflag:s8], $0x400  }
0x6e1: {  	[sflag:s8] =	ssyncset.done $0x0  }
0x6e2: {  	[sflag:s8] =	ssyncadd.s32 $0xFFFFFC00  }
0x6e3: {  	_ =	swait.ge [sflag:s8], $0x400  }
0x6e4: {  	[sflag:s8] =	ssyncset.done $0x0  }
0x6e5: {  	[sflag:s8] =	ssyncadd.s32 $0xFFFFFC00  }
0x6e6: {  	_ =	swait.ge [sflag:s8], $0x400  }
0x6e7: {  	[sflag:s8] =	ssyncset.done $0x0  }
0x6e8: {  	[sflag:s8] =	ssyncadd.s32 $0xFFFFFC00  }
0x6e9: {  	_ =	swait.ge [sflag:s8], $0x400  }
0x6ea: {  	[sflag:s8] =	ssyncset.done $0x0  }
0x6eb: {  	[sflag:s8] =	ssyncadd.s32 $0xFFFFFC00  }
0x6ec: {  	_ =	swait.ge [sflag:s8], $0x400  }
0x6ed: {  	[sflag:s8] =	ssyncset.done $0x0  }
0x6ee: {  	[sflag:s8] =	ssyncadd.s32 $0xFFFFFC00  }
0x6ef: {  	_ =	swait.ge [sflag:s8], $0x400  }
0x6f0: {  	[sflag:s8] =	ssyncset.done $0x0  }
0x6f1: {  	[sflag:s8] =	ssyncadd.s32 $0xFFFFFC00  }
0x6f2: {  	_ =	swait.ge [sflag:s8], $0x400  }
0x6f3: {  	[sflag:s8] =	ssyncset.done $0x0  }
0x6f4: {  	[sflag:s8] =	ssyncadd.s32 $0xFFFFFC00  }
0x6f5: {  	_ =	swait.ge [sflag:s8], $0x400  }
0x6f6: {  	[sflag:s8] =	ssyncset.done $0x0  }
0x6f7: {  	[sflag:s8] =	ssyncadd.s32 $0xFFFFFC00  }
0x6f8: {  	_ =	swait.ge [sflag:s8], $0x400  }
0x6f9: {  	[sflag:s8] =	ssyncset.done $0x0  }
0x6fa: {  	[sflag:s8] =	ssyncadd.s32 $0xFFFFFC00  }
0x6fb: {  	_ =	swait.ge [sflag:s8], $0x400  }
0x6fc: {  	[sflag:s8] =	ssyncset.done $0x0  }
0x6fd: {  	[sflag:s8] =	ssyncadd.s32 $0xFFFFFC00  }
0x6fe: {  	_ =	swait.ge [sflag:s8], $0x400  }
0x6ff: {  	[sflag:s8] =	ssyncset.done $0x0  }
0x700: {  	[sflag:s8] =	ssyncadd.s32 $0xFFFFFC00  }
0x701: {  	_ =	swait.ge [sflag:s8], $0x400  }
0x702: {  	[sflag:s8] =	ssyncset.done $0x0  }
0x703: {  	[sflag:s8] =	ssyncadd.s32 $0xFFFFFC00  }
0x704: {  	_ =	swait.ge [sflag:s8], $0x400  }
0x705: {  	[sflag:s8] =	ssyncset.done $0x0  }
0x706: {  	[sflag:s8] =	ssyncadd.s32 $0xFFFFFC00  }
0x707: {  	_ =	swait.ge [sflag:s8], $0x400  }
0x708: {  	[sflag:s8] =	ssyncset.done $0x0  }
0x709: {  	[sflag:s8] =	ssyncadd.s32 $0xFFFFFC00  }
0x70a: {  	_ =	swait.ge [sflag:s8], $0x400  }
0x70b: {  	[sflag:s8] =	ssyncset.done $0x0  }
0x70c: {  	[sflag:s8] =	ssyncadd.s32 $0xFFFFFC00  }
0x70d: {  	_ =	swait.ge [sflag:s8], $0x400  }
0x70e: {  	[sflag:s8] =	ssyncset.done $0x0  }
0x70f: {  	[sflag:s8] =	ssyncadd.s32 $0xFFFFFC00  }
0x710: {  	_ =	swait.ge [sflag:s8], $0x400  }
0x711: {  	[sflag:s8] =	ssyncset.done $0x0  }
0x712: {  	[sflag:s8] =	ssyncadd.s32 $0xFFFFFC00  }
0x713: {  	_ =	swait.ge [sflag:s8], $0x400  }
0x714: {  	[sflag:s8] =	ssyncset.done $0x0  }
0x715: {  	[sflag:s8] =	ssyncadd.s32 $0xFFFFFC00  }
0x716: {  	_ =	swait.ge [sflag:s8], $0x400  }
0x717: {  	[sflag:s8] =	ssyncset.done $0x0  }
0x718: {  	[sflag:s8] =	ssyncadd.s32 $0xFFFFFC00  }
0x719: {  	_ =	swait.ge [sflag:s8], $0x400  }
0x71a: {  	[sflag:s8] =	ssyncset.done $0x0  }
0x71b: {  	[sflag:s8] =	ssyncadd.s32 $0xFFFFFC00  }
0x71c: {  	_ =	swait.ge [sflag:s8], $0x400  }
0x71d: {  	[sflag:s8] =	ssyncset.done $0x0  }
0x71e: {  	[sflag:s8] =	ssyncadd.s32 $0xFFFFFC00  }
0x71f: {  	_ =	swait.ge [sflag:s8], $0x400  }
0x720: {  	[sflag:s8] =	ssyncset.done $0x0  }
0x721: {  	[sflag:s8] =	ssyncadd.s32 $0xFFFFFC00  }
0x722: {  	_ =	swait.ge [sflag:s8], $0x400  }
0x723: {  	[sflag:s8] =	ssyncset.done $0x0  }
0x724: {  	[sflag:s8] =	ssyncadd.s32 $0xFFFFFC00  }
0x725: {  	_ =	swait.ge [sflag:s8], $0x400  }
0x726: {  	[sflag:s8] =	ssyncset.done $0x0  }
0x727: {  	[sflag:s8] =	ssyncadd.s32 $0xFFFFFC00  }
0x728: {  	_ =	swait.ge [sflag:s8], $0x400  }
0x729: {  	[sflag:s8] =	ssyncset.done $0x0  }
0x72a: {  	[sflag:s8] =	ssyncadd.s32 $0xFFFFFC00  }
0x72b: {  	_ =	swait.ge [sflag:s8], $0x400  }
0x72c: {  	[sflag:s8] =	ssyncset.done $0x0  }
0x72d: {  	s11 =	simm.s32 $0x0;
	[sflag:s8] =	ssyncadd.s32 $0xFFFFFC00  }
0x72e: {  	v62 =	vld [tilespmem:s11+$0x160];
	_ =	sdelay $0x4  }
0x72f: {  	(v2sf) =	vpush v62, $0x0;
	_ =	sdelay $0xe  }
0x730: {  	s31 =	spop (v2sf)  }
0x731: {  	s12 =	sand.u32 $0x7, s31  }
0x732: {  	s12 =	sshll.u32 s12, $0x7  }
0x733: {  	s13 =	sadd.s32 $0x510, s12  }
0x734: {  	v63 =	vld [tilespmem:s13+$0xFFFFFFF0];
	_ =	sdelay $0x3  }
0x735: {  	s12 =	simm.s32 $0x13500  }
0x736: {  	[tilespmem:s12+$0x0] =	vst v63  }
0x737: {  	v0 =	vld [tilespmem:s13+$0x0];
	_ =	sdelay $0x4  }
0x738: {  	s15 =	simm.s32 $0x1;
	s14 =	simm.s32 $0x8;
	s13 =	simm.s32 $0x510;
	[tilespmem:s12+$0x10] =	vst v0  }
.LBB2_50:
0x739: {  	p0 =	sne.s32 s14, $0x7C;
	v0 =	vld [tilespmem:s15+$0x160];
	_ =	sdelay $0x4  }
0x73a: {  	(v2sf) =	vpush v0, $0x0;
	_ =	sdelay $0xe  }
0x73b: {  	s15 =	spop (v2sf)  }
0x73c: {  	s15 =	sand.u32 $0x7, s15  }
0x73d: {  	s13 =	sadd.s32 $0x400, s13;
	s15 =	sshll.u32 s15, $0x7  }
0x73e: {  	s15 =	sadd.s32 s15, s13  }
0x73f: {  	v0 =	vld [tilespmem:s15+$0xFFFFFFF0];
	_ =	sdelay $0x3  }
0x740: {  	s12 =	sadd.s32 $0x80, s12  }
0x741: {  	[tilespmem:s12+$0x0] =	vst v0  }
0x742: {  	v0 =	vld [tilespmem:s15+$0x0]  }
.Ltmp24:
0x743: {  	(pc) =	sbr.rel @p0 .LBB2_50-.Ltmp24, $2  }
0x744: {  	_ =	sdelay $0x2  }
0x745: {  	s15 =	sshra.s32 s14, $0x2;
	s14 =	sadd.s32 $0x4, s14;
	[tilespmem:s12+$0x10] =	vst v0  }
0x746: {  	v0 =	vld [tilespmem:s15+$0x160];
	_ =	sdelay $0x4  }
0x747: {  	(v2sf) =	vpush v0, $0x0;
	_ =	sdelay $0xe  }
0x748: {  	s14 =	spop (v2sf)  }
0x749: {  	s14 =	sand.u32 $0x7, s14  }
0x74a: {  	s13 =	sadd.s32 $0x400, s13;
	s14 =	sshll.u32 s14, $0x7  }
0x74b: {  	s13 =	sadd.s32 s14, s13  }
0x74c: {  	v0 =	vld [tilespmem:s13+$0xFFFFFFF0];
	_ =	sdelay $0x3  }
0x74d: {  	s12 =	sadd.s32 $0x80, s12  }
0x74e: {  	[tilespmem:s12+$0x0] =	vst v0  }
0x74f: {  	v0 =	vld [tilespmem:s13+$0x0];
	_ =	sdelay $0x4  }
0x750: {  	[tilespmem:s12+$0x10] =	vst v0  }
0x751: {  	v0 =	vld [tilespmem:s11+$0x400];
	_ =	sdelay $0x4  }
0x752: {  	(v2sf) =	vpush v0, $0x0;
	_ =	sdelay $0xe  }
0x753: {  	s29 =	spop (v2sf)  }
0x754: {  	s11 =	sshll.u32 s29, $0x4  }
0x755: {  	s30 =	sand.u32 $0xFFFFF80, s11  }
0x756: {  	s31 =	simm.s32 $0x1;
	s11 =	simm.s32 $0x500;
	s12 =	sadd.s32 s3, s30  }
0x757: {  	[tilespmem:s11], [sflag:$0x1] =	stream.linear.gather [hbm4b:s12+s2], $0x400, $0x38;
	[tilespmem:$0x18500] =	vst v63  }
0x758: {  	s12 =	simm.s32 $0x8;
	v0 =	vld [tilespmem:s31+$0x400]  }
.LBB2_52:
0x759: {  	p0 =	sne.s32 s12, $0x7C;
	_ =	sdelay $0x3  }
0x75a: {  	(v2sf) =	vpush v0, $0x0;
	_ =	sdelay $0xe  }
0x75b: {  	s13 =	spop (v2sf)  }
.Ltmp25:
0x75c: {  	s13 =	sshll.u32 s13, $0x4;
	(pc) =	sbr.rel @p0 .LBB2_52-.Ltmp25, $4  }
0x75d: {  	s13 =	sand.u32 $0xFFFFF80, s13  }
0x75e: {  	s14 =	sshra.s32 s12, $0x2;
	s11 =	sadd.s32 $0x400, s11;
	s13 =	sadd.s32 s3, s13  }
0x75f: {  	[tilespmem:s11], [sflag:$0x1] =	stream.linear.gather [hbm4b:s13+s2], $0x400, $0x38;
	[tilespmem:$0x18500] =	vst v63  }
0x760: {  	s12 =	sadd.s32 $0x4, s12;
	v0 =	vld [tilespmem:s14+$0x400]  }
0x761: {  	_ =	sdelay $0x3  }
0x762: {  	(v2sf) =	vpush v0, $0x0;
	_ =	sdelay $0xe  }
0x763: {  	s12 =	spop (v2sf)  }
0x764: {  	s12 =	sshll.u32 s12, $0x4  }
0x765: {  	s12 =	sand.u32 $0xFFFFF80, s12  }
0x766: {  	s11 =	sadd.s32 $0x400, s11;
	s12 =	sadd.s32 s3, s12  }
0x767: {  	[tilespmem:s11], [sflag:$0x1] =	stream.linear.gather [hbm4b:s12+s2], $0x400, $0x38;
	[tilespmem:$0x18500] =	vst v63  }
0x768: {  	_ =	swait.ge [sflag:s8], $0x400  }
0x769: {  	[sflag:s8] =	ssyncset.done $0x0  }
0x76a: {  	[sflag:s8] =	ssyncadd.s32 $0xFFFFFC00  }
0x76b: {  	_ =	swait.ge [sflag:s8], $0x400  }
0x76c: {  	[sflag:s8] =	ssyncset.done $0x0  }
0x76d: {  	[sflag:s8] =	ssyncadd.s32 $0xFFFFFC00  }
0x76e: {  	_ =	swait.ge [sflag:s8], $0x400  }
0x76f: {  	[sflag:s8] =	ssyncset.done $0x0  }
0x770: {  	[sflag:s8] =	ssyncadd.s32 $0xFFFFFC00  }
0x771: {  	_ =	swait.ge [sflag:s8], $0x400  }
0x772: {  	[sflag:s8] =	ssyncset.done $0x0  }
0x773: {  	[sflag:s8] =	ssyncadd.s32 $0xFFFFFC00  }
0x774: {  	_ =	swait.ge [sflag:s8], $0x400  }
0x775: {  	[sflag:s8] =	ssyncset.done $0x0  }
0x776: {  	[sflag:s8] =	ssyncadd.s32 $0xFFFFFC00  }
0x777: {  	_ =	swait.ge [sflag:s8], $0x400  }
0x778: {  	[sflag:s8] =	ssyncset.done $0x0  }
0x779: {  	[sflag:s8] =	ssyncadd.s32 $0xFFFFFC00  }
0x77a: {  	_ =	swait.ge [sflag:s8], $0x400  }
0x77b: {  	[sflag:s8] =	ssyncset.done $0x0  }
0x77c: {  	[sflag:s8] =	ssyncadd.s32 $0xFFFFFC00  }
0x77d: {  	_ =	swait.ge [sflag:s8], $0x400  }
0x77e: {  	[sflag:s8] =	ssyncset.done $0x0  }
0x77f: {  	[sflag:s8] =	ssyncadd.s32 $0xFFFFFC00  }
0x780: {  	_ =	swait.ge [sflag:s8], $0x400  }
0x781: {  	[sflag:s8] =	ssyncset.done $0x0  }
0x782: {  	[sflag:s8] =	ssyncadd.s32 $0xFFFFFC00  }
0x783: {  	_ =	swait.ge [sflag:s8], $0x400  }
0x784: {  	[sflag:s8] =	ssyncset.done $0x0  }
0x785: {  	[sflag:s8] =	ssyncadd.s32 $0xFFFFFC00  }
0x786: {  	_ =	swait.ge [sflag:s8], $0x400  }
0x787: {  	[sflag:s8] =	ssyncset.done $0x0  }
0x788: {  	[sflag:s8] =	ssyncadd.s32 $0xFFFFFC00  }
0x789: {  	_ =	swait.ge [sflag:s8], $0x400  }
0x78a: {  	[sflag:s8] =	ssyncset.done $0x0  }
0x78b: {  	[sflag:s8] =	ssyncadd.s32 $0xFFFFFC00  }
0x78c: {  	_ =	swait.ge [sflag:s8], $0x400  }
0x78d: {  	[sflag:s8] =	ssyncset.done $0x0  }
0x78e: {  	[sflag:s8] =	ssyncadd.s32 $0xFFFFFC00  }
0x78f: {  	_ =	swait.ge [sflag:s8], $0x400  }
0x790: {  	[sflag:s8] =	ssyncset.done $0x0  }
0x791: {  	[sflag:s8] =	ssyncadd.s32 $0xFFFFFC00  }
0x792: {  	_ =	swait.ge [sflag:s8], $0x400  }
0x793: {  	[sflag:s8] =	ssyncset.done $0x0  }
0x794: {  	[sflag:s8] =	ssyncadd.s32 $0xFFFFFC00  }
0x795: {  	_ =	swait.ge [sflag:s8], $0x400  }
0x796: {  	[sflag:s8] =	ssyncset.done $0x0  }
0x797: {  	[sflag:s8] =	ssyncadd.s32 $0xFFFFFC00  }
0x798: {  	_ =	swait.ge [sflag:s8], $0x400  }
0x799: {  	[sflag:s8] =	ssyncset.done $0x0  }
0x79a: {  	[sflag:s8] =	ssyncadd.s32 $0xFFFFFC00  }
0x79b: {  	_ =	swait.ge [sflag:s8], $0x400  }
0x79c: {  	[sflag:s8] =	ssyncset.done $0x0  }
0x79d: {  	[sflag:s8] =	ssyncadd.s32 $0xFFFFFC00  }
0x79e: {  	_ =	swait.ge [sflag:s8], $0x400  }
0x79f: {  	[sflag:s8] =	ssyncset.done $0x0  }
0x7a0: {  	[sflag:s8] =	ssyncadd.s32 $0xFFFFFC00  }
0x7a1: {  	_ =	swait.ge [sflag:s8], $0x400  }
0x7a2: {  	[sflag:s8] =	ssyncset.done $0x0  }
0x7a3: {  	[sflag:s8] =	ssyncadd.s32 $0xFFFFFC00  }
0x7a4: {  	_ =	swait.ge [sflag:s8], $0x400  }
0x7a5: {  	[sflag:s8] =	ssyncset.done $0x0  }
0x7a6: {  	[sflag:s8] =	ssyncadd.s32 $0xFFFFFC00  }
0x7a7: {  	_ =	swait.ge [sflag:s8], $0x400  }
0x7a8: {  	[sflag:s8] =	ssyncset.done $0x0  }
0x7a9: {  	[sflag:s8] =	ssyncadd.s32 $0xFFFFFC00  }
0x7aa: {  	_ =	swait.ge [sflag:s8], $0x400  }
0x7ab: {  	[sflag:s8] =	ssyncset.done $0x0  }
0x7ac: {  	[sflag:s8] =	ssyncadd.s32 $0xFFFFFC00  }
0x7ad: {  	_ =	swait.ge [sflag:s8], $0x400  }
0x7ae: {  	[sflag:s8] =	ssyncset.done $0x0  }
0x7af: {  	[sflag:s8] =	ssyncadd.s32 $0xFFFFFC00  }
0x7b0: {  	_ =	swait.ge [sflag:s8], $0x400  }
0x7b1: {  	[sflag:s8] =	ssyncset.done $0x0  }
0x7b2: {  	[sflag:s8] =	ssyncadd.s32 $0xFFFFFC00  }
0x7b3: {  	_ =	swait.ge [sflag:s8], $0x400  }
0x7b4: {  	[sflag:s8] =	ssyncset.done $0x0  }
0x7b5: {  	[sflag:s8] =	ssyncadd.s32 $0xFFFFFC00  }
0x7b6: {  	_ =	swait.ge [sflag:s8], $0x400  }
0x7b7: {  	[sflag:s8] =	ssyncset.done $0x0  }
0x7b8: {  	[sflag:s8] =	ssyncadd.s32 $0xFFFFFC00  }
0x7b9: {  	_ =	swait.ge [sflag:s8], $0x400  }
0x7ba: {  	[sflag:s8] =	ssyncset.done $0x0  }
0x7bb: {  	[sflag:s8] =	ssyncadd.s32 $0xFFFFFC00  }
0x7bc: {  	_ =	swait.ge [sflag:s8], $0x400  }
0x7bd: {  	[sflag:s8] =	ssyncset.done $0x0  }
0x7be: {  	[sflag:s8] =	ssyncadd.s32 $0xFFFFFC00  }
0x7bf: {  	_ =	swait.ge [sflag:s8], $0x400  }
0x7c0: {  	[sflag:s8] =	ssyncset.done $0x0  }
0x7c1: {  	[sflag:s8] =	ssyncadd.s32 $0xFFFFFC00  }
0x7c2: {  	_ =	swait.ge [sflag:s8], $0x400  }
0x7c3: {  	[sflag:s8] =	ssyncset.done $0x0  }
0x7c4: {  	[sflag:s8] =	ssyncadd.s32 $0xFFFFFC00  }
0x7c5: {  	_ =	swait.ge [sflag:s8], $0x400  }
0x7c6: {  	[sflag:s8] =	ssyncset.done $0x0  }
0x7c7: {  	s11 =	simm.s32 $0x0;
	[sflag:s8] =	ssyncadd.s32 $0xFFFFFC00  }
0x7c8: {  	v62 =	vld [tilespmem:s11+$0x180];
	_ =	sdelay $0x4  }
0x7c9: {  	(v2sf) =	vpush v62, $0x0;
	_ =	sdelay $0xe  }
0x7ca: {  	s31 =	spop (v2sf)  }
0x7cb: {  	s12 =	sand.u32 $0x7, s31  }
0x7cc: {  	s12 =	sshll.u32 s12, $0x7  }
0x7cd: {  	s13 =	sadd.s32 $0x510, s12  }
0x7ce: {  	v63 =	vld [tilespmem:s13+$0xFFFFFFF0];
	_ =	sdelay $0x3  }
0x7cf: {  	s12 =	simm.s32 $0x14500  }
0x7d0: {  	[tilespmem:s12+$0x0] =	vst v63  }
0x7d1: {  	v0 =	vld [tilespmem:s13+$0x0];
	_ =	sdelay $0x4  }
0x7d2: {  	s15 =	simm.s32 $0x1;
	s14 =	simm.s32 $0x8;
	s13 =	simm.s32 $0x510;
	[tilespmem:s12+$0x10] =	vst v0  }
.LBB2_54:
0x7d3: {  	p0 =	sne.s32 s14, $0x7C;
	v0 =	vld [tilespmem:s15+$0x180];
	_ =	sdelay $0x4  }
0x7d4: {  	(v2sf) =	vpush v0, $0x0;
	_ =	sdelay $0xe  }
0x7d5: {  	s15 =	spop (v2sf)  }
0x7d6: {  	s15 =	sand.u32 $0x7, s15  }
0x7d7: {  	s13 =	sadd.s32 $0x400, s13;
	s15 =	sshll.u32 s15, $0x7  }
0x7d8: {  	s15 =	sadd.s32 s15, s13  }
0x7d9: {  	v0 =	vld [tilespmem:s15+$0xFFFFFFF0];
	_ =	sdelay $0x3  }
0x7da: {  	s12 =	sadd.s32 $0x80, s12  }
0x7db: {  	[tilespmem:s12+$0x0] =	vst v0  }
0x7dc: {  	v0 =	vld [tilespmem:s15+$0x0]  }
.Ltmp26:
0x7dd: {  	(pc) =	sbr.rel @p0 .LBB2_54-.Ltmp26, $2  }
0x7de: {  	_ =	sdelay $0x2  }
0x7df: {  	s15 =	sshra.s32 s14, $0x2;
	s14 =	sadd.s32 $0x4, s14;
	[tilespmem:s12+$0x10] =	vst v0  }
0x7e0: {  	v0 =	vld [tilespmem:s15+$0x180];
	_ =	sdelay $0x4  }
0x7e1: {  	(v2sf) =	vpush v0, $0x0;
	_ =	sdelay $0xe  }
0x7e2: {  	s14 =	spop (v2sf)  }
0x7e3: {  	s14 =	sand.u32 $0x7, s14  }
0x7e4: {  	s13 =	sadd.s32 $0x400, s13;
	s14 =	sshll.u32 s14, $0x7  }
0x7e5: {  	s13 =	sadd.s32 s14, s13  }
0x7e6: {  	v0 =	vld [tilespmem:s13+$0xFFFFFFF0];
	_ =	sdelay $0x3  }
0x7e7: {  	s12 =	sadd.s32 $0x80, s12  }
0x7e8: {  	[tilespmem:s12+$0x0] =	vst v0  }
0x7e9: {  	v0 =	vld [tilespmem:s13+$0x0];
	_ =	sdelay $0x4  }
0x7ea: {  	[tilespmem:s12+$0x10] =	vst v0  }
0x7eb: {  	v0 =	vld [tilespmem:s11+$0x420];
	_ =	sdelay $0x4  }
0x7ec: {  	(v2sf) =	vpush v0, $0x0;
	_ =	sdelay $0xe  }
0x7ed: {  	s29 =	spop (v2sf)  }
0x7ee: {  	s11 =	sshll.u32 s29, $0x4  }
0x7ef: {  	s30 =	sand.u32 $0xFFFFF80, s11  }
0x7f0: {  	s31 =	simm.s32 $0x1;
	s11 =	simm.s32 $0x500;
	s12 =	sadd.s32 s3, s30  }
0x7f1: {  	[tilespmem:s11], [sflag:$0x1] =	stream.linear.gather [hbm4b:s12+s2], $0x400, $0x38;
	[tilespmem:$0x18500] =	vst v63  }
0x7f2: {  	s12 =	simm.s32 $0x8;
	v0 =	vld [tilespmem:s31+$0x420]  }
.LBB2_56:
0x7f3: {  	p0 =	sne.s32 s12, $0x7C;
	_ =	sdelay $0x3  }
0x7f4: {  	(v2sf) =	vpush v0, $0x0;
	_ =	sdelay $0xe  }
0x7f5: {  	s13 =	spop (v2sf)  }
.Ltmp27:
0x7f6: {  	s13 =	sshll.u32 s13, $0x4;
	(pc) =	sbr.rel @p0 .LBB2_56-.Ltmp27, $4  }
0x7f7: {  	s13 =	sand.u32 $0xFFFFF80, s13  }
0x7f8: {  	s14 =	sshra.s32 s12, $0x2;
	s11 =	sadd.s32 $0x400, s11;
	s13 =	sadd.s32 s3, s13  }
0x7f9: {  	[tilespmem:s11], [sflag:$0x1] =	stream.linear.gather [hbm4b:s13+s2], $0x400, $0x38;
	[tilespmem:$0x18500] =	vst v63  }
0x7fa: {  	s12 =	sadd.s32 $0x4, s12;
	v0 =	vld [tilespmem:s14+$0x420]  }
0x7fb: {  	_ =	sdelay $0x3  }
0x7fc: {  	(v2sf) =	vpush v0, $0x0;
	_ =	sdelay $0xe  }
0x7fd: {  	s12 =	spop (v2sf)  }
0x7fe: {  	s12 =	sshll.u32 s12, $0x4  }
0x7ff: {  	s12 =	sand.u32 $0xFFFFF80, s12  }
0x800: {  	s11 =	sadd.s32 $0x400, s11;
	s12 =	sadd.s32 s3, s12  }
0x801: {  	[tilespmem:s11], [sflag:$0x1] =	stream.linear.gather [hbm4b:s12+s2], $0x400, $0x38;
	[tilespmem:$0x18500] =	vst v63  }
0x802: {  	_ =	swait.ge [sflag:s8], $0x400  }
0x803: {  	[sflag:s8] =	ssyncset.done $0x0  }
0x804: {  	[sflag:s8] =	ssyncadd.s32 $0xFFFFFC00  }
0x805: {  	_ =	swait.ge [sflag:s8], $0x400  }
0x806: {  	[sflag:s8] =	ssyncset.done $0x0  }
0x807: {  	[sflag:s8] =	ssyncadd.s32 $0xFFFFFC00  }
0x808: {  	_ =	swait.ge [sflag:s8], $0x400  }
0x809: {  	[sflag:s8] =	ssyncset.done $0x0  }
0x80a: {  	[sflag:s8] =	ssyncadd.s32 $0xFFFFFC00  }
0x80b: {  	_ =	swait.ge [sflag:s8], $0x400  }
0x80c: {  	[sflag:s8] =	ssyncset.done $0x0  }
0x80d: {  	[sflag:s8] =	ssyncadd.s32 $0xFFFFFC00  }
0x80e: {  	_ =	swait.ge [sflag:s8], $0x400  }
0x80f: {  	[sflag:s8] =	ssyncset.done $0x0  }
0x810: {  	[sflag:s8] =	ssyncadd.s32 $0xFFFFFC00  }
0x811: {  	_ =	swait.ge [sflag:s8], $0x400  }
0x812: {  	[sflag:s8] =	ssyncset.done $0x0  }
0x813: {  	[sflag:s8] =	ssyncadd.s32 $0xFFFFFC00  }
0x814: {  	_ =	swait.ge [sflag:s8], $0x400  }
0x815: {  	[sflag:s8] =	ssyncset.done $0x0  }
0x816: {  	[sflag:s8] =	ssyncadd.s32 $0xFFFFFC00  }
0x817: {  	_ =	swait.ge [sflag:s8], $0x400  }
0x818: {  	[sflag:s8] =	ssyncset.done $0x0  }
0x819: {  	[sflag:s8] =	ssyncadd.s32 $0xFFFFFC00  }
0x81a: {  	_ =	swait.ge [sflag:s8], $0x400  }
0x81b: {  	[sflag:s8] =	ssyncset.done $0x0  }
0x81c: {  	[sflag:s8] =	ssyncadd.s32 $0xFFFFFC00  }
0x81d: {  	_ =	swait.ge [sflag:s8], $0x400  }
0x81e: {  	[sflag:s8] =	ssyncset.done $0x0  }
0x81f: {  	[sflag:s8] =	ssyncadd.s32 $0xFFFFFC00  }
0x820: {  	_ =	swait.ge [sflag:s8], $0x400  }
0x821: {  	[sflag:s8] =	ssyncset.done $0x0  }
0x822: {  	[sflag:s8] =	ssyncadd.s32 $0xFFFFFC00  }
0x823: {  	_ =	swait.ge [sflag:s8], $0x400  }
0x824: {  	[sflag:s8] =	ssyncset.done $0x0  }
0x825: {  	[sflag:s8] =	ssyncadd.s32 $0xFFFFFC00  }
0x826: {  	_ =	swait.ge [sflag:s8], $0x400  }
0x827: {  	[sflag:s8] =	ssyncset.done $0x0  }
0x828: {  	[sflag:s8] =	ssyncadd.s32 $0xFFFFFC00  }
0x829: {  	_ =	swait.ge [sflag:s8], $0x400  }
0x82a: {  	[sflag:s8] =	ssyncset.done $0x0  }
0x82b: {  	[sflag:s8] =	ssyncadd.s32 $0xFFFFFC00  }
0x82c: {  	_ =	swait.ge [sflag:s8], $0x400  }
0x82d: {  	[sflag:s8] =	ssyncset.done $0x0  }
0x82e: {  	[sflag:s8] =	ssyncadd.s32 $0xFFFFFC00  }
0x82f: {  	_ =	swait.ge [sflag:s8], $0x400  }
0x830: {  	[sflag:s8] =	ssyncset.done $0x0  }
0x831: {  	[sflag:s8] =	ssyncadd.s32 $0xFFFFFC00  }
0x832: {  	_ =	swait.ge [sflag:s8], $0x400  }
0x833: {  	[sflag:s8] =	ssyncset.done $0x0  }
0x834: {  	[sflag:s8] =	ssyncadd.s32 $0xFFFFFC00  }
0x835: {  	_ =	swait.ge [sflag:s8], $0x400  }
0x836: {  	[sflag:s8] =	ssyncset.done $0x0  }
0x837: {  	[sflag:s8] =	ssyncadd.s32 $0xFFFFFC00  }
0x838: {  	_ =	swait.ge [sflag:s8], $0x400  }
0x839: {  	[sflag:s8] =	ssyncset.done $0x0  }
0x83a: {  	[sflag:s8] =	ssyncadd.s32 $0xFFFFFC00  }
0x83b: {  	_ =	swait.ge [sflag:s8], $0x400  }
0x83c: {  	[sflag:s8] =	ssyncset.done $0x0  }
0x83d: {  	[sflag:s8] =	ssyncadd.s32 $0xFFFFFC00  }
0x83e: {  	_ =	swait.ge [sflag:s8], $0x400  }
0x83f: {  	[sflag:s8] =	ssyncset.done $0x0  }
0x840: {  	[sflag:s8] =	ssyncadd.s32 $0xFFFFFC00  }
0x841: {  	_ =	swait.ge [sflag:s8], $0x400  }
0x842: {  	[sflag:s8] =	ssyncset.done $0x0  }
0x843: {  	[sflag:s8] =	ssyncadd.s32 $0xFFFFFC00  }
0x844: {  	_ =	swait.ge [sflag:s8], $0x400  }
0x845: {  	[sflag:s8] =	ssyncset.done $0x0  }
0x846: {  	[sflag:s8] =	ssyncadd.s32 $0xFFFFFC00  }
0x847: {  	_ =	swait.ge [sflag:s8], $0x400  }
0x848: {  	[sflag:s8] =	ssyncset.done $0x0  }
0x849: {  	[sflag:s8] =	ssyncadd.s32 $0xFFFFFC00  }
0x84a: {  	_ =	swait.ge [sflag:s8], $0x400  }
0x84b: {  	[sflag:s8] =	ssyncset.done $0x0  }
0x84c: {  	[sflag:s8] =	ssyncadd.s32 $0xFFFFFC00  }
0x84d: {  	_ =	swait.ge [sflag:s8], $0x400  }
0x84e: {  	[sflag:s8] =	ssyncset.done $0x0  }
0x84f: {  	[sflag:s8] =	ssyncadd.s32 $0xFFFFFC00  }
0x850: {  	_ =	swait.ge [sflag:s8], $0x400  }
0x851: {  	[sflag:s8] =	ssyncset.done $0x0  }
0x852: {  	[sflag:s8] =	ssyncadd.s32 $0xFFFFFC00  }
0x853: {  	_ =	swait.ge [sflag:s8], $0x400  }
0x854: {  	[sflag:s8] =	ssyncset.done $0x0  }
0x855: {  	[sflag:s8] =	ssyncadd.s32 $0xFFFFFC00  }
0x856: {  	_ =	swait.ge [sflag:s8], $0x400  }
0x857: {  	[sflag:s8] =	ssyncset.done $0x0  }
0x858: {  	[sflag:s8] =	ssyncadd.s32 $0xFFFFFC00  }
0x859: {  	_ =	swait.ge [sflag:s8], $0x400  }
0x85a: {  	[sflag:s8] =	ssyncset.done $0x0  }
0x85b: {  	[sflag:s8] =	ssyncadd.s32 $0xFFFFFC00  }
0x85c: {  	_ =	swait.ge [sflag:s8], $0x400  }
0x85d: {  	[sflag:s8] =	ssyncset.done $0x0  }
0x85e: {  	[sflag:s8] =	ssyncadd.s32 $0xFFFFFC00  }
0x85f: {  	_ =	swait.ge [sflag:s8], $0x400  }
0x860: {  	[sflag:s8] =	ssyncset.done $0x0  }
0x861: {  	s11 =	simm.s32 $0x0;
	[sflag:s8] =	ssyncadd.s32 $0xFFFFFC00  }
0x862: {  	v62 =	vld [tilespmem:s11+$0x1A0];
	_ =	sdelay $0x4  }
0x863: {  	(v2sf) =	vpush v62, $0x0;
	_ =	sdelay $0xe  }
0x864: {  	s31 =	spop (v2sf)  }
0x865: {  	s12 =	sand.u32 $0x7, s31  }
0x866: {  	s12 =	sshll.u32 s12, $0x7  }
0x867: {  	s13 =	sadd.s32 $0x510, s12  }
0x868: {  	v63 =	vld [tilespmem:s13+$0xFFFFFFF0];
	_ =	sdelay $0x3  }
0x869: {  	s12 =	simm.s32 $0x15500  }
0x86a: {  	[tilespmem:s12+$0x0] =	vst v63  }
0x86b: {  	v0 =	vld [tilespmem:s13+$0x0];
	_ =	sdelay $0x4  }
0x86c: {  	s15 =	simm.s32 $0x1;
	s14 =	simm.s32 $0x8;
	s13 =	simm.s32 $0x510;
	[tilespmem:s12+$0x10] =	vst v0  }
.LBB2_58:
0x86d: {  	p0 =	sne.s32 s14, $0x7C;
	v0 =	vld [tilespmem:s15+$0x1A0];
	_ =	sdelay $0x4  }
0x86e: {  	(v2sf) =	vpush v0, $0x0;
	_ =	sdelay $0xe  }
0x86f: {  	s15 =	spop (v2sf)  }
0x870: {  	s15 =	sand.u32 $0x7, s15  }
0x871: {  	s13 =	sadd.s32 $0x400, s13;
	s15 =	sshll.u32 s15, $0x7  }
0x872: {  	s15 =	sadd.s32 s15, s13  }
0x873: {  	v0 =	vld [tilespmem:s15+$0xFFFFFFF0];
	_ =	sdelay $0x3  }
0x874: {  	s12 =	sadd.s32 $0x80, s12  }
0x875: {  	[tilespmem:s12+$0x0] =	vst v0  }
0x876: {  	v0 =	vld [tilespmem:s15+$0x0]  }
.Ltmp28:
0x877: {  	(pc) =	sbr.rel @p0 .LBB2_58-.Ltmp28, $2  }
0x878: {  	_ =	sdelay $0x2  }
0x879: {  	s15 =	sshra.s32 s14, $0x2;
	s14 =	sadd.s32 $0x4, s14;
	[tilespmem:s12+$0x10] =	vst v0  }
0x87a: {  	v0 =	vld [tilespmem:s15+$0x1A0];
	_ =	sdelay $0x4  }
0x87b: {  	(v2sf) =	vpush v0, $0x0;
	_ =	sdelay $0xe  }
0x87c: {  	s14 =	spop (v2sf)  }
0x87d: {  	s14 =	sand.u32 $0x7, s14  }
0x87e: {  	s13 =	sadd.s32 $0x400, s13;
	s14 =	sshll.u32 s14, $0x7  }
0x87f: {  	s13 =	sadd.s32 s14, s13  }
0x880: {  	v0 =	vld [tilespmem:s13+$0xFFFFFFF0];
	_ =	sdelay $0x3  }
0x881: {  	s12 =	sadd.s32 $0x80, s12  }
0x882: {  	[tilespmem:s12+$0x0] =	vst v0  }
0x883: {  	v0 =	vld [tilespmem:s13+$0x0];
	_ =	sdelay $0x4  }
0x884: {  	[tilespmem:s12+$0x10] =	vst v0  }
0x885: {  	v0 =	vld [tilespmem:s11+$0x440];
	_ =	sdelay $0x4  }
0x886: {  	(v2sf) =	vpush v0, $0x0;
	_ =	sdelay $0xe  }
0x887: {  	s29 =	spop (v2sf)  }
0x888: {  	s11 =	sshll.u32 s29, $0x4  }
0x889: {  	s30 =	sand.u32 $0xFFFFF80, s11  }
0x88a: {  	s31 =	simm.s32 $0x1;
	s11 =	simm.s32 $0x500;
	s12 =	sadd.s32 s3, s30  }
0x88b: {  	[tilespmem:s11], [sflag:$0x1] =	stream.linear.gather [hbm4b:s12+s2], $0x400, $0x38;
	[tilespmem:$0x18500] =	vst v63  }
0x88c: {  	s12 =	simm.s32 $0x8;
	v0 =	vld [tilespmem:s31+$0x440]  }
.LBB2_60:
0x88d: {  	p0 =	sne.s32 s12, $0x7C;
	_ =	sdelay $0x3  }
0x88e: {  	(v2sf) =	vpush v0, $0x0;
	_ =	sdelay $0xe  }
0x88f: {  	s13 =	spop (v2sf)  }
.Ltmp29:
0x890: {  	s13 =	sshll.u32 s13, $0x4;
	(pc) =	sbr.rel @p0 .LBB2_60-.Ltmp29, $4  }
0x891: {  	s13 =	sand.u32 $0xFFFFF80, s13  }
0x892: {  	s14 =	sshra.s32 s12, $0x2;
	s11 =	sadd.s32 $0x400, s11;
	s13 =	sadd.s32 s3, s13  }
0x893: {  	[tilespmem:s11], [sflag:$0x1] =	stream.linear.gather [hbm4b:s13+s2], $0x400, $0x38;
	[tilespmem:$0x18500] =	vst v63  }
0x894: {  	s12 =	sadd.s32 $0x4, s12;
	v0 =	vld [tilespmem:s14+$0x440]  }
0x895: {  	_ =	sdelay $0x3  }
0x896: {  	(v2sf) =	vpush v0, $0x0;
	_ =	sdelay $0xe  }
0x897: {  	s12 =	spop (v2sf)  }
0x898: {  	s12 =	sshll.u32 s12, $0x4  }
0x899: {  	s12 =	sand.u32 $0xFFFFF80, s12  }
0x89a: {  	s11 =	sadd.s32 $0x400, s11;
	s12 =	sadd.s32 s3, s12  }
0x89b: {  	[tilespmem:s11], [sflag:$0x1] =	stream.linear.gather [hbm4b:s12+s2], $0x400, $0x38;
	[tilespmem:$0x18500] =	vst v63  }
0x89c: {  	_ =	swait.ge [sflag:s8], $0x400  }
0x89d: {  	[sflag:s8] =	ssyncset.done $0x0  }
0x89e: {  	[sflag:s8] =	ssyncadd.s32 $0xFFFFFC00  }
0x89f: {  	_ =	swait.ge [sflag:s8], $0x400  }
0x8a0: {  	[sflag:s8] =	ssyncset.done $0x0  }
0x8a1: {  	[sflag:s8] =	ssyncadd.s32 $0xFFFFFC00  }
0x8a2: {  	_ =	swait.ge [sflag:s8], $0x400  }
0x8a3: {  	[sflag:s8] =	ssyncset.done $0x0  }
0x8a4: {  	[sflag:s8] =	ssyncadd.s32 $0xFFFFFC00  }
0x8a5: {  	_ =	swait.ge [sflag:s8], $0x400  }
0x8a6: {  	[sflag:s8] =	ssyncset.done $0x0  }
0x8a7: {  	[sflag:s8] =	ssyncadd.s32 $0xFFFFFC00  }
0x8a8: {  	_ =	swait.ge [sflag:s8], $0x400  }
0x8a9: {  	[sflag:s8] =	ssyncset.done $0x0  }
0x8aa: {  	[sflag:s8] =	ssyncadd.s32 $0xFFFFFC00  }
0x8ab: {  	_ =	swait.ge [sflag:s8], $0x400  }
0x8ac: {  	[sflag:s8] =	ssyncset.done $0x0  }
0x8ad: {  	[sflag:s8] =	ssyncadd.s32 $0xFFFFFC00  }
0x8ae: {  	_ =	swait.ge [sflag:s8], $0x400  }
0x8af: {  	[sflag:s8] =	ssyncset.done $0x0  }
0x8b0: {  	[sflag:s8] =	ssyncadd.s32 $0xFFFFFC00  }
0x8b1: {  	_ =	swait.ge [sflag:s8], $0x400  }
0x8b2: {  	[sflag:s8] =	ssyncset.done $0x0  }
0x8b3: {  	[sflag:s8] =	ssyncadd.s32 $0xFFFFFC00  }
0x8b4: {  	_ =	swait.ge [sflag:s8], $0x400  }
0x8b5: {  	[sflag:s8] =	ssyncset.done $0x0  }
0x8b6: {  	[sflag:s8] =	ssyncadd.s32 $0xFFFFFC00  }
0x8b7: {  	_ =	swait.ge [sflag:s8], $0x400  }
0x8b8: {  	[sflag:s8] =	ssyncset.done $0x0  }
0x8b9: {  	[sflag:s8] =	ssyncadd.s32 $0xFFFFFC00  }
0x8ba: {  	_ =	swait.ge [sflag:s8], $0x400  }
0x8bb: {  	[sflag:s8] =	ssyncset.done $0x0  }
0x8bc: {  	[sflag:s8] =	ssyncadd.s32 $0xFFFFFC00  }
0x8bd: {  	_ =	swait.ge [sflag:s8], $0x400  }
0x8be: {  	[sflag:s8] =	ssyncset.done $0x0  }
0x8bf: {  	[sflag:s8] =	ssyncadd.s32 $0xFFFFFC00  }
0x8c0: {  	_ =	swait.ge [sflag:s8], $0x400  }
0x8c1: {  	[sflag:s8] =	ssyncset.done $0x0  }
0x8c2: {  	[sflag:s8] =	ssyncadd.s32 $0xFFFFFC00  }
0x8c3: {  	_ =	swait.ge [sflag:s8], $0x400  }
0x8c4: {  	[sflag:s8] =	ssyncset.done $0x0  }
0x8c5: {  	[sflag:s8] =	ssyncadd.s32 $0xFFFFFC00  }
0x8c6: {  	_ =	swait.ge [sflag:s8], $0x400  }
0x8c7: {  	[sflag:s8] =	ssyncset.done $0x0  }
0x8c8: {  	[sflag:s8] =	ssyncadd.s32 $0xFFFFFC00  }
0x8c9: {  	_ =	swait.ge [sflag:s8], $0x400  }
0x8ca: {  	[sflag:s8] =	ssyncset.done $0x0  }
0x8cb: {  	[sflag:s8] =	ssyncadd.s32 $0xFFFFFC00  }
0x8cc: {  	_ =	swait.ge [sflag:s8], $0x400  }
0x8cd: {  	[sflag:s8] =	ssyncset.done $0x0  }
0x8ce: {  	[sflag:s8] =	ssyncadd.s32 $0xFFFFFC00  }
0x8cf: {  	_ =	swait.ge [sflag:s8], $0x400  }
0x8d0: {  	[sflag:s8] =	ssyncset.done $0x0  }
0x8d1: {  	[sflag:s8] =	ssyncadd.s32 $0xFFFFFC00  }
0x8d2: {  	_ =	swait.ge [sflag:s8], $0x400  }
0x8d3: {  	[sflag:s8] =	ssyncset.done $0x0  }
0x8d4: {  	[sflag:s8] =	ssyncadd.s32 $0xFFFFFC00  }
0x8d5: {  	_ =	swait.ge [sflag:s8], $0x400  }
0x8d6: {  	[sflag:s8] =	ssyncset.done $0x0  }
0x8d7: {  	[sflag:s8] =	ssyncadd.s32 $0xFFFFFC00  }
0x8d8: {  	_ =	swait.ge [sflag:s8], $0x400  }
0x8d9: {  	[sflag:s8] =	ssyncset.done $0x0  }
0x8da: {  	[sflag:s8] =	ssyncadd.s32 $0xFFFFFC00  }
0x8db: {  	_ =	swait.ge [sflag:s8], $0x400  }
0x8dc: {  	[sflag:s8] =	ssyncset.done $0x0  }
0x8dd: {  	[sflag:s8] =	ssyncadd.s32 $0xFFFFFC00  }
0x8de: {  	_ =	swait.ge [sflag:s8], $0x400  }
0x8df: {  	[sflag:s8] =	ssyncset.done $0x0  }
0x8e0: {  	[sflag:s8] =	ssyncadd.s32 $0xFFFFFC00  }
0x8e1: {  	_ =	swait.ge [sflag:s8], $0x400  }
0x8e2: {  	[sflag:s8] =	ssyncset.done $0x0  }
0x8e3: {  	[sflag:s8] =	ssyncadd.s32 $0xFFFFFC00  }
0x8e4: {  	_ =	swait.ge [sflag:s8], $0x400  }
0x8e5: {  	[sflag:s8] =	ssyncset.done $0x0  }
0x8e6: {  	[sflag:s8] =	ssyncadd.s32 $0xFFFFFC00  }
0x8e7: {  	_ =	swait.ge [sflag:s8], $0x400  }
0x8e8: {  	[sflag:s8] =	ssyncset.done $0x0  }
0x8e9: {  	[sflag:s8] =	ssyncadd.s32 $0xFFFFFC00  }
0x8ea: {  	_ =	swait.ge [sflag:s8], $0x400  }
0x8eb: {  	[sflag:s8] =	ssyncset.done $0x0  }
0x8ec: {  	[sflag:s8] =	ssyncadd.s32 $0xFFFFFC00  }
0x8ed: {  	_ =	swait.ge [sflag:s8], $0x400  }
0x8ee: {  	[sflag:s8] =	ssyncset.done $0x0  }
0x8ef: {  	[sflag:s8] =	ssyncadd.s32 $0xFFFFFC00  }
0x8f0: {  	_ =	swait.ge [sflag:s8], $0x400  }
0x8f1: {  	[sflag:s8] =	ssyncset.done $0x0  }
0x8f2: {  	[sflag:s8] =	ssyncadd.s32 $0xFFFFFC00  }
0x8f3: {  	_ =	swait.ge [sflag:s8], $0x400  }
0x8f4: {  	[sflag:s8] =	ssyncset.done $0x0  }
0x8f5: {  	[sflag:s8] =	ssyncadd.s32 $0xFFFFFC00  }
0x8f6: {  	_ =	swait.ge [sflag:s8], $0x400  }
0x8f7: {  	[sflag:s8] =	ssyncset.done $0x0  }
0x8f8: {  	[sflag:s8] =	ssyncadd.s32 $0xFFFFFC00  }
0x8f9: {  	_ =	swait.ge [sflag:s8], $0x400  }
0x8fa: {  	[sflag:s8] =	ssyncset.done $0x0  }
0x8fb: {  	s11 =	simm.s32 $0x0;
	[sflag:s8] =	ssyncadd.s32 $0xFFFFFC00  }
0x8fc: {  	v62 =	vld [tilespmem:s11+$0x1C0];
	_ =	sdelay $0x4  }
0x8fd: {  	(v2sf) =	vpush v62, $0x0;
	_ =	sdelay $0xe  }
0x8fe: {  	s31 =	spop (v2sf)  }
0x8ff: {  	s12 =	sand.u32 $0x7, s31  }
0x900: {  	s12 =	sshll.u32 s12, $0x7  }
0x901: {  	s13 =	sadd.s32 $0x510, s12  }
0x902: {  	v63 =	vld [tilespmem:s13+$0xFFFFFFF0];
	_ =	sdelay $0x3  }
0x903: {  	s12 =	simm.s32 $0x16500  }
0x904: {  	[tilespmem:s12+$0x0] =	vst v63  }
0x905: {  	v0 =	vld [tilespmem:s13+$0x0];
	_ =	sdelay $0x4  }
0x906: {  	s15 =	simm.s32 $0x1;
	s14 =	simm.s32 $0x8;
	s13 =	simm.s32 $0x510;
	[tilespmem:s12+$0x10] =	vst v0  }
.LBB2_62:
0x907: {  	p0 =	sne.s32 s14, $0x7C;
	v0 =	vld [tilespmem:s15+$0x1C0];
	_ =	sdelay $0x4  }
0x908: {  	(v2sf) =	vpush v0, $0x0;
	_ =	sdelay $0xe  }
0x909: {  	s15 =	spop (v2sf)  }
0x90a: {  	s15 =	sand.u32 $0x7, s15  }
0x90b: {  	s13 =	sadd.s32 $0x400, s13;
	s15 =	sshll.u32 s15, $0x7  }
0x90c: {  	s15 =	sadd.s32 s15, s13  }
0x90d: {  	v0 =	vld [tilespmem:s15+$0xFFFFFFF0];
	_ =	sdelay $0x3  }
0x90e: {  	s12 =	sadd.s32 $0x80, s12  }
0x90f: {  	[tilespmem:s12+$0x0] =	vst v0  }
0x910: {  	v0 =	vld [tilespmem:s15+$0x0]  }
.Ltmp30:
0x911: {  	(pc) =	sbr.rel @p0 .LBB2_62-.Ltmp30, $2  }
0x912: {  	_ =	sdelay $0x2  }
0x913: {  	s15 =	sshra.s32 s14, $0x2;
	s14 =	sadd.s32 $0x4, s14;
	[tilespmem:s12+$0x10] =	vst v0  }
0x914: {  	v0 =	vld [tilespmem:s15+$0x1C0];
	_ =	sdelay $0x4  }
0x915: {  	(v2sf) =	vpush v0, $0x0;
	_ =	sdelay $0xe  }
0x916: {  	s14 =	spop (v2sf)  }
0x917: {  	s14 =	sand.u32 $0x7, s14  }
0x918: {  	s13 =	sadd.s32 $0x400, s13;
	s14 =	sshll.u32 s14, $0x7  }
0x919: {  	s13 =	sadd.s32 s14, s13  }
0x91a: {  	v0 =	vld [tilespmem:s13+$0xFFFFFFF0];
	_ =	sdelay $0x3  }
0x91b: {  	s12 =	sadd.s32 $0x80, s12  }
0x91c: {  	[tilespmem:s12+$0x0] =	vst v0  }
0x91d: {  	v0 =	vld [tilespmem:s13+$0x0];
	_ =	sdelay $0x4  }
0x91e: {  	[tilespmem:s12+$0x10] =	vst v0  }
0x91f: {  	v0 =	vld [tilespmem:s11+$0x460];
	_ =	sdelay $0x4  }
0x920: {  	(v2sf) =	vpush v0, $0x0;
	_ =	sdelay $0xe  }
0x921: {  	s29 =	spop (v2sf)  }
0x922: {  	s11 =	sshll.u32 s29, $0x4  }
0x923: {  	s30 =	sand.u32 $0xFFFFF80, s11  }
0x924: {  	s31 =	simm.s32 $0x1;
	s11 =	simm.s32 $0x500;
	s12 =	sadd.s32 s3, s30  }
0x925: {  	[tilespmem:s11], [sflag:$0x1] =	stream.linear.gather [hbm4b:s12+s2], $0x400, $0x38;
	[tilespmem:$0x18500] =	vst v63  }
0x926: {  	s12 =	simm.s32 $0x8;
	v0 =	vld [tilespmem:s31+$0x460]  }
.LBB2_64:
0x927: {  	p0 =	sne.s32 s12, $0x7C;
	_ =	sdelay $0x3  }
0x928: {  	(v2sf) =	vpush v0, $0x0;
	_ =	sdelay $0xe  }
0x929: {  	s13 =	spop (v2sf)  }
.Ltmp31:
0x92a: {  	s13 =	sshll.u32 s13, $0x4;
	(pc) =	sbr.rel @p0 .LBB2_64-.Ltmp31, $4  }
0x92b: {  	s13 =	sand.u32 $0xFFFFF80, s13  }
0x92c: {  	s14 =	sshra.s32 s12, $0x2;
	s11 =	sadd.s32 $0x400, s11;
	s13 =	sadd.s32 s3, s13  }
0x92d: {  	[tilespmem:s11], [sflag:$0x1] =	stream.linear.gather [hbm4b:s13+s2], $0x400, $0x38;
	[tilespmem:$0x18500] =	vst v63  }
0x92e: {  	s12 =	sadd.s32 $0x4, s12;
	v0 =	vld [tilespmem:s14+$0x460]  }
0x92f: {  	_ =	sdelay $0x3  }
0x930: {  	(v2sf) =	vpush v0, $0x0;
	_ =	sdelay $0xe  }
0x931: {  	s12 =	spop (v2sf)  }
0x932: {  	s12 =	sshll.u32 s12, $0x4  }
0x933: {  	s12 =	sand.u32 $0xFFFFF80, s12  }
0x934: {  	s11 =	sadd.s32 $0x400, s11;
	s12 =	sadd.s32 s3, s12  }
0x935: {  	[tilespmem:s11], [sflag:$0x1] =	stream.linear.gather [hbm4b:s12+s2], $0x400, $0x38;
	[tilespmem:$0x18500] =	vst v63  }
0x936: {  	_ =	swait.ge [sflag:s8], $0x400  }
0x937: {  	[sflag:s8] =	ssyncset.done $0x0  }
0x938: {  	[sflag:s8] =	ssyncadd.s32 $0xFFFFFC00  }
0x939: {  	_ =	swait.ge [sflag:s8], $0x400  }
0x93a: {  	[sflag:s8] =	ssyncset.done $0x0  }
0x93b: {  	[sflag:s8] =	ssyncadd.s32 $0xFFFFFC00  }
0x93c: {  	_ =	swait.ge [sflag:s8], $0x400  }
0x93d: {  	[sflag:s8] =	ssyncset.done $0x0  }
0x93e: {  	[sflag:s8] =	ssyncadd.s32 $0xFFFFFC00  }
0x93f: {  	_ =	swait.ge [sflag:s8], $0x400  }
0x940: {  	[sflag:s8] =	ssyncset.done $0x0  }
0x941: {  	[sflag:s8] =	ssyncadd.s32 $0xFFFFFC00  }
0x942: {  	_ =	swait.ge [sflag:s8], $0x400  }
0x943: {  	[sflag:s8] =	ssyncset.done $0x0  }
0x944: {  	[sflag:s8] =	ssyncadd.s32 $0xFFFFFC00  }
0x945: {  	_ =	swait.ge [sflag:s8], $0x400  }
0x946: {  	[sflag:s8] =	ssyncset.done $0x0  }
0x947: {  	[sflag:s8] =	ssyncadd.s32 $0xFFFFFC00  }
0x948: {  	_ =	swait.ge [sflag:s8], $0x400  }
0x949: {  	[sflag:s8] =	ssyncset.done $0x0  }
0x94a: {  	[sflag:s8] =	ssyncadd.s32 $0xFFFFFC00  }
0x94b: {  	_ =	swait.ge [sflag:s8], $0x400  }
0x94c: {  	[sflag:s8] =	ssyncset.done $0x0  }
0x94d: {  	[sflag:s8] =	ssyncadd.s32 $0xFFFFFC00  }
0x94e: {  	_ =	swait.ge [sflag:s8], $0x400  }
0x94f: {  	[sflag:s8] =	ssyncset.done $0x0  }
0x950: {  	[sflag:s8] =	ssyncadd.s32 $0xFFFFFC00  }
0x951: {  	_ =	swait.ge [sflag:s8], $0x400  }
0x952: {  	[sflag:s8] =	ssyncset.done $0x0  }
0x953: {  	[sflag:s8] =	ssyncadd.s32 $0xFFFFFC00  }
0x954: {  	_ =	swait.ge [sflag:s8], $0x400  }
0x955: {  	[sflag:s8] =	ssyncset.done $0x0  }
0x956: {  	[sflag:s8] =	ssyncadd.s32 $0xFFFFFC00  }
0x957: {  	_ =	swait.ge [sflag:s8], $0x400  }
0x958: {  	[sflag:s8] =	ssyncset.done $0x0  }
0x959: {  	[sflag:s8] =	ssyncadd.s32 $0xFFFFFC00  }
0x95a: {  	_ =	swait.ge [sflag:s8], $0x400  }
0x95b: {  	[sflag:s8] =	ssyncset.done $0x0  }
0x95c: {  	[sflag:s8] =	ssyncadd.s32 $0xFFFFFC00  }
0x95d: {  	_ =	swait.ge [sflag:s8], $0x400  }
0x95e: {  	[sflag:s8] =	ssyncset.done $0x0  }
0x95f: {  	[sflag:s8] =	ssyncadd.s32 $0xFFFFFC00  }
0x960: {  	_ =	swait.ge [sflag:s8], $0x400  }
0x961: {  	[sflag:s8] =	ssyncset.done $0x0  }
0x962: {  	[sflag:s8] =	ssyncadd.s32 $0xFFFFFC00  }
0x963: {  	_ =	swait.ge [sflag:s8], $0x400  }
0x964: {  	[sflag:s8] =	ssyncset.done $0x0  }
0x965: {  	[sflag:s8] =	ssyncadd.s32 $0xFFFFFC00  }
0x966: {  	_ =	swait.ge [sflag:s8], $0x400  }
0x967: {  	[sflag:s8] =	ssyncset.done $0x0  }
0x968: {  	[sflag:s8] =	ssyncadd.s32 $0xFFFFFC00  }
0x969: {  	_ =	swait.ge [sflag:s8], $0x400  }
0x96a: {  	[sflag:s8] =	ssyncset.done $0x0  }
0x96b: {  	[sflag:s8] =	ssyncadd.s32 $0xFFFFFC00  }
0x96c: {  	_ =	swait.ge [sflag:s8], $0x400  }
0x96d: {  	[sflag:s8] =	ssyncset.done $0x0  }
0x96e: {  	[sflag:s8] =	ssyncadd.s32 $0xFFFFFC00  }
0x96f: {  	_ =	swait.ge [sflag:s8], $0x400  }
0x970: {  	[sflag:s8] =	ssyncset.done $0x0  }
0x971: {  	[sflag:s8] =	ssyncadd.s32 $0xFFFFFC00  }
0x972: {  	_ =	swait.ge [sflag:s8], $0x400  }
0x973: {  	[sflag:s8] =	ssyncset.done $0x0  }
0x974: {  	[sflag:s8] =	ssyncadd.s32 $0xFFFFFC00  }
0x975: {  	_ =	swait.ge [sflag:s8], $0x400  }
0x976: {  	[sflag:s8] =	ssyncset.done $0x0  }
0x977: {  	[sflag:s8] =	ssyncadd.s32 $0xFFFFFC00  }
0x978: {  	_ =	swait.ge [sflag:s8], $0x400  }
0x979: {  	[sflag:s8] =	ssyncset.done $0x0  }
0x97a: {  	[sflag:s8] =	ssyncadd.s32 $0xFFFFFC00  }
0x97b: {  	_ =	swait.ge [sflag:s8], $0x400  }
0x97c: {  	[sflag:s8] =	ssyncset.done $0x0  }
0x97d: {  	[sflag:s8] =	ssyncadd.s32 $0xFFFFFC00  }
0x97e: {  	_ =	swait.ge [sflag:s8], $0x400  }
0x97f: {  	[sflag:s8] =	ssyncset.done $0x0  }
0x980: {  	[sflag:s8] =	ssyncadd.s32 $0xFFFFFC00  }
0x981: {  	_ =	swait.ge [sflag:s8], $0x400  }
0x982: {  	[sflag:s8] =	ssyncset.done $0x0  }
0x983: {  	[sflag:s8] =	ssyncadd.s32 $0xFFFFFC00  }
0x984: {  	_ =	swait.ge [sflag:s8], $0x400  }
0x985: {  	[sflag:s8] =	ssyncset.done $0x0  }
0x986: {  	[sflag:s8] =	ssyncadd.s32 $0xFFFFFC00  }
0x987: {  	_ =	swait.ge [sflag:s8], $0x400  }
0x988: {  	[sflag:s8] =	ssyncset.done $0x0  }
0x989: {  	[sflag:s8] =	ssyncadd.s32 $0xFFFFFC00  }
0x98a: {  	_ =	swait.ge [sflag:s8], $0x400  }
0x98b: {  	[sflag:s8] =	ssyncset.done $0x0  }
0x98c: {  	[sflag:s8] =	ssyncadd.s32 $0xFFFFFC00  }
0x98d: {  	_ =	swait.ge [sflag:s8], $0x400  }
0x98e: {  	[sflag:s8] =	ssyncset.done $0x0  }
0x98f: {  	[sflag:s8] =	ssyncadd.s32 $0xFFFFFC00  }
0x990: {  	_ =	swait.ge [sflag:s8], $0x400  }
0x991: {  	[sflag:s8] =	ssyncset.done $0x0  }
0x992: {  	[sflag:s8] =	ssyncadd.s32 $0xFFFFFC00  }
0x993: {  	_ =	swait.ge [sflag:s8], $0x400  }
0x994: {  	[sflag:s8] =	ssyncset.done $0x0  }
0x995: {  	s29 =	simm.s32 $0x0;
	[sflag:s8] =	ssyncadd.s32 $0xFFFFFC00  }
0x996: {  	v62 =	vld [tilespmem:s29+$0x1E0];
	_ =	sdelay $0x4  }
0x997: {  	(v2sf) =	vpush v62, $0x0;
	_ =	sdelay $0xe  }
0x998: {  	s30 =	spop (v2sf)  }
0x999: {  	s11 =	sand.u32 $0x7, s30  }
0x99a: {  	s11 =	sshll.u32 s11, $0x7  }
0x99b: {  	s31 =	sadd.s32 $0x510, s11  }
0x99c: {  	v63 =	vld [tilespmem:s31+$0xFFFFFFF0];
	_ =	sdelay $0x3  }
0x99d: {  	s11 =	simm.s32 $0x17500  }
0x99e: {  	[tilespmem:s11+$0x0] =	vst v63  }
0x99f: {  	v0 =	vld [tilespmem:s31+$0x0];
	_ =	sdelay $0x4  }
0x9a0: {  	s14 =	simm.s32 $0x1;
	s13 =	simm.s32 $0x8;
	s12 =	simm.s32 $0x510;
	[tilespmem:s11+$0x10] =	vst v0  }
.LBB2_66:
0x9a1: {  	p0 =	sne.s32 s13, $0x7C;
	v0 =	vld [tilespmem:s14+$0x1E0];
	_ =	sdelay $0x4  }
0x9a2: {  	(v2sf) =	vpush v0, $0x0;
	_ =	sdelay $0xe  }
0x9a3: {  	s14 =	spop (v2sf)  }
0x9a4: {  	s14 =	sand.u32 $0x7, s14  }
0x9a5: {  	s12 =	sadd.s32 $0x400, s12;
	s14 =	sshll.u32 s14, $0x7  }
0x9a6: {  	s14 =	sadd.s32 s14, s12  }
0x9a7: {  	v0 =	vld [tilespmem:s14+$0xFFFFFFF0];
	_ =	sdelay $0x3  }
0x9a8: {  	s11 =	sadd.s32 $0x80, s11  }
0x9a9: {  	[tilespmem:s11+$0x0] =	vst v0  }
0x9aa: {  	v0 =	vld [tilespmem:s14+$0x0]  }
.Ltmp32:
0x9ab: {  	(pc) =	sbr.rel @p0 .LBB2_66-.Ltmp32, $2  }
0x9ac: {  	_ =	sdelay $0x2  }
0x9ad: {  	s14 =	sshra.s32 s13, $0x2;
	s13 =	sadd.s32 $0x4, s13;
	[tilespmem:s11+$0x10] =	vst v0  }
0x9ae: {  	v0 =	vld [tilespmem:s14+$0x1E0];
	_ =	sdelay $0x4  }
0x9af: {  	(v2sf) =	vpush v0, $0x0;
	_ =	sdelay $0xe  }
0x9b0: {  	s13 =	spop (v2sf)  }
0x9b1: {  	s13 =	sand.u32 $0x7, s13  }
0x9b2: {  	s12 =	sadd.s32 $0x400, s12;
	s13 =	sshll.u32 s13, $0x7  }
0x9b3: {  	s12 =	sadd.s32 s13, s12  }
0x9b4: {  	v63 =	vld [tilespmem:s12+$0xFFFFFFF0];
	_ =	sdelay $0x3  }
0x9b5: {  	s11 =	sadd.s32 $0x80, s11  }
0x9b6: {  	[tilespmem:s11+$0x0] =	vst v63  }
0x9b7: {  	v0 =	vld [tilespmem:s12+$0x0];
	_ =	sdelay $0x2  }
0x9b8: {  	s10 =	sadd.s32 $0x1, s10  }
0x9b9: {  	p0 =	sne.s32 s10, s6  }
.Ltmp33:
0x9ba: {  	[tilespmem:s11+$0x10] =	vst v0;
	(pc) =	sbr.rel @p0 .LBB2_1-.Ltmp33, $4  }
0x9bb: {  	[hbm4b:s5+s2] =	stream.linear.scatter [tilespmem:s9], [sflag:$0x2], $0x10000, $0x38;
	[tilespmem:$0x18500] =	vst v63  }
0x9bc: {  	_ =	swait.ge [sflag:s7], $0x10000  }
0x9bd: {  	[sflag:s7] =	ssyncset.done $0x0  }
0x9be: {  	[sflag:s7] =	ssyncadd.s32 $0xFFFF0000  }
0x9bf: {  	_ =	sfence.sel $0x180000  }
0x9c0: {  	[bflag:$0x0] =	sbarrier.arrive $0xFFFF  }
0x9c1: {  	p0 =	sne.s32 s1, $0x0;
	_ =	strace $0x90000047  }
0x9c2: {  	s0 =	sadd.s32 @!p0 $0x100000, s0;
	[bflag:$0x2] =	sbarrier.arrive $0xFFFF  }
0x9c3: {  	[sflag:s0] =	ssyncadd.tile.s32 @!p0 $0x1;
	_ =	shalt  }
.Lfunc_end2:
_tile_overlayer_lowered:
.L_overlay_start_2:
0x9c4: {  	(tag) =	ssettag $0x2  }
0x9c5: {  	s0 =	rddreg [dreg:$0x0];
	s2 =	stileid.u32  }
0x9c6: {  	s1 =	rddreg [dreg:$0x1];
	p0 =	sne.s32 s2, $0x0  }
0x9c7: {  	s3 =	rddreg [dreg:$0x2];
	[bflag:$0x3] =	sbarrier.arrive $0xFFFF;
	s2 =	simm.s32 @!p0 $0x1C02  }
0x9c8: {  	[timem:s3], [sflag:s2] =	dma.local @!p0 [hbm:s0], s1  }
0x9c9: {  	s0 =	simm.s32 @!p0 $0x2  }
0x9ca: {  	_ =	swait.ge @!p0 [sflag:s0], s1  }
0x9cb: {  	s1 =	ssub.s32 @!p0 $0x0, s1;
	[sflag:s0] =	ssyncset.done @!p0 $0x0  }
0x9cc: {  	[sflag:s0] =	ssyncadd.s32 @!p0 s1  }
0x9cd: {  	[bflag:$0x3] =	sbarrier.arrive $0xFFFF  }
0x9ce: {  	_ =	shalt  }

</sc_bundles>
